<compile_context>
chip_gen: v7x
topology: tpu7x:2x2x1
jax: 0.10.2.dev20260603
libtpu: 0.0.44.dev20260713+nightly
codegen_flags: <defaults>
</compile_context>

<pallas_src>
import functools

import jax
import jax.numpy as jnp
from jax import lax
from jax.experimental import pallas as pl
from jax.experimental.pallas import tpu as pltpu
from jax.experimental.pallas import tpu_sc as plsc

N, E, D = 10000, 320000, 128
PAD = 136
NC, NS = 2, 16
NW = NC * NS
EPW = E // NW
K = 40
NB = EPW // K
RPT = N // NS
LN = 16


def _proj_body(x_ref, wi_ref, wj_ref, pd_ref, ps_ref):
    xb = x_ref[:, :]
    pd_ref[:, :] = jnp.dot(xb, wi_ref[:, :], preferred_element_type=jnp.float32)
    ps_ref[:, :] = jnp.dot(xb, wj_ref[:, :], preferred_element_type=jnp.float32)


def _edge_affine_body(ea_ref, we_ref, b1_ref, a_ref):
    ea = ea_ref[:, :]
    a_ref[:, :] = jnp.dot(ea, we_ref[:, :],
                          preferred_element_type=jnp.float32) + b1_ref[:, :]


def _final_body(hs_ref, x_ref, w2_ref, b2_ref, g1x_ref, g1a_ref, gb1_ref,
                gw2_ref, gb2_ref, o_ref):
    hs = hs_ref[0] + hs_ref[1]
    h = hs[:, :D]
    c = hs[:, D:D + 1]
    hm = h / jnp.maximum(c, 1.0)
    pos = (c > 0.0).astype(jnp.float32)
    aggr = jnp.dot(hm, w2_ref[:, :], preferred_element_type=jnp.float32) \
        + b2_ref[:, :] * pos
    xb = x_ref[:, :]
    u = jnp.dot(xb, g1x_ref[:, :], preferred_element_type=jnp.float32) \
        + jnp.dot(aggr, g1a_ref[:, :], preferred_element_type=jnp.float32) \
        + gb1_ref[:, :]
    u = jnp.where(u > 0.0, u, jnp.exp(jnp.minimum(u, 0.0)) - 1.0)
    o_ref[:, :] = jnp.dot(u, gw2_ref[:, :], preferred_element_type=jnp.float32) \
        + gb2_ref[:, :]


_sc_mesh = plsc.VectorSubcoreMesh(core_axis_name="c", subcore_axis_name="s")


@functools.partial(
    pl.kernel,
    out_type=jax.ShapeDtypeStruct((NC, N, PAD), jnp.float32),
    mesh=_sc_mesh,
    scratch_types=[
        pltpu.VMEM((2, 2, K), jnp.int32),
        pltpu.VMEM((2, K), jnp.int32),
        pltpu.VMEM((2, K, D), jnp.float32),
        pltpu.VMEM((2, K, D), jnp.float32),
        pltpu.VMEM((2, K, D), jnp.float32),
        pltpu.VMEM((2, K, PAD), jnp.float32),
        pltpu.VMEM_SHARED((N, PAD), jnp.float32),
        pltpu.SemaphoreType.DMA,
        pltpu.SemaphoreType.DMA,
        pltpu.SemaphoreType.DMA,
        pltpu.SemaphoreType.DMA,
        pltpu.SemaphoreType.DMA,
        pltpu.SemaphoreType.DMA,
        pltpu.SemaphoreType.DMA,
        pltpu.SemaphoreType.DMA,
    ],
    compiler_params=pltpu.CompilerParams(use_tc_tiling_on_sc=False),
)
def _sc_accumulate(pd_hbm, ps_hbm, a_hbm, ei_hbm, dst_hbm, z_hbm, hinit_hbm,
                   out_hbm, gidx, sidx, gd, gs, ab, hb, acc,
                   gi0, gi1, di0, di1, sg0, sg1, ss0, ss1):
    cid = lax.axis_index("c")
    tid = lax.axis_index("s")
    wid = cid * NS + tid
    b0 = wid * NB
    sem_i, sem_d = (gi0, gi1), (di0, di1)
    sem_g, sem_s = (sg0, sg1), (ss0, ss1)

    pltpu.sync_copy(hinit_hbm, hb.at[0])
    pltpu.sync_copy(hinit_hbm, hb.at[1])

    pltpu.sync_copy(z_hbm, acc.at[pl.ds(tid * RPT, RPT)])
    plsc.subcore_barrier()

    def issue_gathers(b, s):
        pltpu.async_copy(a_hbm.at[pl.ds((b0 + b) * K, K)], ab.at[s], sem_g[s])
        pltpu.async_copy(pd_hbm.at[gidx.at[s, 0]], gd.at[s], sem_g[s])
        pltpu.async_copy(ps_hbm.at[gidx.at[s, 1]], gs.at[s], sem_g[s])

    def wait_gathers(s):
        pltpu.make_async_copy(a_hbm.at[pl.ds(0, K)], ab.at[s], sem_g[s]).wait()
        pltpu.make_async_copy(pd_hbm.at[gidx.at[s, 0]], gd.at[s], sem_g[s]).wait()
        pltpu.make_async_copy(ps_hbm.at[gidx.at[s, 1]], gs.at[s], sem_g[s]).wait()

    pltpu.sync_copy(ei_hbm.at[pl.ds(b0, 1)], gidx.at[pl.ds(0, 1)])
    issue_gathers(0, 0)
    pltpu.async_copy(dst_hbm.at[pl.ds(b0, 1)], sidx.at[pl.ds(0, 1)], sem_d[0])
    pltpu.async_copy(ei_hbm.at[pl.ds(b0 + 1, 1)], gidx.at[pl.ds(1, 1)],
                     sem_i[1])

    @pl.loop(0, NB // 2)
    def _pair(g):
        for s in range(2):
            b = 2 * g + s
            ns = 1 - s

            @pl.when(b + 1 < NB)
            def _():
                pltpu.make_async_copy(ei_hbm.at[pl.ds(0, 1)],
                                      gidx.at[pl.ds(ns, 1)], sem_i[ns]).wait()
                issue_gathers(b + 1, ns)

                @pl.when(b >= 1)
                def _():
                    pltpu.make_async_copy(hb.at[ns], acc.at[sidx.at[ns]],
                                          sem_s[ns]).wait()
                pltpu.async_copy(dst_hbm.at[pl.ds(b0 + b + 1, 1)],
                                 sidx.at[pl.ds(ns, 1)], sem_d[ns])

            wait_gathers(s)

            @pl.when(b + 2 < NB)
            def _():
                pltpu.async_copy(ei_hbm.at[pl.ds(b0 + b + 2, 1)],
                                 gidx.at[pl.ds(s, 1)], sem_i[s])

            @plsc.parallel_loop(0, K, unroll=4)
            def _edge(e):
                for j in range(D // LN):
                    sl = pl.ds(j * LN, LN)
                    t = gd[s, e, sl] + gs[s, e, sl] + ab[s, e, sl]
                    neg = jnp.exp(t) - 1.0
                    hb[s, e, sl] = jnp.where(t > 0.0, t, neg)

            pltpu.make_async_copy(dst_hbm.at[pl.ds(0, 1)],
                                  sidx.at[pl.ds(s, 1)], sem_d[s]).wait()
            pltpu.async_copy(hb.at[s], acc.at[sidx.at[s]], sem_s[s], add=True)

    for s in range(2):
        pltpu.make_async_copy(hb.at[s], acc.at[sidx.at[s]], sem_s[s]).wait()

    plsc.subcore_barrier()
    row0 = tid * RPT
    pltpu.sync_copy(acc.at[pl.ds(row0, RPT)], out_hbm.at[cid, pl.ds(row0, RPT)])


def kernel(x, edge_index, edge_attr, phi_W1, phi_b1, phi_W2, phi_b2,
           gam_W1, gam_b1, gam_W2, gam_b2):
    w1i, w1j, w1e = phi_W1[:D], phi_W1[D:2 * D], phi_W1[2 * D:]
    g1x, g1a = gam_W1[:D], gam_W1[D:]
    src2d = edge_index[0].reshape(E // K, K)
    dst2d = edge_index[1].reshape(E // K, K)
    ei2 = jnp.stack([dst2d, src2d], axis=1)
    zeros = jnp.zeros((RPT, PAD), jnp.float32)
    hinit = jnp.zeros((K, PAD), jnp.float32).at[:, D].set(1.0)

    pd, ps = pl.pallas_call(
        _proj_body,
        grid=(10,),
        in_specs=[pl.BlockSpec((N // 10, D), lambda i: (i, 0)),
                  pl.BlockSpec((D, D), lambda i: (0, 0)),
                  pl.BlockSpec((D, D), lambda i: (0, 0))],
        out_specs=[pl.BlockSpec((N // 10, D), lambda i: (i, 0))] * 2,
        out_shape=[jax.ShapeDtypeStruct((N, D), jnp.float32)] * 2,
    )(x, w1i, w1j)

    BA = 4000
    abf = pl.pallas_call(
        _edge_affine_body,
        grid=(E // BA,),
        in_specs=[pl.BlockSpec((BA, 4), lambda i: (i, 0)),
                  pl.BlockSpec((4, D), lambda i: (0, 0)),
                  pl.BlockSpec((1, D), lambda i: (0, 0))],
        out_specs=pl.BlockSpec((BA, D), lambda i: (i, 0)),
        out_shape=jax.ShapeDtypeStruct((E, D), jnp.float32),
    )(edge_attr, w1e, phi_b1.reshape(1, D))

    hs2 = _sc_accumulate(pd, ps, abf, ei2, dst2d, zeros, hinit)

    BF = 1000
    out = pl.pallas_call(
        _final_body,
        grid=(N // BF,),
        in_specs=[pl.BlockSpec((NC, BF, PAD), lambda i: (0, i, 0)),
                  pl.BlockSpec((BF, D), lambda i: (i, 0)),
                  pl.BlockSpec((D, D), lambda i: (0, 0)),
                  pl.BlockSpec((1, D), lambda i: (0, 0)),
                  pl.BlockSpec((D, D), lambda i: (0, 0)),
                  pl.BlockSpec((D, D), lambda i: (0, 0)),
                  pl.BlockSpec((1, D), lambda i: (0, 0)),
                  pl.BlockSpec((D, D), lambda i: (0, 0)),
                  pl.BlockSpec((1, D), lambda i: (0, 0))],
        out_specs=pl.BlockSpec((BF, D), lambda i: (i, 0)),
        out_shape=jax.ShapeDtypeStruct((N, D), jnp.float32),
    )(hs2, x, phi_W2, phi_b2.reshape(1, D), g1x, g1a,
      gam_b1.reshape(1, D), gam_W2, gam_b2.reshape(1, D))

    return out

# --- scband reference (transcript-rebuilt; emitter-appended) ---
"""Pipeline reference for scband-gns-12360915878662 (READ-ONLY COPY).

The authoritative reference and input builder live on the scoring server;
editing this copy changes nothing except your own understanding.
"""

import jax, jax.numpy as jnp
import numpy as np

N, E, D, DE, H = 10000, 320000, 128, 4, 128
IN_CH = 2 * D + DE  # 260, message MLP input (x_i, x_j, edge_attr)
UP_CH = 2 * D       # 256, update MLP input (x, aggr)

def _linear_init(key, fan_in, fan_out):
    k1, k2 = jax.random.split(key)
    s = 1.0 / np.sqrt(fan_in)
    W = jax.random.uniform(k1, (fan_in, fan_out), minval=-s, maxval=s, dtype=jnp.float32)
    b = jax.random.uniform(k2, (fan_out,), minval=-s, maxval=s, dtype=jnp.float32)
    return W, b

def setup_inputs(seed: int = 0) -> dict:
    key = jax.random.key(seed)
    ks = jax.random.split(key, 8)
    x = jax.random.normal(ks[0], (N, D), dtype=jnp.float32)
    edge_index = jax.random.randint(ks[1], (2, E), 0, N)
    edge_attr = jax.random.normal(ks[2], (E, DE), dtype=jnp.float32)
    phi_W1, phi_b1 = _linear_init(ks[3], IN_CH, H)
    phi_W2, phi_b2 = _linear_init(ks[4], H, D)
    gam_W1, gam_b1 = _linear_init(ks[5], UP_CH, H)
    gam_W2, gam_b2 = _linear_init(ks[6], H, D)
    return {"x": x, "edge_index": edge_index, "edge_attr": edge_attr,
            "phi_W1": phi_W1, "phi_b1": phi_b1, "phi_W2": phi_W2, "phi_b2": phi_b2,
            "gam_W1": gam_W1, "gam_b1": gam_b1, "gam_W2": gam_W2, "gam_b2": gam_b2}

def reference(x, edge_index, edge_attr, phi_W1, phi_b1, phi_W2, phi_b2, gam_W1, gam_b1, gam_W2, gam_b2):
    n = x.shape[0]
    src = edge_index[0]  # x_j (source / neighbor)
    dst = edge_index[1]  # x_i (target / aggregation node)
    x_j = jnp.take(x, src, axis=0)
    x_i = jnp.take(x, dst, axis=0)
    # message MLP phi (GNSMLP: Linear -> ELU -> Linear, dropout p=0)
    h = jnp.concatenate([x_i, x_j, edge_attr], axis=1)
    h = jax.nn.elu(h @ phi_W1 + phi_b1)
    msg = h @ phi_W2 + phi_b2
    # mean aggregation at destination nodes (PyG aggr='mean')
    summed = jax.ops.segment_sum(msg, dst, num_segments=n)
    cnt = jax.ops.segment_sum(jnp.ones((dst.shape[0], 1), dtype=x.dtype), dst, num_segments=n)
    aggr = summed / jnp.maximum(cnt, 1.0)
    # update MLP gamma on cat[x, aggr]
    u = jnp.concatenate([x, aggr], axis=1)
    u = jax.nn.elu(u @ gam_W1 + gam_b1)
    out = u @ gam_W2 + gam_b2
    return out

if __name__ == "__main__":
    import jax
    _d = setup_inputs()
    print(jax.jit(kernel)(*tuple(_d.values())))

</pallas_src>

<mosaic_0001>
#map = affine_map<(d0, d1) -> (0, 0)>
#map1 = affine_map<(d0, d1) -> (0, 0, 0)>
module attributes {stable_mosaic.version = 14 : i64} {
  func.func @_sc_accumulate(%arg0: i32, %arg1: i32, %arg2: memref<10000x128xf32, #tpu.memory_space<hbm>>, %arg3: memref<10000x128xf32, #tpu.memory_space<hbm>>, %arg4: memref<320000x128xf32, #tpu.memory_space<hbm>>, %arg5: memref<8000x2x40xi32, #tpu.memory_space<hbm>>, %arg6: memref<8000x40xi32, #tpu.memory_space<hbm>>, %arg7: memref<625x136xf32, #tpu.memory_space<hbm>>, %arg8: memref<40x136xf32, #tpu.memory_space<hbm>>, %arg9: memref<2x10000x136xf32, #tpu.memory_space<hbm>>, %arg10: memref<2x2x40xi32, #tpu.memory_space<vmem>>, %arg11: memref<2x40xi32, #tpu.memory_space<vmem>>, %arg12: memref<2x40x128xf32, #tpu.memory_space<vmem>>, %arg13: memref<2x40x128xf32, #tpu.memory_space<vmem>>, %arg14: memref<2x40x128xf32, #tpu.memory_space<vmem>>, %arg15: memref<2x40x136xf32, #tpu.memory_space<vmem>>, %arg16: memref<10000x136xf32, #tpu.memory_space<vmem_shared>>, %arg17: memref<!tpu.dma_semaphore, #tpu.memory_space<semaphore_mem>>, %arg18: memref<!tpu.dma_semaphore, #tpu.memory_space<semaphore_mem>>, %arg19: memref<!tpu.dma_semaphore, #tpu.memory_space<semaphore_mem>>, %arg20: memref<!tpu.dma_semaphore, #tpu.memory_space<semaphore_mem>>, %arg21: memref<!tpu.dma_semaphore, #tpu.memory_space<semaphore_mem>>, %arg22: memref<!tpu.dma_semaphore, #tpu.memory_space<semaphore_mem>>, %arg23: memref<!tpu.dma_semaphore, #tpu.memory_space<semaphore_mem>>, %arg24: memref<!tpu.dma_semaphore, #tpu.memory_space<semaphore_mem>>) attributes {dimension_semantics = [#tpu.dimension_semantics<core_parallel>, #tpu.dimension_semantics<subcore_parallel>], iteration_bounds = array<i64: 2, 16>, scalar_prefetch = 0 : i64, scratch_operands = 15 : i64, tpu.core_type = #tpu.core_type<sc_vector_subcore>, window_params = [{transform_indices = #map}, {transform_indices = #map}, {transform_indices = #map}, {transform_indices = #map1}, {transform_indices = #map}, {transform_indices = #map}, {transform_indices = #map}, {transform_indices = #map1}]} {
    %mul3A = arith.constant 16 : i32
    %mul3A_0 = arith.muli %arg0, %mul3A : i32
    %add3A = arith.addi %mul3A_0, %arg1 : i32
    %mul3A_1 = arith.constant 250 : i32
    %mul3A_2 = arith.muli %add3A, %mul3A_1 : i32
    %run_scoped3A = arith.constant 0 : i32
    "tpu.region"() ({
      %run_scoped3A_104 = tpu.sem_alloc : memref<!tpu.dma_semaphore, #tpu.memory_space<semaphore_mem>>
      %dma_start3A_105 = arith.constant 0 : i32
      %dma_start3A_106 = arith.constant 0 : i32
      %dma_start3A_107 = tpu.memref_slice %arg15[%run_scoped3A, %dma_start3A_105, %dma_start3A_106] : memref<2x40x136xf32, #tpu.memory_space<vmem>> -> memref<1x40x136xf32, #tpu.memory_space<vmem>>
      %dma_start3A_108 = tpu.memref_squeeze %dma_start3A_107 : memref<1x40x136xf32, #tpu.memory_space<vmem>> -> memref<40x136xf32, #tpu.memory_space<vmem>>
      %dma_start3A_109 = arith.constant 0 : i32
      %dma_start3A_110 = arith.constant 0 : i32
      %dma_start3A_111 = tpu.memref_slice %arg15[%run_scoped3A, %dma_start3A_109, %dma_start3A_110] : memref<2x40x136xf32, #tpu.memory_space<vmem>> -> memref<1x40x136xf32, #tpu.memory_space<vmem>>
      %dma_start3A_112 = tpu.memref_squeeze %dma_start3A_111 : memref<1x40x136xf32, #tpu.memory_space<vmem>> -> memref<40x136xf32, #tpu.memory_space<vmem>>
      tpu.enqueue_dma source(%arg8 : memref<40x136xf32, #tpu.memory_space<hbm>>) target(%dma_start3A_112 : memref<40x136xf32, #tpu.memory_space<vmem>>) target_semaphore(%run_scoped3A_104 : memref<!tpu.dma_semaphore, #tpu.memory_space<semaphore_mem>>)
      %dma_wait3A_113 = arith.constant 0 : i32
      %dma_wait3A_114 = arith.constant 0 : i32
      %dma_wait3A_115 = tpu.memref_slice %arg15[%run_scoped3A, %dma_wait3A_113, %dma_wait3A_114] : memref<2x40x136xf32, #tpu.memory_space<vmem>> -> memref<1x40x136xf32, #tpu.memory_space<vmem>>
      %dma_wait3A_116 = tpu.memref_squeeze %dma_wait3A_115 : memref<1x40x136xf32, #tpu.memory_space<vmem>> -> memref<40x136xf32, #tpu.memory_space<vmem>>
      %dma_wait3A_117 = arith.constant 0 : i32
      %dma_wait3A_118 = arith.constant 0 : i32
      %dma_wait3A_119 = tpu.memref_slice %arg15[%run_scoped3A, %dma_wait3A_117, %dma_wait3A_118] : memref<2x40x136xf32, #tpu.memory_space<vmem>> -> memref<1x40x136xf32, #tpu.memory_space<vmem>>
      %dma_wait3A_120 = tpu.memref_squeeze %dma_wait3A_119 : memref<1x40x136xf32, #tpu.memory_space<vmem>> -> memref<40x136xf32, #tpu.memory_space<vmem>>
      tpu.wait_dma2 semaphore(%run_scoped3A_104 : memref<!tpu.dma_semaphore, #tpu.memory_space<semaphore_mem>>) src(%arg8 : memref<40x136xf32, #tpu.memory_space<hbm>>) dst(%dma_wait3A_120 : memref<40x136xf32, #tpu.memory_space<vmem>>)
      tpu.yield
    }) : () -> ()
    %run_scoped3A_3 = arith.constant 1 : i32
    "tpu.region"() ({
      %run_scoped3A_104 = tpu.sem_alloc : memref<!tpu.dma_semaphore, #tpu.memory_space<semaphore_mem>>
      %dma_start3A_105 = arith.constant 0 : i32
      %dma_start3A_106 = arith.constant 0 : i32
      %dma_start3A_107 = tpu.memref_slice %arg15[%run_scoped3A_3, %dma_start3A_105, %dma_start3A_106] : memref<2x40x136xf32, #tpu.memory_space<vmem>> -> memref<1x40x136xf32, #tpu.memory_space<vmem>>
      %dma_start3A_108 = tpu.memref_squeeze %dma_start3A_107 : memref<1x40x136xf32, #tpu.memory_space<vmem>> -> memref<40x136xf32, #tpu.memory_space<vmem>>
      %dma_start3A_109 = arith.constant 0 : i32
      %dma_start3A_110 = arith.constant 0 : i32
      %dma_start3A_111 = tpu.memref_slice %arg15[%run_scoped3A_3, %dma_start3A_109, %dma_start3A_110] : memref<2x40x136xf32, #tpu.memory_space<vmem>> -> memref<1x40x136xf32, #tpu.memory_space<vmem>>
      %dma_start3A_112 = tpu.memref_squeeze %dma_start3A_111 : memref<1x40x136xf32, #tpu.memory_space<vmem>> -> memref<40x136xf32, #tpu.memory_space<vmem>>
      tpu.enqueue_dma source(%arg8 : memref<40x136xf32, #tpu.memory_space<hbm>>) target(%dma_start3A_112 : memref<40x136xf32, #tpu.memory_space<vmem>>) target_semaphore(%run_scoped3A_104 : memref<!tpu.dma_semaphore, #tpu.memory_space<semaphore_mem>>)
      %dma_wait3A_113 = arith.constant 0 : i32
      %dma_wait3A_114 = arith.constant 0 : i32
      %dma_wait3A_115 = tpu.memref_slice %arg15[%run_scoped3A_3, %dma_wait3A_113, %dma_wait3A_114] : memref<2x40x136xf32, #tpu.memory_space<vmem>> -> memref<1x40x136xf32, #tpu.memory_space<vmem>>
      %dma_wait3A_116 = tpu.memref_squeeze %dma_wait3A_115 : memref<1x40x136xf32, #tpu.memory_space<vmem>> -> memref<40x136xf32, #tpu.memory_space<vmem>>
      %dma_wait3A_117 = arith.constant 0 : i32
      %dma_wait3A_118 = arith.constant 0 : i32
      %dma_wait3A_119 = tpu.memref_slice %arg15[%run_scoped3A_3, %dma_wait3A_117, %dma_wait3A_118] : memref<2x40x136xf32, #tpu.memory_space<vmem>> -> memref<1x40x136xf32, #tpu.memory_space<vmem>>
      %dma_wait3A_120 = tpu.memref_squeeze %dma_wait3A_119 : memref<1x40x136xf32, #tpu.memory_space<vmem>> -> memref<40x136xf32, #tpu.memory_space<vmem>>
      tpu.wait_dma2 semaphore(%run_scoped3A_104 : memref<!tpu.dma_semaphore, #tpu.memory_space<semaphore_mem>>) src(%arg8 : memref<40x136xf32, #tpu.memory_space<hbm>>) dst(%dma_wait3A_120 : memref<40x136xf32, #tpu.memory_space<vmem>>)
      tpu.yield
    }) : () -> ()
    %mul3A_4 = arith.constant 625 : i32
    %mul3A_5 = arith.muli %arg1, %mul3A_4 : i32
    "tpu.region"() ({
      %run_scoped3A_104 = tpu.sem_alloc : memref<!tpu.dma_semaphore, #tpu.memory_space<semaphore_mem>>
      %dma_start3A_105 = arith.constant 0 : i32
      %dma_start3A_106 = tpu.memref_slice %arg16[%mul3A_5, %dma_start3A_105] : memref<10000x136xf32, #tpu.memory_space<vmem_shared>> -> memref<625x136xf32, #tpu.memory_space<vmem_shared>>
      tpu.enqueue_dma source(%arg7 : memref<625x136xf32, #tpu.memory_space<hbm>>) target(%dma_start3A_106 : memref<625x136xf32, #tpu.memory_space<vmem_shared>>) target_semaphore(%run_scoped3A_104 : memref<!tpu.dma_semaphore, #tpu.memory_space<semaphore_mem>>)
      %dma_wait3A_107 = arith.constant 0 : i32
      %dma_wait3A_108 = tpu.memref_slice %arg16[%mul3A_5, %dma_wait3A_107] : memref<10000x136xf32, #tpu.memory_space<vmem_shared>> -> memref<625x136xf32, #tpu.memory_space<vmem_shared>>
      tpu.wait_dma2 semaphore(%run_scoped3A_104 : memref<!tpu.dma_semaphore, #tpu.memory_space<semaphore_mem>>) src(%arg7 : memref<625x136xf32, #tpu.memory_space<hbm>>) dst(%dma_wait3A_108 : memref<625x136xf32, #tpu.memory_space<vmem_shared>>)
      tpu.yield
    }) : () -> ()
    %barrier3A = arith.constant 0 : index
    tpu.barrier barrier_id(%barrier3A)
    "tpu.region"() ({
      %run_scoped3A_104 = tpu.sem_alloc : memref<!tpu.dma_semaphore, #tpu.memory_space<semaphore_mem>>
      %dma_start3A_105 = arith.constant 0 : i32
      %dma_start3A_106 = arith.constant 0 : i32
      %dma_start3A_107 = arith.constant 0 : i32
      %dma_start3A_108 = tpu.memref_slice %arg10[%dma_start3A_105, %dma_start3A_106, %dma_start3A_107] : memref<2x2x40xi32, #tpu.memory_space<vmem>> -> memref<1x2x40xi32, #tpu.memory_space<vmem>>
      %dma_start3A_109 = arith.constant 0 : i32
      %dma_start3A_110 = arith.constant 0 : i32
      %dma_start3A_111 = tpu.memref_slice %arg5[%mul3A_2, %dma_start3A_109, %dma_start3A_110] : memref<8000x2x40xi32, #tpu.memory_space<hbm>> -> memref<1x2x40xi32, #tpu.memory_space<hbm>>
      %dma_start3A_112 = arith.constant 0 : i32
      %dma_start3A_113 = arith.constant 0 : i32
      %dma_start3A_114 = arith.constant 0 : i32
      %dma_start3A_115 = tpu.memref_slice %arg10[%dma_start3A_112, %dma_start3A_113, %dma_start3A_114] : memref<2x2x40xi32, #tpu.memory_space<vmem>> -> memref<1x2x40xi32, #tpu.memory_space<vmem>>
      %dma_start3A_116 = arith.constant 0 : i32
      %dma_start3A_117 = arith.constant 0 : i32
      %dma_start3A_118 = tpu.memref_slice %arg5[%mul3A_2, %dma_start3A_116, %dma_start3A_117] : memref<8000x2x40xi32, #tpu.memory_space<hbm>> -> memref<1x2x40xi32, #tpu.memory_space<hbm>>
      tpu.enqueue_dma source(%dma_start3A_118 : memref<1x2x40xi32, #tpu.memory_space<hbm>>) target(%dma_start3A_115 : memref<1x2x40xi32, #tpu.memory_space<vmem>>) target_semaphore(%run_scoped3A_104 : memref<!tpu.dma_semaphore, #tpu.memory_space<semaphore_mem>>)
      %dma_wait3A_119 = arith.constant 0 : i32
      %dma_wait3A_120 = arith.constant 0 : i32
      %dma_wait3A_121 = arith.constant 0 : i32
      %dma_wait3A_122 = tpu.memref_slice %arg10[%dma_wait3A_119, %dma_wait3A_120, %dma_wait3A_121] : memref<2x2x40xi32, #tpu.memory_space<vmem>> -> memref<1x2x40xi32, #tpu.memory_space<vmem>>
      %dma_wait3A_123 = arith.constant 0 : i32
      %dma_wait3A_124 = arith.constant 0 : i32
      %dma_wait3A_125 = tpu.memref_slice %arg5[%mul3A_2, %dma_wait3A_123, %dma_wait3A_124] : memref<8000x2x40xi32, #tpu.memory_space<hbm>> -> memref<1x2x40xi32, #tpu.memory_space<hbm>>
      %dma_wait3A_126 = arith.constant 0 : i32
      %dma_wait3A_127 = arith.constant 0 : i32
      %dma_wait3A_128 = arith.constant 0 : i32
      %dma_wait3A_129 = tpu.memref_slice %arg10[%dma_wait3A_126, %dma_wait3A_127, %dma_wait3A_128] : memref<2x2x40xi32, #tpu.memory_space<vmem>> -> memref<1x2x40xi32, #tpu.memory_space<vmem>>
      %dma_wait3A_130 = arith.constant 0 : i32
      %dma_wait3A_131 = arith.constant 0 : i32
      %dma_wait3A_132 = tpu.memref_slice %arg5[%mul3A_2, %dma_wait3A_130, %dma_wait3A_131] : memref<8000x2x40xi32, #tpu.memory_space<hbm>> -> memref<1x2x40xi32, #tpu.memory_space<hbm>>
      tpu.wait_dma2 semaphore(%run_scoped3A_104 : memref<!tpu.dma_semaphore, #tpu.memory_space<semaphore_mem>>) src(%dma_wait3A_132 : memref<1x2x40xi32, #tpu.memory_space<hbm>>) dst(%dma_wait3A_129 : memref<1x2x40xi32, #tpu.memory_space<vmem>>)
      tpu.yield
    }) : () -> ()
    %add3A_6 = arith.constant 0 : i32
    %add3A_7 = arith.addi %mul3A_2, %add3A_6 : i32
    %mul3A_8 = arith.constant 40 : i32
    %mul3A_9 = arith.muli %add3A_7, %mul3A_8 : i32
    %dma_start3A = arith.constant 0 : i32
    %dma_start3A_10 = arith.constant 0 : i32
    %dma_start3A_11 = arith.constant 0 : i32
    %dma_start3A_12 = tpu.memref_slice %arg14[%dma_start3A, %dma_start3A_10, %dma_start3A_11] : memref<2x40x128xf32, #tpu.memory_space<vmem>> -> memref<1x40x128xf32, #tpu.memory_space<vmem>>
    %dma_start3A_13 = tpu.memref_squeeze %dma_start3A_12 : memref<1x40x128xf32, #tpu.memory_space<vmem>> -> memref<40x128xf32, #tpu.memory_space<vmem>>
    %dma_start3A_14 = arith.constant 0 : i32
    %dma_start3A_15 = tpu.memref_slice %arg4[%mul3A_9, %dma_start3A_14] : memref<320000x128xf32, #tpu.memory_space<hbm>> -> memref<40x128xf32, #tpu.memory_space<hbm>>
    %dma_start3A_16 = arith.constant 0 : i32
    %dma_start3A_17 = arith.constant 0 : i32
    %dma_start3A_18 = tpu.memref_slice %arg14[%dma_start3A, %dma_start3A_16, %dma_start3A_17] : memref<2x40x128xf32, #tpu.memory_space<vmem>> -> memref<1x40x128xf32, #tpu.memory_space<vmem>>
    %dma_start3A_19 = tpu.memref_squeeze %dma_start3A_18 : memref<1x40x128xf32, #tpu.memory_space<vmem>> -> memref<40x128xf32, #tpu.memory_space<vmem>>
    %dma_start3A_20 = arith.constant 0 : i32
    %dma_start3A_21 = tpu.memref_slice %arg4[%mul3A_9, %dma_start3A_20] : memref<320000x128xf32, #tpu.memory_space<hbm>> -> memref<40x128xf32, #tpu.memory_space<hbm>>
    tpu.enqueue_dma source(%dma_start3A_21 : memref<40x128xf32, #tpu.memory_space<hbm>>) target(%dma_start3A_19 : memref<40x128xf32, #tpu.memory_space<vmem>>) target_semaphore(%arg21 : memref<!tpu.dma_semaphore, #tpu.memory_space<semaphore_mem>>)
    %dma_start3A_22 = arith.constant 0 : i32
    %dma_start3A_23 = arith.constant 0 : i32
    %dma_start3A_24 = arith.constant 0 : i32
    %dma_start3A_25 = arith.constant 0 : i32
    %dma_start3A_26 = arith.constant 0 : i32
    %dma_start3A_27 = tpu.memref_slice %arg12[%dma_start3A_24, %dma_start3A_25, %dma_start3A_26] : memref<2x40x128xf32, #tpu.memory_space<vmem>> -> memref<1x40x128xf32, #tpu.memory_space<vmem>>
    %dma_start3A_28 = tpu.memref_squeeze %dma_start3A_27 : memref<1x40x128xf32, #tpu.memory_space<vmem>> -> memref<40x128xf32, #tpu.memory_space<vmem>>
    %dma_start3A_29 = arith.constant 0 : i32
    %dma_start3A_30 = tpu.memref_slice %arg10[%dma_start3A_22, %dma_start3A_23, %dma_start3A_29] : memref<2x2x40xi32, #tpu.memory_space<vmem>> -> memref<1x1x40xi32, #tpu.memory_space<vmem>>
    %dma_start3A_31 = tpu.memref_squeeze %dma_start3A_30 : memref<1x1x40xi32, #tpu.memory_space<vmem>> -> memref<40xi32, #tpu.memory_space<vmem>>
    %dma_start3A_32 = arith.constant 0 : i32
    %dma_start3A_33 = arith.constant 0 : i32
    %dma_start3A_34 = tpu.memref_slice %arg2[%dma_start3A_32, %dma_start3A_33] : memref<10000x128xf32, #tpu.memory_space<hbm>> -> memref<10000x128xf32, #tpu.memory_space<hbm>>
    tpu.enqueue_indirect_dma source(%dma_start3A_34 : memref<10000x128xf32, #tpu.memory_space<hbm>>) target(%dma_start3A_28 : memref<40x128xf32, #tpu.memory_space<vmem>>) offsets(%dma_start3A_31 : memref<40xi32, #tpu.memory_space<vmem>>) semaphore(%arg21 : memref<!tpu.dma_semaphore, #tpu.memory_space<semaphore_mem>>)
    %dma_start3A_35 = arith.constant 0 : i32
    %dma_start3A_36 = arith.constant 1 : i32
    %dma_start3A_37 = arith.constant 0 : i32
    %dma_start3A_38 = arith.constant 0 : i32
    %dma_start3A_39 = arith.constant 0 : i32
    %dma_start3A_40 = tpu.memref_slice %arg13[%dma_start3A_37, %dma_start3A_38, %dma_start3A_39] : memref<2x40x128xf32, #tpu.memory_space<vmem>> -> memref<1x40x128xf32, #tpu.memory_space<vmem>>
    %dma_start3A_41 = tpu.memref_squeeze %dma_start3A_40 : memref<1x40x128xf32, #tpu.memory_space<vmem>> -> memref<40x128xf32, #tpu.memory_space<vmem>>
    %dma_start3A_42 = arith.constant 0 : i32
    %dma_start3A_43 = tpu.memref_slice %arg10[%dma_start3A_35, %dma_start3A_36, %dma_start3A_42] : memref<2x2x40xi32, #tpu.memory_space<vmem>> -> memref<1x1x40xi32, #tpu.memory_space<vmem>>
    %dma_start3A_44 = tpu.memref_squeeze %dma_start3A_43 : memref<1x1x40xi32, #tpu.memory_space<vmem>> -> memref<40xi32, #tpu.memory_space<vmem>>
    %dma_start3A_45 = arith.constant 0 : i32
    %dma_start3A_46 = arith.constant 0 : i32
    %dma_start3A_47 = tpu.memref_slice %arg3[%dma_start3A_45, %dma_start3A_46] : memref<10000x128xf32, #tpu.memory_space<hbm>> -> memref<10000x128xf32, #tpu.memory_space<hbm>>
    tpu.enqueue_indirect_dma source(%dma_start3A_47 : memref<10000x128xf32, #tpu.memory_space<hbm>>) target(%dma_start3A_41 : memref<40x128xf32, #tpu.memory_space<vmem>>) offsets(%dma_start3A_44 : memref<40xi32, #tpu.memory_space<vmem>>) semaphore(%arg21 : memref<!tpu.dma_semaphore, #tpu.memory_space<semaphore_mem>>)
    %dma_start3A_48 = arith.constant 0 : i32
    %dma_start3A_49 = arith.constant 0 : i32
    %dma_start3A_50 = tpu.memref_slice %arg11[%dma_start3A_48, %dma_start3A_49] : memref<2x40xi32, #tpu.memory_space<vmem>> -> memref<1x40xi32, #tpu.memory_space<vmem>>
    %dma_start3A_51 = arith.constant 0 : i32
    %dma_start3A_52 = tpu.memref_slice %arg6[%mul3A_2, %dma_start3A_51] : memref<8000x40xi32, #tpu.memory_space<hbm>> -> memref<1x40xi32, #tpu.memory_space<hbm>>
    %dma_start3A_53 = arith.constant 0 : i32
    %dma_start3A_54 = arith.constant 0 : i32
    %dma_start3A_55 = tpu.memref_slice %arg11[%dma_start3A_53, %dma_start3A_54] : memref<2x40xi32, #tpu.memory_space<vmem>> -> memref<1x40xi32, #tpu.memory_space<vmem>>
    %dma_start3A_56 = arith.constant 0 : i32
    %dma_start3A_57 = tpu.memref_slice %arg6[%mul3A_2, %dma_start3A_56] : memref<8000x40xi32, #tpu.memory_space<hbm>> -> memref<1x40xi32, #tpu.memory_space<hbm>>
    tpu.enqueue_dma source(%dma_start3A_57 : memref<1x40xi32, #tpu.memory_space<hbm>>) target(%dma_start3A_55 : memref<1x40xi32, #tpu.memory_space<vmem>>) target_semaphore(%arg19 : memref<!tpu.dma_semaphore, #tpu.memory_space<semaphore_mem>>)
    %add3A_58 = arith.constant 1 : i32
    %add3A_59 = arith.addi %mul3A_2, %add3A_58 : i32
    %dma_start3A_60 = arith.constant 1 : i32
    %dma_start3A_61 = arith.constant 0 : i32
    %dma_start3A_62 = arith.constant 0 : i32
    %dma_start3A_63 = tpu.memref_slice %arg10[%dma_start3A_60, %dma_start3A_61, %dma_start3A_62] : memref<2x2x40xi32, #tpu.memory_space<vmem>> -> memref<1x2x40xi32, #tpu.memory_space<vmem>>
    %dma_start3A_64 = arith.constant 0 : i32
    %dma_start3A_65 = arith.constant 0 : i32
    %dma_start3A_66 = tpu.memref_slice %arg5[%add3A_59, %dma_start3A_64, %dma_start3A_65] : memref<8000x2x40xi32, #tpu.memory_space<hbm>> -> memref<1x2x40xi32, #tpu.memory_space<hbm>>
    %dma_start3A_67 = arith.constant 1 : i32
    %dma_start3A_68 = arith.constant 0 : i32
    %dma_start3A_69 = arith.constant 0 : i32
    %dma_start3A_70 = tpu.memref_slice %arg10[%dma_start3A_67, %dma_start3A_68, %dma_start3A_69] : memref<2x2x40xi32, #tpu.memory_space<vmem>> -> memref<1x2x40xi32, #tpu.memory_space<vmem>>
    %dma_start3A_71 = arith.constant 0 : i32
    %dma_start3A_72 = arith.constant 0 : i32
    %dma_start3A_73 = tpu.memref_slice %arg5[%add3A_59, %dma_start3A_71, %dma_start3A_72] : memref<8000x2x40xi32, #tpu.memory_space<hbm>> -> memref<1x2x40xi32, #tpu.memory_space<hbm>>
    tpu.enqueue_dma source(%dma_start3A_73 : memref<1x2x40xi32, #tpu.memory_space<hbm>>) target(%dma_start3A_70 : memref<1x2x40xi32, #tpu.memory_space<vmem>>) target_semaphore(%arg18 : memref<!tpu.dma_semaphore, #tpu.memory_space<semaphore_mem>>)
    %scan3A = arith.constant 0 : i32
    %scan3A_74 = arith.constant 125 : i32
    %scan3A_75 = arith.addi %scan3A, %scan3A_74 : i32
    %scan3A_76 = arith.constant 1 : i32
    scf.for %scan3A_104 = %scan3A to %scan3A_75 step %scan3A_76  : i32 {
      %mul3A_105 = arith.constant 1 : i32
      %mul3A_106 = arith.muli %scan3A_104, %mul3A_105 : i32
      %add3A_107 = arith.constant 0 : i32
      %add3A_108 = arith.addi %add3A_107, %mul3A_106 : i32
      %mul3A_109 = arith.constant 2 : i32
      %mul3A_110 = arith.muli %mul3A_109, %add3A_108 : i32
      %add3A_111 = arith.constant 0 : i32
      %add3A_112 = arith.addi %mul3A_110, %add3A_111 : i32
      %add3A_113 = arith.constant 1 : i32
      %add3A_114 = arith.addi %add3A_112, %add3A_113 : i32
      %lt3A = arith.constant 250 : i32
      %lt3A_115 = arith.cmpi slt, %add3A_114, %lt3A : i32
      %convert_element_type3A = arith.extui %lt3A_115 : i1 to i32
      %cond3A = arith.constant 0 : i32
      %cond3A_116 = arith.cmpi ne, %convert_element_type3A, %cond3A : i32
      scf.if %cond3A_116 {
        %dma_wait3A_277 = arith.constant 1 : i32
        %dma_wait3A_278 = arith.constant 0 : i32
        %dma_wait3A_279 = arith.constant 0 : i32
        %dma_wait3A_280 = tpu.memref_slice %arg10[%dma_wait3A_277, %dma_wait3A_278, %dma_wait3A_279] : memref<2x2x40xi32, #tpu.memory_space<vmem>> -> memref<1x2x40xi32, #tpu.memory_space<vmem>>
        %dma_wait3A_281 = arith.constant 0 : i32
        %dma_wait3A_282 = arith.constant 0 : i32
        %dma_wait3A_283 = arith.constant 0 : i32
        %dma_wait3A_284 = tpu.memref_slice %arg5[%dma_wait3A_281, %dma_wait3A_282, %dma_wait3A_283] : memref<8000x2x40xi32, #tpu.memory_space<hbm>> -> memref<1x2x40xi32, #tpu.memory_space<hbm>>
        %dma_wait3A_285 = arith.constant 1 : i32
        %dma_wait3A_286 = arith.constant 0 : i32
        %dma_wait3A_287 = arith.constant 0 : i32
        %dma_wait3A_288 = tpu.memref_slice %arg10[%dma_wait3A_285, %dma_wait3A_286, %dma_wait3A_287] : memref<2x2x40xi32, #tpu.memory_space<vmem>> -> memref<1x2x40xi32, #tpu.memory_space<vmem>>
        %dma_wait3A_289 = arith.constant 0 : i32
        %dma_wait3A_290 = arith.constant 0 : i32
        %dma_wait3A_291 = arith.constant 0 : i32
        %dma_wait3A_292 = tpu.memref_slice %arg5[%dma_wait3A_289, %dma_wait3A_290, %dma_wait3A_291] : memref<8000x2x40xi32, #tpu.memory_space<hbm>> -> memref<1x2x40xi32, #tpu.memory_space<hbm>>
        tpu.wait_dma2 semaphore(%arg18 : memref<!tpu.dma_semaphore, #tpu.memory_space<semaphore_mem>>) src(%dma_wait3A_292 : memref<1x2x40xi32, #tpu.memory_space<hbm>>) dst(%dma_wait3A_288 : memref<1x2x40xi32, #tpu.memory_space<vmem>>)
        %add3A_293 = arith.constant 1 : i32
        %add3A_294 = arith.addi %add3A_112, %add3A_293 : i32
        %add3A_295 = arith.addi %mul3A_2, %add3A_294 : i32
        %mul3A_296 = arith.constant 40 : i32
        %mul3A_297 = arith.muli %add3A_295, %mul3A_296 : i32
        %dma_start3A_298 = arith.constant 1 : i32
        %dma_start3A_299 = arith.constant 0 : i32
        %dma_start3A_300 = arith.constant 0 : i32
        %dma_start3A_301 = tpu.memref_slice %arg14[%dma_start3A_298, %dma_start3A_299, %dma_start3A_300] : memref<2x40x128xf32, #tpu.memory_space<vmem>> -> memref<1x40x128xf32, #tpu.memory_space<vmem>>
        %dma_start3A_302 = tpu.memref_squeeze %dma_start3A_301 : memref<1x40x128xf32, #tpu.memory_space<vmem>> -> memref<40x128xf32, #tpu.memory_space<vmem>>
        %dma_start3A_303 = arith.constant 0 : i32
        %dma_start3A_304 = tpu.memref_slice %arg4[%mul3A_297, %dma_start3A_303] : memref<320000x128xf32, #tpu.memory_space<hbm>> -> memref<40x128xf32, #tpu.memory_space<hbm>>
        %dma_start3A_305 = arith.constant 0 : i32
        %dma_start3A_306 = arith.constant 0 : i32
        %dma_start3A_307 = tpu.memref_slice %arg14[%dma_start3A_298, %dma_start3A_305, %dma_start3A_306] : memref<2x40x128xf32, #tpu.memory_space<vmem>> -> memref<1x40x128xf32, #tpu.memory_space<vmem>>
        %dma_start3A_308 = tpu.memref_squeeze %dma_start3A_307 : memref<1x40x128xf32, #tpu.memory_space<vmem>> -> memref<40x128xf32, #tpu.memory_space<vmem>>
        %dma_start3A_309 = arith.constant 0 : i32
        %dma_start3A_310 = tpu.memref_slice %arg4[%mul3A_297, %dma_start3A_309] : memref<320000x128xf32, #tpu.memory_space<hbm>> -> memref<40x128xf32, #tpu.memory_space<hbm>>
        tpu.enqueue_dma source(%dma_start3A_310 : memref<40x128xf32, #tpu.memory_space<hbm>>) target(%dma_start3A_308 : memref<40x128xf32, #tpu.memory_space<vmem>>) target_semaphore(%arg22 : memref<!tpu.dma_semaphore, #tpu.memory_space<semaphore_mem>>)
        %dma_start3A_311 = arith.constant 1 : i32
        %dma_start3A_312 = arith.constant 0 : i32
        %dma_start3A_313 = arith.constant 1 : i32
        %dma_start3A_314 = arith.constant 0 : i32
        %dma_start3A_315 = arith.constant 0 : i32
        %dma_start3A_316 = tpu.memref_slice %arg12[%dma_start3A_313, %dma_start3A_314, %dma_start3A_315] : memref<2x40x128xf32, #tpu.memory_space<vmem>> -> memref<1x40x128xf32, #tpu.memory_space<vmem>>
        %dma_start3A_317 = tpu.memref_squeeze %dma_start3A_316 : memref<1x40x128xf32, #tpu.memory_space<vmem>> -> memref<40x128xf32, #tpu.memory_space<vmem>>
        %dma_start3A_318 = arith.constant 0 : i32
        %dma_start3A_319 = tpu.memref_slice %arg10[%dma_start3A_311, %dma_start3A_312, %dma_start3A_318] : memref<2x2x40xi32, #tpu.memory_space<vmem>> -> memref<1x1x40xi32, #tpu.memory_space<vmem>>
        %dma_start3A_320 = tpu.memref_squeeze %dma_start3A_319 : memref<1x1x40xi32, #tpu.memory_space<vmem>> -> memref<40xi32, #tpu.memory_space<vmem>>
        %dma_start3A_321 = arith.constant 0 : i32
        %dma_start3A_322 = arith.constant 0 : i32
        %dma_start3A_323 = tpu.memref_slice %arg2[%dma_start3A_321, %dma_start3A_322] : memref<10000x128xf32, #tpu.memory_space<hbm>> -> memref<10000x128xf32, #tpu.memory_space<hbm>>
        tpu.enqueue_indirect_dma source(%dma_start3A_323 : memref<10000x128xf32, #tpu.memory_space<hbm>>) target(%dma_start3A_317 : memref<40x128xf32, #tpu.memory_space<vmem>>) offsets(%dma_start3A_320 : memref<40xi32, #tpu.memory_space<vmem>>) semaphore(%arg22 : memref<!tpu.dma_semaphore, #tpu.memory_space<semaphore_mem>>)
        %dma_start3A_324 = arith.constant 1 : i32
        %dma_start3A_325 = arith.constant 1 : i32
        %dma_start3A_326 = arith.constant 1 : i32
        %dma_start3A_327 = arith.constant 0 : i32
        %dma_start3A_328 = arith.constant 0 : i32
        %dma_start3A_329 = tpu.memref_slice %arg13[%dma_start3A_326, %dma_start3A_327, %dma_start3A_328] : memref<2x40x128xf32, #tpu.memory_space<vmem>> -> memref<1x40x128xf32, #tpu.memory_space<vmem>>
        %dma_start3A_330 = tpu.memref_squeeze %dma_start3A_329 : memref<1x40x128xf32, #tpu.memory_space<vmem>> -> memref<40x128xf32, #tpu.memory_space<vmem>>
        %dma_start3A_331 = arith.constant 0 : i32
        %dma_start3A_332 = tpu.memref_slice %arg10[%dma_start3A_324, %dma_start3A_325, %dma_start3A_331] : memref<2x2x40xi32, #tpu.memory_space<vmem>> -> memref<1x1x40xi32, #tpu.memory_space<vmem>>
        %dma_start3A_333 = tpu.memref_squeeze %dma_start3A_332 : memref<1x1x40xi32, #tpu.memory_space<vmem>> -> memref<40xi32, #tpu.memory_space<vmem>>
        %dma_start3A_334 = arith.constant 0 : i32
        %dma_start3A_335 = arith.constant 0 : i32
        %dma_start3A_336 = tpu.memref_slice %arg3[%dma_start3A_334, %dma_start3A_335] : memref<10000x128xf32, #tpu.memory_space<hbm>> -> memref<10000x128xf32, #tpu.memory_space<hbm>>
        tpu.enqueue_indirect_dma source(%dma_start3A_336 : memref<10000x128xf32, #tpu.memory_space<hbm>>) target(%dma_start3A_330 : memref<40x128xf32, #tpu.memory_space<vmem>>) offsets(%dma_start3A_333 : memref<40xi32, #tpu.memory_space<vmem>>) semaphore(%arg22 : memref<!tpu.dma_semaphore, #tpu.memory_space<semaphore_mem>>)
        %ge3A = arith.constant 1 : i32
        %ge3A_337 = arith.cmpi sge, %add3A_112, %ge3A : i32
        %convert_element_type3A_338 = arith.extui %ge3A_337 : i1 to i32
        %cond3A_339 = arith.constant 0 : i32
        %cond3A_340 = arith.cmpi ne, %convert_element_type3A_338, %cond3A_339 : i32
        scf.if %cond3A_340 {
          %dma_wait3A_354 = arith.constant 1 : i32
          %dma_wait3A_355 = arith.constant 1 : i32
          %dma_wait3A_356 = arith.constant 0 : i32
          %dma_wait3A_357 = arith.constant 0 : i32
          %dma_wait3A_358 = tpu.memref_slice %arg15[%dma_wait3A_354, %dma_wait3A_356, %dma_wait3A_357] : memref<2x40x136xf32, #tpu.memory_space<vmem>> -> memref<1x40x136xf32, #tpu.memory_space<vmem>>
          %dma_wait3A_359 = tpu.memref_squeeze %dma_wait3A_358 : memref<1x40x136xf32, #tpu.memory_space<vmem>> -> memref<40x136xf32, #tpu.memory_space<vmem>>
          %dma_wait3A_360 = arith.constant 0 : i32
          %dma_wait3A_361 = tpu.memref_slice %arg11[%dma_wait3A_355, %dma_wait3A_360] : memref<2x40xi32, #tpu.memory_space<vmem>> -> memref<1x40xi32, #tpu.memory_space<vmem>>
          %dma_wait3A_362 = tpu.memref_squeeze %dma_wait3A_361 : memref<1x40xi32, #tpu.memory_space<vmem>> -> memref<40xi32, #tpu.memory_space<vmem>>
          %dma_wait3A_363 = arith.constant 0 : i32
          %dma_wait3A_364 = arith.constant 0 : i32
          %dma_wait3A_365 = tpu.memref_slice %arg16[%dma_wait3A_363, %dma_wait3A_364] : memref<10000x136xf32, #tpu.memory_space<vmem_shared>> -> memref<10000x136xf32, #tpu.memory_space<vmem_shared>>
          tpu.wait_indirect_dma semaphore(%arg24 : memref<!tpu.dma_semaphore, #tpu.memory_space<semaphore_mem>>) src(%dma_wait3A_359 : memref<40x136xf32, #tpu.memory_space<vmem>>) dst(%dma_wait3A_365 : memref<10000x136xf32, #tpu.memory_space<vmem_shared>>)
        } else {
        }
        %add3A_341 = arith.addi %mul3A_2, %add3A_112 : i32
        %add3A_342 = arith.constant 1 : i32
        %add3A_343 = arith.addi %add3A_341, %add3A_342 : i32
        %dma_start3A_344 = arith.constant 1 : i32
        %dma_start3A_345 = arith.constant 0 : i32
        %dma_start3A_346 = tpu.memref_slice %arg11[%dma_start3A_344, %dma_start3A_345] : memref<2x40xi32, #tpu.memory_space<vmem>> -> memref<1x40xi32, #tpu.memory_space<vmem>>
        %dma_start3A_347 = arith.constant 0 : i32
        %dma_start3A_348 = tpu.memref_slice %arg6[%add3A_343, %dma_start3A_347] : memref<8000x40xi32, #tpu.memory_space<hbm>> -> memref<1x40xi32, #tpu.memory_space<hbm>>
        %dma_start3A_349 = arith.constant 1 : i32
        %dma_start3A_350 = arith.constant 0 : i32
        %dma_start3A_351 = tpu.memref_slice %arg11[%dma_start3A_349, %dma_start3A_350] : memref<2x40xi32, #tpu.memory_space<vmem>> -> memref<1x40xi32, #tpu.memory_space<vmem>>
        %dma_start3A_352 = arith.constant 0 : i32
        %dma_start3A_353 = tpu.memref_slice %arg6[%add3A_343, %dma_start3A_352] : memref<8000x40xi32, #tpu.memory_space<hbm>> -> memref<1x40xi32, #tpu.memory_space<hbm>>
        tpu.enqueue_dma source(%dma_start3A_353 : memref<1x40xi32, #tpu.memory_space<hbm>>) target(%dma_start3A_351 : memref<1x40xi32, #tpu.memory_space<vmem>>) target_semaphore(%arg20 : memref<!tpu.dma_semaphore, #tpu.memory_space<semaphore_mem>>)
      } else {
      }
      %dma_wait3A_117 = arith.constant 0 : i32
      %dma_wait3A_118 = arith.constant 0 : i32
      %dma_wait3A_119 = arith.constant 0 : i32
      %dma_wait3A_120 = tpu.memref_slice %arg14[%dma_wait3A_117, %dma_wait3A_118, %dma_wait3A_119] : memref<2x40x128xf32, #tpu.memory_space<vmem>> -> memref<1x40x128xf32, #tpu.memory_space<vmem>>
      %dma_wait3A_121 = tpu.memref_squeeze %dma_wait3A_120 : memref<1x40x128xf32, #tpu.memory_space<vmem>> -> memref<40x128xf32, #tpu.memory_space<vmem>>
      %dma_wait3A_122 = arith.constant 0 : i32
      %dma_wait3A_123 = arith.constant 0 : i32
      %dma_wait3A_124 = tpu.memref_slice %arg4[%dma_wait3A_122, %dma_wait3A_123] : memref<320000x128xf32, #tpu.memory_space<hbm>> -> memref<40x128xf32, #tpu.memory_space<hbm>>
      %dma_wait3A_125 = arith.constant 0 : i32
      %dma_wait3A_126 = arith.constant 0 : i32
      %dma_wait3A_127 = tpu.memref_slice %arg14[%dma_wait3A_117, %dma_wait3A_125, %dma_wait3A_126] : memref<2x40x128xf32, #tpu.memory_space<vmem>> -> memref<1x40x128xf32, #tpu.memory_space<vmem>>
      %dma_wait3A_128 = tpu.memref_squeeze %dma_wait3A_127 : memref<1x40x128xf32, #tpu.memory_space<vmem>> -> memref<40x128xf32, #tpu.memory_space<vmem>>
      %dma_wait3A_129 = arith.constant 0 : i32
      %dma_wait3A_130 = arith.constant 0 : i32
      %dma_wait3A_131 = tpu.memref_slice %arg4[%dma_wait3A_129, %dma_wait3A_130] : memref<320000x128xf32, #tpu.memory_space<hbm>> -> memref<40x128xf32, #tpu.memory_space<hbm>>
      tpu.wait_dma2 semaphore(%arg21 : memref<!tpu.dma_semaphore, #tpu.memory_space<semaphore_mem>>) src(%dma_wait3A_131 : memref<40x128xf32, #tpu.memory_space<hbm>>) dst(%dma_wait3A_128 : memref<40x128xf32, #tpu.memory_space<vmem>>)
      %dma_wait3A_132 = arith.constant 0 : i32
      %dma_wait3A_133 = arith.constant 0 : i32
      %dma_wait3A_134 = arith.constant 0 : i32
      %dma_wait3A_135 = arith.constant 0 : i32
      %dma_wait3A_136 = arith.constant 0 : i32
      %dma_wait3A_137 = tpu.memref_slice %arg12[%dma_wait3A_134, %dma_wait3A_135, %dma_wait3A_136] : memref<2x40x128xf32, #tpu.memory_space<vmem>> -> memref<1x40x128xf32, #tpu.memory_space<vmem>>
      %dma_wait3A_138 = tpu.memref_squeeze %dma_wait3A_137 : memref<1x40x128xf32, #tpu.memory_space<vmem>> -> memref<40x128xf32, #tpu.memory_space<vmem>>
      %dma_wait3A_139 = arith.constant 0 : i32
      %dma_wait3A_140 = tpu.memref_slice %arg10[%dma_wait3A_132, %dma_wait3A_133, %dma_wait3A_139] : memref<2x2x40xi32, #tpu.memory_space<vmem>> -> memref<1x1x40xi32, #tpu.memory_space<vmem>>
      %dma_wait3A_141 = tpu.memref_squeeze %dma_wait3A_140 : memref<1x1x40xi32, #tpu.memory_space<vmem>> -> memref<40xi32, #tpu.memory_space<vmem>>
      %dma_wait3A_142 = arith.constant 0 : i32
      %dma_wait3A_143 = arith.constant 0 : i32
      %dma_wait3A_144 = tpu.memref_slice %arg2[%dma_wait3A_142, %dma_wait3A_143] : memref<10000x128xf32, #tpu.memory_space<hbm>> -> memref<10000x128xf32, #tpu.memory_space<hbm>>
      tpu.wait_indirect_dma semaphore(%arg21 : memref<!tpu.dma_semaphore, #tpu.memory_space<semaphore_mem>>) src(%dma_wait3A_144 : memref<10000x128xf32, #tpu.memory_space<hbm>>) dst(%dma_wait3A_138 : memref<40x128xf32, #tpu.memory_space<vmem>>)
      %dma_wait3A_145 = arith.constant 0 : i32
      %dma_wait3A_146 = arith.constant 1 : i32
      %dma_wait3A_147 = arith.constant 0 : i32
      %dma_wait3A_148 = arith.constant 0 : i32
      %dma_wait3A_149 = arith.constant 0 : i32
      %dma_wait3A_150 = tpu.memref_slice %arg13[%dma_wait3A_147, %dma_wait3A_148, %dma_wait3A_149] : memref<2x40x128xf32, #tpu.memory_space<vmem>> -> memref<1x40x128xf32, #tpu.memory_space<vmem>>
      %dma_wait3A_151 = tpu.memref_squeeze %dma_wait3A_150 : memref<1x40x128xf32, #tpu.memory_space<vmem>> -> memref<40x128xf32, #tpu.memory_space<vmem>>
      %dma_wait3A_152 = arith.constant 0 : i32
      %dma_wait3A_153 = tpu.memref_slice %arg10[%dma_wait3A_145, %dma_wait3A_146, %dma_wait3A_152] : memref<2x2x40xi32, #tpu.memory_space<vmem>> -> memref<1x1x40xi32, #tpu.memory_space<vmem>>
      %dma_wait3A_154 = tpu.memref_squeeze %dma_wait3A_153 : memref<1x1x40xi32, #tpu.memory_space<vmem>> -> memref<40xi32, #tpu.memory_space<vmem>>
      %dma_wait3A_155 = arith.constant 0 : i32
      %dma_wait3A_156 = arith.constant 0 : i32
      %dma_wait3A_157 = tpu.memref_slice %arg3[%dma_wait3A_155, %dma_wait3A_156] : memref<10000x128xf32, #tpu.memory_space<hbm>> -> memref<10000x128xf32, #tpu.memory_space<hbm>>
      tpu.wait_indirect_dma semaphore(%arg21 : memref<!tpu.dma_semaphore, #tpu.memory_space<semaphore_mem>>) src(%dma_wait3A_157 : memref<10000x128xf32, #tpu.memory_space<hbm>>) dst(%dma_wait3A_151 : memref<40x128xf32, #tpu.memory_space<vmem>>)
      %add3A_158 = arith.constant 2 : i32
      %add3A_159 = arith.addi %add3A_112, %add3A_158 : i32
      %lt3A_160 = arith.constant 250 : i32
      %lt3A_161 = arith.cmpi slt, %add3A_159, %lt3A_160 : i32
      %convert_element_type3A_162 = arith.extui %lt3A_161 : i1 to i32
      %cond3A_163 = arith.constant 0 : i32
      %cond3A_164 = arith.cmpi ne, %convert_element_type3A_162, %cond3A_163 : i32
      scf.if %cond3A_164 {
        %add3A_277 = arith.addi %mul3A_2, %add3A_112 : i32
        %add3A_278 = arith.constant 2 : i32
        %add3A_279 = arith.addi %add3A_277, %add3A_278 : i32
        %dma_start3A_280 = arith.constant 0 : i32
        %dma_start3A_281 = arith.constant 0 : i32
        %dma_start3A_282 = arith.constant 0 : i32
        %dma_start3A_283 = tpu.memref_slice %arg10[%dma_start3A_280, %dma_start3A_281, %dma_start3A_282] : memref<2x2x40xi32, #tpu.memory_space<vmem>> -> memref<1x2x40xi32, #tpu.memory_space<vmem>>
        %dma_start3A_284 = arith.constant 0 : i32
        %dma_start3A_285 = arith.constant 0 : i32
        %dma_start3A_286 = tpu.memref_slice %arg5[%add3A_279, %dma_start3A_284, %dma_start3A_285] : memref<8000x2x40xi32, #tpu.memory_space<hbm>> -> memref<1x2x40xi32, #tpu.memory_space<hbm>>
        %dma_start3A_287 = arith.constant 0 : i32
        %dma_start3A_288 = arith.constant 0 : i32
        %dma_start3A_289 = arith.constant 0 : i32
        %dma_start3A_290 = tpu.memref_slice %arg10[%dma_start3A_287, %dma_start3A_288, %dma_start3A_289] : memref<2x2x40xi32, #tpu.memory_space<vmem>> -> memref<1x2x40xi32, #tpu.memory_space<vmem>>
        %dma_start3A_291 = arith.constant 0 : i32
        %dma_start3A_292 = arith.constant 0 : i32
        %dma_start3A_293 = tpu.memref_slice %arg5[%add3A_279, %dma_start3A_291, %dma_start3A_292] : memref<8000x2x40xi32, #tpu.memory_space<hbm>> -> memref<1x2x40xi32, #tpu.memory_space<hbm>>
        tpu.enqueue_dma source(%dma_start3A_293 : memref<1x2x40xi32, #tpu.memory_space<hbm>>) target(%dma_start3A_290 : memref<1x2x40xi32, #tpu.memory_space<vmem>>) target_semaphore(%arg17 : memref<!tpu.dma_semaphore, #tpu.memory_space<semaphore_mem>>)
      } else {
      }
      %parallel_loop3A = arith.constant 0 : i32
      %parallel_loop3A_165 = arith.constant 40 : i32
      %parallel_loop3A_166 = arith.constant 1 : i32
      scf.for %parallel_loop3A_277 = %parallel_loop3A to %parallel_loop3A_165 step %parallel_loop3A_166  : i32 {
        %parallel_loop3A_278 = arith.constant 0 : i32
        %parallel_loop3A_279 = arith.index_cast %parallel_loop3A_278 : i32 to index
        %parallel_loop3A_280 = arith.index_cast %parallel_loop3A_277 : i32 to index
        %parallel_loop3A_281 = arith.constant 0 : index
        %parallel_loop3A_282 = tpu.vector_load %arg12[%parallel_loop3A_279, %parallel_loop3A_280, %parallel_loop3A_281] {strides = array<i32>} : memref<2x40x128xf32, #tpu.memory_space<vmem>>, vector<1x1x16xf32>,
        %parallel_loop3A_283 = vector.shape_cast %parallel_loop3A_282 : vector<1x1x16xf32> to vector<16xf32>
        %parallel_loop3A_284 = arith.constant 0 : i32
        %parallel_loop3A_285 = arith.index_cast %parallel_loop3A_284 : i32 to index
        %parallel_loop3A_286 = arith.index_cast %parallel_loop3A_277 : i32 to index
        %parallel_loop3A_287 = arith.constant 0 : index
        %parallel_loop3A_288 = tpu.vector_load %arg13[%parallel_loop3A_285, %parallel_loop3A_286, %parallel_loop3A_287] {strides = array<i32>} : memref<2x40x128xf32, #tpu.memory_space<vmem>>, vector<1x1x16xf32>,
        %parallel_loop3A_289 = vector.shape_cast %parallel_loop3A_288 : vector<1x1x16xf32> to vector<16xf32>
        %parallel_loop3A_290 = arith.addf %parallel_loop3A_283, %parallel_loop3A_289 : vector<16xf32>
        %parallel_loop3A_291 = arith.constant 0 : i32
        %parallel_loop3A_292 = arith.index_cast %parallel_loop3A_291 : i32 to index
        %parallel_loop3A_293 = arith.index_cast %parallel_loop3A_277 : i32 to index
        %parallel_loop3A_294 = arith.constant 0 : index
        %parallel_loop3A_295 = tpu.vector_load %arg14[%parallel_loop3A_292, %parallel_loop3A_293, %parallel_loop3A_294] {strides = array<i32>} : memref<2x40x128xf32, #tpu.memory_space<vmem>>, vector<1x1x16xf32>,
        %parallel_loop3A_296 = vector.shape_cast %parallel_loop3A_295 : vector<1x1x16xf32> to vector<16xf32>
        %parallel_loop3A_297 = arith.addf %parallel_loop3A_290, %parallel_loop3A_296 : vector<16xf32>
        %parallel_loop3A_298 = math.exp %parallel_loop3A_297 : vector<16xf32>
        %parallel_loop3A_299 = arith.constant 1.000000e+00 : f32
        %parallel_loop3A_300 = vector.broadcast %parallel_loop3A_299 : f32 to vector<16xf32>
        %parallel_loop3A_301 = arith.subf %parallel_loop3A_298, %parallel_loop3A_300 : vector<16xf32>
        %parallel_loop3A_302 = arith.constant 0.000000e+00 : f32
        %parallel_loop3A_303 = vector.broadcast %parallel_loop3A_302 : f32 to vector<16xf32>
        %parallel_loop3A_304 = arith.cmpf ogt, %parallel_loop3A_297, %parallel_loop3A_303 : vector<16xf32>
        %parallel_loop3A_305 = arith.select %parallel_loop3A_304, %parallel_loop3A_297, %parallel_loop3A_301 : vector<16xi1>, vector<16xf32>
        %parallel_loop3A_306 = arith.constant 0 : i32
        %parallel_loop3A_307 = arith.index_cast %parallel_loop3A_306 : i32 to index
        %parallel_loop3A_308 = arith.index_cast %parallel_loop3A_277 : i32 to index
        %parallel_loop3A_309 = arith.constant 0 : index
        %parallel_loop3A_310 = tpu.vector_load %arg15[%parallel_loop3A_307, %parallel_loop3A_308, %parallel_loop3A_309] {strides = array<i32>} : memref<2x40x136xf32, #tpu.memory_space<vmem>>, vector<1x1x16xf32>,
        %parallel_loop3A_311 = vector.shape_cast %parallel_loop3A_310 : vector<1x1x16xf32> to vector<16xf32>
        %parallel_loop3A_312 = vector.shape_cast %parallel_loop3A_305 : vector<16xf32> to vector<1x1x16xf32>
        tpu.vector_store %arg15[%parallel_loop3A_307, %parallel_loop3A_308, %parallel_loop3A_309], %parallel_loop3A_312 {strides = array<i32>} : memref<2x40x136xf32, #tpu.memory_space<vmem>>, vector<1x1x16xf32>,
        %parallel_loop3A_313 = arith.constant 0 : i32
        %parallel_loop3A_314 = arith.index_cast %parallel_loop3A_313 : i32 to index
        %parallel_loop3A_315 = arith.index_cast %parallel_loop3A_277 : i32 to index
        %parallel_loop3A_316 = arith.constant 16 : index
        %parallel_loop3A_317 = tpu.vector_load %arg12[%parallel_loop3A_314, %parallel_loop3A_315, %parallel_loop3A_316] {strides = array<i32>} : memref<2x40x128xf32, #tpu.memory_space<vmem>>, vector<1x1x16xf32>,
        %parallel_loop3A_318 = vector.shape_cast %parallel_loop3A_317 : vector<1x1x16xf32> to vector<16xf32>
        %parallel_loop3A_319 = arith.constant 0 : i32
        %parallel_loop3A_320 = arith.index_cast %parallel_loop3A_319 : i32 to index
        %parallel_loop3A_321 = arith.index_cast %parallel_loop3A_277 : i32 to index
        %parallel_loop3A_322 = arith.constant 16 : index
        %parallel_loop3A_323 = tpu.vector_load %arg13[%parallel_loop3A_320, %parallel_loop3A_321, %parallel_loop3A_322] {strides = array<i32>} : memref<2x40x128xf32, #tpu.memory_space<vmem>>, vector<1x1x16xf32>,
        %parallel_loop3A_324 = vector.shape_cast %parallel_loop3A_323 : vector<1x1x16xf32> to vector<16xf32>
        %parallel_loop3A_325 = arith.addf %parallel_loop3A_318, %parallel_loop3A_324 : vector<16xf32>
        %parallel_loop3A_326 = arith.constant 0 : i32
        %parallel_loop3A_327 = arith.index_cast %parallel_loop3A_326 : i32 to index
        %parallel_loop3A_328 = arith.index_cast %parallel_loop3A_277 : i32 to index
        %parallel_loop3A_329 = arith.constant 16 : index
        %parallel_loop3A_330 = tpu.vector_load %arg14[%parallel_loop3A_327, %parallel_loop3A_328, %parallel_loop3A_329] {strides = array<i32>} : memref<2x40x128xf32, #tpu.memory_space<vmem>>, vector<1x1x16xf32>,
        %parallel_loop3A_331 = vector.shape_cast %parallel_loop3A_330 : vector<1x1x16xf32> to vector<16xf32>
        %parallel_loop3A_332 = arith.addf %parallel_loop3A_325, %parallel_loop3A_331 : vector<16xf32>
        %parallel_loop3A_333 = math.exp %parallel_loop3A_332 : vector<16xf32>
        %parallel_loop3A_334 = arith.constant 1.000000e+00 : f32
        %parallel_loop3A_335 = vector.broadcast %parallel_loop3A_334 : f32 to vector<16xf32>
        %parallel_loop3A_336 = arith.subf %parallel_loop3A_333, %parallel_loop3A_335 : vector<16xf32>
        %parallel_loop3A_337 = arith.constant 0.000000e+00 : f32
        %parallel_loop3A_338 = vector.broadcast %parallel_loop3A_337 : f32 to vector<16xf32>
        %parallel_loop3A_339 = arith.cmpf ogt, %parallel_loop3A_332, %parallel_loop3A_338 : vector<16xf32>
        %parallel_loop3A_340 = arith.select %parallel_loop3A_339, %parallel_loop3A_332, %parallel_loop3A_336 : vector<16xi1>, vector<16xf32>
        %parallel_loop3A_341 = arith.constant 0 : i32
        %parallel_loop3A_342 = arith.index_cast %parallel_loop3A_341 : i32 to index
        %parallel_loop3A_343 = arith.index_cast %parallel_loop3A_277 : i32 to index
        %parallel_loop3A_344 = arith.constant 16 : index
        %parallel_loop3A_345 = tpu.vector_load %arg15[%parallel_loop3A_342, %parallel_loop3A_343, %parallel_loop3A_344] {strides = array<i32>} : memref<2x40x136xf32, #tpu.memory_space<vmem>>, vector<1x1x16xf32>,
        %parallel_loop3A_346 = vector.shape_cast %parallel_loop3A_345 : vector<1x1x16xf32> to vector<16xf32>
        %parallel_loop3A_347 = vector.shape_cast %parallel_loop3A_340 : vector<16xf32> to vector<1x1x16xf32>
        tpu.vector_store %arg15[%parallel_loop3A_342, %parallel_loop3A_343, %parallel_loop3A_344], %parallel_loop3A_347 {strides = array<i32>} : memref<2x40x136xf32, #tpu.memory_space<vmem>>, vector<1x1x16xf32>,
        %parallel_loop3A_348 = arith.constant 0 : i32
        %parallel_loop3A_349 = arith.index_cast %parallel_loop3A_348 : i32 to index
        %parallel_loop3A_350 = arith.index_cast %parallel_loop3A_277 : i32 to index
        %parallel_loop3A_351 = arith.constant 32 : index
        %parallel_loop3A_352 = tpu.vector_load %arg12[%parallel_loop3A_349, %parallel_loop3A_350, %parallel_loop3A_351] {strides = array<i32>} : memref<2x40x128xf32, #tpu.memory_space<vmem>>, vector<1x1x16xf32>,
        %parallel_loop3A_353 = vector.shape_cast %parallel_loop3A_352 : vector<1x1x16xf32> to vector<16xf32>
        %parallel_loop3A_354 = arith.constant 0 : i32
        %parallel_loop3A_355 = arith.index_cast %parallel_loop3A_354 : i32 to index
        %parallel_loop3A_356 = arith.index_cast %parallel_loop3A_277 : i32 to index
        %parallel_loop3A_357 = arith.constant 32 : index
        %parallel_loop3A_358 = tpu.vector_load %arg13[%parallel_loop3A_355, %parallel_loop3A_356, %parallel_loop3A_357] {strides = array<i32>} : memref<2x40x128xf32, #tpu.memory_space<vmem>>, vector<1x1x16xf32>,
        %parallel_loop3A_359 = vector.shape_cast %parallel_loop3A_358 : vector<1x1x16xf32> to vector<16xf32>
        %parallel_loop3A_360 = arith.addf %parallel_loop3A_353, %parallel_loop3A_359 : vector<16xf32>
        %parallel_loop3A_361 = arith.constant 0 : i32
        %parallel_loop3A_362 = arith.index_cast %parallel_loop3A_361 : i32 to index
        %parallel_loop3A_363 = arith.index_cast %parallel_loop3A_277 : i32 to index
        %parallel_loop3A_364 = arith.constant 32 : index
        %parallel_loop3A_365 = tpu.vector_load %arg14[%parallel_loop3A_362, %parallel_loop3A_363, %parallel_loop3A_364] {strides = array<i32>} : memref<2x40x128xf32, #tpu.memory_space<vmem>>, vector<1x1x16xf32>,
        %parallel_loop3A_366 = vector.shape_cast %parallel_loop3A_365 : vector<1x1x16xf32> to vector<16xf32>
        %parallel_loop3A_367 = arith.addf %parallel_loop3A_360, %parallel_loop3A_366 : vector<16xf32>
        %parallel_loop3A_368 = math.exp %parallel_loop3A_367 : vector<16xf32>
        %parallel_loop3A_369 = arith.constant 1.000000e+00 : f32
        %parallel_loop3A_370 = vector.broadcast %parallel_loop3A_369 : f32 to vector<16xf32>
        %parallel_loop3A_371 = arith.subf %parallel_loop3A_368, %parallel_loop3A_370 : vector<16xf32>
        %parallel_loop3A_372 = arith.constant 0.000000e+00 : f32
        %parallel_loop3A_373 = vector.broadcast %parallel_loop3A_372 : f32 to vector<16xf32>
        %parallel_loop3A_374 = arith.cmpf ogt, %parallel_loop3A_367, %parallel_loop3A_373 : vector<16xf32>
        %parallel_loop3A_375 = arith.select %parallel_loop3A_374, %parallel_loop3A_367, %parallel_loop3A_371 : vector<16xi1>, vector<16xf32>
        %parallel_loop3A_376 = arith.constant 0 : i32
        %parallel_loop3A_377 = arith.index_cast %parallel_loop3A_376 : i32 to index
        %parallel_loop3A_378 = arith.index_cast %parallel_loop3A_277 : i32 to index
        %parallel_loop3A_379 = arith.constant 32 : index
        %parallel_loop3A_380 = tpu.vector_load %arg15[%parallel_loop3A_377, %parallel_loop3A_378, %parallel_loop3A_379] {strides = array<i32>} : memref<2x40x136xf32, #tpu.memory_space<vmem>>, vector<1x1x16xf32>,
        %parallel_loop3A_381 = vector.shape_cast %parallel_loop3A_380 : vector<1x1x16xf32> to vector<16xf32>
        %parallel_loop3A_382 = vector.shape_cast %parallel_loop3A_375 : vector<16xf32> to vector<1x1x16xf32>
        tpu.vector_store %arg15[%parallel_loop3A_377, %parallel_loop3A_378, %parallel_loop3A_379], %parallel_loop3A_382 {strides = array<i32>} : memref<2x40x136xf32, #tpu.memory_space<vmem>>, vector<1x1x16xf32>,
        %parallel_loop3A_383 = arith.constant 0 : i32
        %parallel_loop3A_384 = arith.index_cast %parallel_loop3A_383 : i32 to index
        %parallel_loop3A_385 = arith.index_cast %parallel_loop3A_277 : i32 to index
        %parallel_loop3A_386 = arith.constant 48 : index
        %parallel_loop3A_387 = tpu.vector_load %arg12[%parallel_loop3A_384, %parallel_loop3A_385, %parallel_loop3A_386] {strides = array<i32>} : memref<2x40x128xf32, #tpu.memory_space<vmem>>, vector<1x1x16xf32>,
        %parallel_loop3A_388 = vector.shape_cast %parallel_loop3A_387 : vector<1x1x16xf32> to vector<16xf32>
        %parallel_loop3A_389 = arith.constant 0 : i32
        %parallel_loop3A_390 = arith.index_cast %parallel_loop3A_389 : i32 to index
        %parallel_loop3A_391 = arith.index_cast %parallel_loop3A_277 : i32 to index
        %parallel_loop3A_392 = arith.constant 48 : index
        %parallel_loop3A_393 = tpu.vector_load %arg13[%parallel_loop3A_390, %parallel_loop3A_391, %parallel_loop3A_392] {strides = array<i32>} : memref<2x40x128xf32, #tpu.memory_space<vmem>>, vector<1x1x16xf32>,
        %parallel_loop3A_394 = vector.shape_cast %parallel_loop3A_393 : vector<1x1x16xf32> to vector<16xf32>
        %parallel_loop3A_395 = arith.addf %parallel_loop3A_388, %parallel_loop3A_394 : vector<16xf32>
        %parallel_loop3A_396 = arith.constant 0 : i32
        %parallel_loop3A_397 = arith.index_cast %parallel_loop3A_396 : i32 to index
        %parallel_loop3A_398 = arith.index_cast %parallel_loop3A_277 : i32 to index
        %parallel_loop3A_399 = arith.constant 48 : index
        %parallel_loop3A_400 = tpu.vector_load %arg14[%parallel_loop3A_397, %parallel_loop3A_398, %parallel_loop3A_399] {strides = array<i32>} : memref<2x40x128xf32, #tpu.memory_space<vmem>>, vector<1x1x16xf32>,
        %parallel_loop3A_401 = vector.shape_cast %parallel_loop3A_400 : vector<1x1x16xf32> to vector<16xf32>
        %parallel_loop3A_402 = arith.addf %parallel_loop3A_395, %parallel_loop3A_401 : vector<16xf32>
        %parallel_loop3A_403 = math.exp %parallel_loop3A_402 : vector<16xf32>
        %parallel_loop3A_404 = arith.constant 1.000000e+00 : f32
        %parallel_loop3A_405 = vector.broadcast %parallel_loop3A_404 : f32 to vector<16xf32>
        %parallel_loop3A_406 = arith.subf %parallel_loop3A_403, %parallel_loop3A_405 : vector<16xf32>
        %parallel_loop3A_407 = arith.constant 0.000000e+00 : f32
        %parallel_loop3A_408 = vector.broadcast %parallel_loop3A_407 : f32 to vector<16xf32>
        %parallel_loop3A_409 = arith.cmpf ogt, %parallel_loop3A_402, %parallel_loop3A_408 : vector<16xf32>
        %parallel_loop3A_410 = arith.select %parallel_loop3A_409, %parallel_loop3A_402, %parallel_loop3A_406 : vector<16xi1>, vector<16xf32>
        %parallel_loop3A_411 = arith.constant 0 : i32
        %parallel_loop3A_412 = arith.index_cast %parallel_loop3A_411 : i32 to index
        %parallel_loop3A_413 = arith.index_cast %parallel_loop3A_277 : i32 to index
        %parallel_loop3A_414 = arith.constant 48 : index
        %parallel_loop3A_415 = tpu.vector_load %arg15[%parallel_loop3A_412, %parallel_loop3A_413, %parallel_loop3A_414] {strides = array<i32>} : memref<2x40x136xf32, #tpu.memory_space<vmem>>, vector<1x1x16xf32>,
        %parallel_loop3A_416 = vector.shape_cast %parallel_loop3A_415 : vector<1x1x16xf32> to vector<16xf32>
        %parallel_loop3A_417 = vector.shape_cast %parallel_loop3A_410 : vector<16xf32> to vector<1x1x16xf32>
        tpu.vector_store %arg15[%parallel_loop3A_412, %parallel_loop3A_413, %parallel_loop3A_414], %parallel_loop3A_417 {strides = array<i32>} : memref<2x40x136xf32, #tpu.memory_space<vmem>>, vector<1x1x16xf32>,
        %parallel_loop3A_418 = arith.constant 0 : i32
        %parallel_loop3A_419 = arith.index_cast %parallel_loop3A_418 : i32 to index
        %parallel_loop3A_420 = arith.index_cast %parallel_loop3A_277 : i32 to index
        %parallel_loop3A_421 = arith.constant 64 : index
        %parallel_loop3A_422 = tpu.vector_load %arg12[%parallel_loop3A_419, %parallel_loop3A_420, %parallel_loop3A_421] {strides = array<i32>} : memref<2x40x128xf32, #tpu.memory_space<vmem>>, vector<1x1x16xf32>,
        %parallel_loop3A_423 = vector.shape_cast %parallel_loop3A_422 : vector<1x1x16xf32> to vector<16xf32>
        %parallel_loop3A_424 = arith.constant 0 : i32
        %parallel_loop3A_425 = arith.index_cast %parallel_loop3A_424 : i32 to index
        %parallel_loop3A_426 = arith.index_cast %parallel_loop3A_277 : i32 to index
        %parallel_loop3A_427 = arith.constant 64 : index
        %parallel_loop3A_428 = tpu.vector_load %arg13[%parallel_loop3A_425, %parallel_loop3A_426, %parallel_loop3A_427] {strides = array<i32>} : memref<2x40x128xf32, #tpu.memory_space<vmem>>, vector<1x1x16xf32>,
        %parallel_loop3A_429 = vector.shape_cast %parallel_loop3A_428 : vector<1x1x16xf32> to vector<16xf32>
        %parallel_loop3A_430 = arith.addf %parallel_loop3A_423, %parallel_loop3A_429 : vector<16xf32>
        %parallel_loop3A_431 = arith.constant 0 : i32
        %parallel_loop3A_432 = arith.index_cast %parallel_loop3A_431 : i32 to index
        %parallel_loop3A_433 = arith.index_cast %parallel_loop3A_277 : i32 to index
        %parallel_loop3A_434 = arith.constant 64 : index
        %parallel_loop3A_435 = tpu.vector_load %arg14[%parallel_loop3A_432, %parallel_loop3A_433, %parallel_loop3A_434] {strides = array<i32>} : memref<2x40x128xf32, #tpu.memory_space<vmem>>, vector<1x1x16xf32>,
        %parallel_loop3A_436 = vector.shape_cast %parallel_loop3A_435 : vector<1x1x16xf32> to vector<16xf32>
        %parallel_loop3A_437 = arith.addf %parallel_loop3A_430, %parallel_loop3A_436 : vector<16xf32>
        %parallel_loop3A_438 = math.exp %parallel_loop3A_437 : vector<16xf32>
        %parallel_loop3A_439 = arith.constant 1.000000e+00 : f32
        %parallel_loop3A_440 = vector.broadcast %parallel_loop3A_439 : f32 to vector<16xf32>
        %parallel_loop3A_441 = arith.subf %parallel_loop3A_438, %parallel_loop3A_440 : vector<16xf32>
        %parallel_loop3A_442 = arith.constant 0.000000e+00 : f32
        %parallel_loop3A_443 = vector.broadcast %parallel_loop3A_442 : f32 to vector<16xf32>
        %parallel_loop3A_444 = arith.cmpf ogt, %parallel_loop3A_437, %parallel_loop3A_443 : vector<16xf32>
        %parallel_loop3A_445 = arith.select %parallel_loop3A_444, %parallel_loop3A_437, %parallel_loop3A_441 : vector<16xi1>, vector<16xf32>
        %parallel_loop3A_446 = arith.constant 0 : i32
        %parallel_loop3A_447 = arith.index_cast %parallel_loop3A_446 : i32 to index
        %parallel_loop3A_448 = arith.index_cast %parallel_loop3A_277 : i32 to index
        %parallel_loop3A_449 = arith.constant 64 : index
        %parallel_loop3A_450 = tpu.vector_load %arg15[%parallel_loop3A_447, %parallel_loop3A_448, %parallel_loop3A_449] {strides = array<i32>} : memref<2x40x136xf32, #tpu.memory_space<vmem>>, vector<1x1x16xf32>,
        %parallel_loop3A_451 = vector.shape_cast %parallel_loop3A_450 : vector<1x1x16xf32> to vector<16xf32>
        %parallel_loop3A_452 = vector.shape_cast %parallel_loop3A_445 : vector<16xf32> to vector<1x1x16xf32>
        tpu.vector_store %arg15[%parallel_loop3A_447, %parallel_loop3A_448, %parallel_loop3A_449], %parallel_loop3A_452 {strides = array<i32>} : memref<2x40x136xf32, #tpu.memory_space<vmem>>, vector<1x1x16xf32>,
        %parallel_loop3A_453 = arith.constant 0 : i32
        %parallel_loop3A_454 = arith.index_cast %parallel_loop3A_453 : i32 to index
        %parallel_loop3A_455 = arith.index_cast %parallel_loop3A_277 : i32 to index
        %parallel_loop3A_456 = arith.constant 80 : index
        %parallel_loop3A_457 = tpu.vector_load %arg12[%parallel_loop3A_454, %parallel_loop3A_455, %parallel_loop3A_456] {strides = array<i32>} : memref<2x40x128xf32, #tpu.memory_space<vmem>>, vector<1x1x16xf32>,
        %parallel_loop3A_458 = vector.shape_cast %parallel_loop3A_457 : vector<1x1x16xf32> to vector<16xf32>
        %parallel_loop3A_459 = arith.constant 0 : i32
        %parallel_loop3A_460 = arith.index_cast %parallel_loop3A_459 : i32 to index
        %parallel_loop3A_461 = arith.index_cast %parallel_loop3A_277 : i32 to index
        %parallel_loop3A_462 = arith.constant 80 : index
        %parallel_loop3A_463 = tpu.vector_load %arg13[%parallel_loop3A_460, %parallel_loop3A_461, %parallel_loop3A_462] {strides = array<i32>} : memref<2x40x128xf32, #tpu.memory_space<vmem>>, vector<1x1x16xf32>,
        %parallel_loop3A_464 = vector.shape_cast %parallel_loop3A_463 : vector<1x1x16xf32> to vector<16xf32>
        %parallel_loop3A_465 = arith.addf %parallel_loop3A_458, %parallel_loop3A_464 : vector<16xf32>
        %parallel_loop3A_466 = arith.constant 0 : i32
        %parallel_loop3A_467 = arith.index_cast %parallel_loop3A_466 : i32 to index
        %parallel_loop3A_468 = arith.index_cast %parallel_loop3A_277 : i32 to index
        %parallel_loop3A_469 = arith.constant 80 : index
        %parallel_loop3A_470 = tpu.vector_load %arg14[%parallel_loop3A_467, %parallel_loop3A_468, %parallel_loop3A_469] {strides = array<i32>} : memref<2x40x128xf32, #tpu.memory_space<vmem>>, vector<1x1x16xf32>,
        %parallel_loop3A_471 = vector.shape_cast %parallel_loop3A_470 : vector<1x1x16xf32> to vector<16xf32>
        %parallel_loop3A_472 = arith.addf %parallel_loop3A_465, %parallel_loop3A_471 : vector<16xf32>
        %parallel_loop3A_473 = math.exp %parallel_loop3A_472 : vector<16xf32>
        %parallel_loop3A_474 = arith.constant 1.000000e+00 : f32
        %parallel_loop3A_475 = vector.broadcast %parallel_loop3A_474 : f32 to vector<16xf32>
        %parallel_loop3A_476 = arith.subf %parallel_loop3A_473, %parallel_loop3A_475 : vector<16xf32>
        %parallel_loop3A_477 = arith.constant 0.000000e+00 : f32
        %parallel_loop3A_478 = vector.broadcast %parallel_loop3A_477 : f32 to vector<16xf32>
        %parallel_loop3A_479 = arith.cmpf ogt, %parallel_loop3A_472, %parallel_loop3A_478 : vector<16xf32>
        %parallel_loop3A_480 = arith.select %parallel_loop3A_479, %parallel_loop3A_472, %parallel_loop3A_476 : vector<16xi1>, vector<16xf32>
        %parallel_loop3A_481 = arith.constant 0 : i32
        %parallel_loop3A_482 = arith.index_cast %parallel_loop3A_481 : i32 to index
        %parallel_loop3A_483 = arith.index_cast %parallel_loop3A_277 : i32 to index
        %parallel_loop3A_484 = arith.constant 80 : index
        %parallel_loop3A_485 = tpu.vector_load %arg15[%parallel_loop3A_482, %parallel_loop3A_483, %parallel_loop3A_484] {strides = array<i32>} : memref<2x40x136xf32, #tpu.memory_space<vmem>>, vector<1x1x16xf32>,
        %parallel_loop3A_486 = vector.shape_cast %parallel_loop3A_485 : vector<1x1x16xf32> to vector<16xf32>
        %parallel_loop3A_487 = vector.shape_cast %parallel_loop3A_480 : vector<16xf32> to vector<1x1x16xf32>
        tpu.vector_store %arg15[%parallel_loop3A_482, %parallel_loop3A_483, %parallel_loop3A_484], %parallel_loop3A_487 {strides = array<i32>} : memref<2x40x136xf32, #tpu.memory_space<vmem>>, vector<1x1x16xf32>,
        %parallel_loop3A_488 = arith.constant 0 : i32
        %parallel_loop3A_489 = arith.index_cast %parallel_loop3A_488 : i32 to index
        %parallel_loop3A_490 = arith.index_cast %parallel_loop3A_277 : i32 to index
        %parallel_loop3A_491 = arith.constant 96 : index
        %parallel_loop3A_492 = tpu.vector_load %arg12[%parallel_loop3A_489, %parallel_loop3A_490, %parallel_loop3A_491] {strides = array<i32>} : memref<2x40x128xf32, #tpu.memory_space<vmem>>, vector<1x1x16xf32>,
        %parallel_loop3A_493 = vector.shape_cast %parallel_loop3A_492 : vector<1x1x16xf32> to vector<16xf32>
        %parallel_loop3A_494 = arith.constant 0 : i32
        %parallel_loop3A_495 = arith.index_cast %parallel_loop3A_494 : i32 to index
        %parallel_loop3A_496 = arith.index_cast %parallel_loop3A_277 : i32 to index
        %parallel_loop3A_497 = arith.constant 96 : index
        %parallel_loop3A_498 = tpu.vector_load %arg13[%parallel_loop3A_495, %parallel_loop3A_496, %parallel_loop3A_497] {strides = array<i32>} : memref<2x40x128xf32, #tpu.memory_space<vmem>>, vector<1x1x16xf32>,
        %parallel_loop3A_499 = vector.shape_cast %parallel_loop3A_498 : vector<1x1x16xf32> to vector<16xf32>
        %parallel_loop3A_500 = arith.addf %parallel_loop3A_493, %parallel_loop3A_499 : vector<16xf32>
        %parallel_loop3A_501 = arith.constant 0 : i32
        %parallel_loop3A_502 = arith.index_cast %parallel_loop3A_501 : i32 to index
        %parallel_loop3A_503 = arith.index_cast %parallel_loop3A_277 : i32 to index
        %parallel_loop3A_504 = arith.constant 96 : index
        %parallel_loop3A_505 = tpu.vector_load %arg14[%parallel_loop3A_502, %parallel_loop3A_503, %parallel_loop3A_504] {strides = array<i32>} : memref<2x40x128xf32, #tpu.memory_space<vmem>>, vector<1x1x16xf32>,
        %parallel_loop3A_506 = vector.shape_cast %parallel_loop3A_505 : vector<1x1x16xf32> to vector<16xf32>
        %parallel_loop3A_507 = arith.addf %parallel_loop3A_500, %parallel_loop3A_506 : vector<16xf32>
        %parallel_loop3A_508 = math.exp %parallel_loop3A_507 : vector<16xf32>
        %parallel_loop3A_509 = arith.constant 1.000000e+00 : f32
        %parallel_loop3A_510 = vector.broadcast %parallel_loop3A_509 : f32 to vector<16xf32>
        %parallel_loop3A_511 = arith.subf %parallel_loop3A_508, %parallel_loop3A_510 : vector<16xf32>
        %parallel_loop3A_512 = arith.constant 0.000000e+00 : f32
        %parallel_loop3A_513 = vector.broadcast %parallel_loop3A_512 : f32 to vector<16xf32>
        %parallel_loop3A_514 = arith.cmpf ogt, %parallel_loop3A_507, %parallel_loop3A_513 : vector<16xf32>
        %parallel_loop3A_515 = arith.select %parallel_loop3A_514, %parallel_loop3A_507, %parallel_loop3A_511 : vector<16xi1>, vector<16xf32>
        %parallel_loop3A_516 = arith.constant 0 : i32
        %parallel_loop3A_517 = arith.index_cast %parallel_loop3A_516 : i32 to index
        %parallel_loop3A_518 = arith.index_cast %parallel_loop3A_277 : i32 to index
        %parallel_loop3A_519 = arith.constant 96 : index
        %parallel_loop3A_520 = tpu.vector_load %arg15[%parallel_loop3A_517, %parallel_loop3A_518, %parallel_loop3A_519] {strides = array<i32>} : memref<2x40x136xf32, #tpu.memory_space<vmem>>, vector<1x1x16xf32>,
        %parallel_loop3A_521 = vector.shape_cast %parallel_loop3A_520 : vector<1x1x16xf32> to vector<16xf32>
        %parallel_loop3A_522 = vector.shape_cast %parallel_loop3A_515 : vector<16xf32> to vector<1x1x16xf32>
        tpu.vector_store %arg15[%parallel_loop3A_517, %parallel_loop3A_518, %parallel_loop3A_519], %parallel_loop3A_522 {strides = array<i32>} : memref<2x40x136xf32, #tpu.memory_space<vmem>>, vector<1x1x16xf32>,
        %parallel_loop3A_523 = arith.constant 0 : i32
        %parallel_loop3A_524 = arith.index_cast %parallel_loop3A_523 : i32 to index
        %parallel_loop3A_525 = arith.index_cast %parallel_loop3A_277 : i32 to index
        %parallel_loop3A_526 = arith.constant 112 : index
        %parallel_loop3A_527 = tpu.vector_load %arg12[%parallel_loop3A_524, %parallel_loop3A_525, %parallel_loop3A_526] {strides = array<i32>} : memref<2x40x128xf32, #tpu.memory_space<vmem>>, vector<1x1x16xf32>,
        %parallel_loop3A_528 = vector.shape_cast %parallel_loop3A_527 : vector<1x1x16xf32> to vector<16xf32>
        %parallel_loop3A_529 = arith.constant 0 : i32
        %parallel_loop3A_530 = arith.index_cast %parallel_loop3A_529 : i32 to index
        %parallel_loop3A_531 = arith.index_cast %parallel_loop3A_277 : i32 to index
        %parallel_loop3A_532 = arith.constant 112 : index
        %parallel_loop3A_533 = tpu.vector_load %arg13[%parallel_loop3A_530, %parallel_loop3A_531, %parallel_loop3A_532] {strides = array<i32>} : memref<2x40x128xf32, #tpu.memory_space<vmem>>, vector<1x1x16xf32>,
        %parallel_loop3A_534 = vector.shape_cast %parallel_loop3A_533 : vector<1x1x16xf32> to vector<16xf32>
        %parallel_loop3A_535 = arith.addf %parallel_loop3A_528, %parallel_loop3A_534 : vector<16xf32>
        %parallel_loop3A_536 = arith.constant 0 : i32
        %parallel_loop3A_537 = arith.index_cast %parallel_loop3A_536 : i32 to index
        %parallel_loop3A_538 = arith.index_cast %parallel_loop3A_277 : i32 to index
        %parallel_loop3A_539 = arith.constant 112 : index
        %parallel_loop3A_540 = tpu.vector_load %arg14[%parallel_loop3A_537, %parallel_loop3A_538, %parallel_loop3A_539] {strides = array<i32>} : memref<2x40x128xf32, #tpu.memory_space<vmem>>, vector<1x1x16xf32>,
        %parallel_loop3A_541 = vector.shape_cast %parallel_loop3A_540 : vector<1x1x16xf32> to vector<16xf32>
        %parallel_loop3A_542 = arith.addf %parallel_loop3A_535, %parallel_loop3A_541 : vector<16xf32>
        %parallel_loop3A_543 = math.exp %parallel_loop3A_542 : vector<16xf32>
        %parallel_loop3A_544 = arith.constant 1.000000e+00 : f32
        %parallel_loop3A_545 = vector.broadcast %parallel_loop3A_544 : f32 to vector<16xf32>
        %parallel_loop3A_546 = arith.subf %parallel_loop3A_543, %parallel_loop3A_545 : vector<16xf32>
        %parallel_loop3A_547 = arith.constant 0.000000e+00 : f32
        %parallel_loop3A_548 = vector.broadcast %parallel_loop3A_547 : f32 to vector<16xf32>
        %parallel_loop3A_549 = arith.cmpf ogt, %parallel_loop3A_542, %parallel_loop3A_548 : vector<16xf32>
        %parallel_loop3A_550 = arith.select %parallel_loop3A_549, %parallel_loop3A_542, %parallel_loop3A_546 : vector<16xi1>, vector<16xf32>
        %parallel_loop3A_551 = arith.constant 0 : i32
        %parallel_loop3A_552 = arith.index_cast %parallel_loop3A_551 : i32 to index
        %parallel_loop3A_553 = arith.index_cast %parallel_loop3A_277 : i32 to index
        %parallel_loop3A_554 = arith.constant 112 : index
        %parallel_loop3A_555 = tpu.vector_load %arg15[%parallel_loop3A_552, %parallel_loop3A_553, %parallel_loop3A_554] {strides = array<i32>} : memref<2x40x136xf32, #tpu.memory_space<vmem>>, vector<1x1x16xf32>,
        %parallel_loop3A_556 = vector.shape_cast %parallel_loop3A_555 : vector<1x1x16xf32> to vector<16xf32>
        %parallel_loop3A_557 = vector.shape_cast %parallel_loop3A_550 : vector<16xf32> to vector<1x1x16xf32>
        tpu.vector_store %arg15[%parallel_loop3A_552, %parallel_loop3A_553, %parallel_loop3A_554], %parallel_loop3A_557 {strides = array<i32>} : memref<2x40x136xf32, #tpu.memory_space<vmem>>, vector<1x1x16xf32>,
      } {sc.loop_unroll_factor = 4 : i64, sc.parallel_access}
      %dma_wait3A_167 = arith.constant 0 : i32
      %dma_wait3A_168 = arith.constant 0 : i32
      %dma_wait3A_169 = tpu.memref_slice %arg11[%dma_wait3A_167, %dma_wait3A_168] : memref<2x40xi32, #tpu.memory_space<vmem>> -> memref<1x40xi32, #tpu.memory_space<vmem>>
      %dma_wait3A_170 = arith.constant 0 : i32
      %dma_wait3A_171 = arith.constant 0 : i32
      %dma_wait3A_172 = tpu.memref_slice %arg6[%dma_wait3A_170, %dma_wait3A_171] : memref<8000x40xi32, #tpu.memory_space<hbm>> -> memref<1x40xi32, #tpu.memory_space<hbm>>
      %dma_wait3A_173 = arith.constant 0 : i32
      %dma_wait3A_174 = arith.constant 0 : i32
      %dma_wait3A_175 = tpu.memref_slice %arg11[%dma_wait3A_173, %dma_wait3A_174] : memref<2x40xi32, #tpu.memory_space<vmem>> -> memref<1x40xi32, #tpu.memory_space<vmem>>
      %dma_wait3A_176 = arith.constant 0 : i32
      %dma_wait3A_177 = arith.constant 0 : i32
      %dma_wait3A_178 = tpu.memref_slice %arg6[%dma_wait3A_176, %dma_wait3A_177] : memref<8000x40xi32, #tpu.memory_space<hbm>> -> memref<1x40xi32, #tpu.memory_space<hbm>>
      tpu.wait_dma2 semaphore(%arg19 : memref<!tpu.dma_semaphore, #tpu.memory_space<semaphore_mem>>) src(%dma_wait3A_178 : memref<1x40xi32, #tpu.memory_space<hbm>>) dst(%dma_wait3A_175 : memref<1x40xi32, #tpu.memory_space<vmem>>)
      %dma_start3A_179 = arith.constant 0 : i32
      %dma_start3A_180 = arith.constant 0 : i32
      %dma_start3A_181 = arith.constant 0 : i32
      %dma_start3A_182 = arith.constant 0 : i32
      %dma_start3A_183 = tpu.memref_slice %arg15[%dma_start3A_179, %dma_start3A_181, %dma_start3A_182] : memref<2x40x136xf32, #tpu.memory_space<vmem>> -> memref<1x40x136xf32, #tpu.memory_space<vmem>>
      %dma_start3A_184 = tpu.memref_squeeze %dma_start3A_183 : memref<1x40x136xf32, #tpu.memory_space<vmem>> -> memref<40x136xf32, #tpu.memory_space<vmem>>
      %dma_start3A_185 = arith.constant 0 : i32
      %dma_start3A_186 = tpu.memref_slice %arg11[%dma_start3A_180, %dma_start3A_185] : memref<2x40xi32, #tpu.memory_space<vmem>> -> memref<1x40xi32, #tpu.memory_space<vmem>>
      %dma_start3A_187 = tpu.memref_squeeze %dma_start3A_186 : memref<1x40xi32, #tpu.memory_space<vmem>> -> memref<40xi32, #tpu.memory_space<vmem>>
      %dma_start3A_188 = arith.constant 0 : i32
      %dma_start3A_189 = arith.constant 0 : i32
      %dma_start3A_190 = tpu.memref_slice %arg16[%dma_start3A_188, %dma_start3A_189] : memref<10000x136xf32, #tpu.memory_space<vmem_shared>> -> memref<10000x136xf32, #tpu.memory_space<vmem_shared>>
      tpu.enqueue_indirect_dma source(%dma_start3A_184 : memref<40x136xf32, #tpu.memory_space<vmem>>) target(%dma_start3A_190 : memref<10000x136xf32, #tpu.memory_space<vmem_shared>>) offsets(%dma_start3A_187 : memref<40xi32, #tpu.memory_space<vmem>>) semaphore(%arg23 : memref<!tpu.dma_semaphore, #tpu.memory_space<semaphore_mem>>) {add = true}
      %mul3A_191 = arith.constant 2 : i32
      %mul3A_192 = arith.muli %mul3A_191, %add3A_108 : i32
      %add3A_193 = arith.constant 1 : i32
      %add3A_194 = arith.addi %mul3A_192, %add3A_193 : i32
      %add3A_195 = arith.constant 1 : i32
      %add3A_196 = arith.addi %add3A_194, %add3A_195 : i32
      %lt3A_197 = arith.constant 250 : i32
      %lt3A_198 = arith.cmpi slt, %add3A_196, %lt3A_197 : i32
      %convert_element_type3A_199 = arith.extui %lt3A_198 : i1 to i32
      %cond3A_200 = arith.constant 0 : i32
      %cond3A_201 = arith.cmpi ne, %convert_element_type3A_199, %cond3A_200 : i32
      scf.if %cond3A_201 {
        %dma_wait3A_277 = arith.constant 0 : i32
        %dma_wait3A_278 = arith.constant 0 : i32
        %dma_wait3A_279 = arith.constant 0 : i32
        %dma_wait3A_280 = tpu.memref_slice %arg10[%dma_wait3A_277, %dma_wait3A_278, %dma_wait3A_279] : memref<2x2x40xi32, #tpu.memory_space<vmem>> -> memref<1x2x40xi32, #tpu.memory_space<vmem>>
        %dma_wait3A_281 = arith.constant 0 : i32
        %dma_wait3A_282 = arith.constant 0 : i32
        %dma_wait3A_283 = arith.constant 0 : i32
        %dma_wait3A_284 = tpu.memref_slice %arg5[%dma_wait3A_281, %dma_wait3A_282, %dma_wait3A_283] : memref<8000x2x40xi32, #tpu.memory_space<hbm>> -> memref<1x2x40xi32, #tpu.memory_space<hbm>>
        %dma_wait3A_285 = arith.constant 0 : i32
        %dma_wait3A_286 = arith.constant 0 : i32
        %dma_wait3A_287 = arith.constant 0 : i32
        %dma_wait3A_288 = tpu.memref_slice %arg10[%dma_wait3A_285, %dma_wait3A_286, %dma_wait3A_287] : memref<2x2x40xi32, #tpu.memory_space<vmem>> -> memref<1x2x40xi32, #tpu.memory_space<vmem>>
        %dma_wait3A_289 = arith.constant 0 : i32
        %dma_wait3A_290 = arith.constant 0 : i32
        %dma_wait3A_291 = arith.constant 0 : i32
        %dma_wait3A_292 = tpu.memref_slice %arg5[%dma_wait3A_289, %dma_wait3A_290, %dma_wait3A_291] : memref<8000x2x40xi32, #tpu.memory_space<hbm>> -> memref<1x2x40xi32, #tpu.memory_space<hbm>>
        tpu.wait_dma2 semaphore(%arg17 : memref<!tpu.dma_semaphore, #tpu.memory_space<semaphore_mem>>) src(%dma_wait3A_292 : memref<1x2x40xi32, #tpu.memory_space<hbm>>) dst(%dma_wait3A_288 : memref<1x2x40xi32, #tpu.memory_space<vmem>>)
        %add3A_293 = arith.constant 1 : i32
        %add3A_294 = arith.addi %add3A_194, %add3A_293 : i32
        %add3A_295 = arith.addi %mul3A_2, %add3A_294 : i32
        %mul3A_296 = arith.constant 40 : i32
        %mul3A_297 = arith.muli %add3A_295, %mul3A_296 : i32
        %dma_start3A_298 = arith.constant 0 : i32
        %dma_start3A_299 = arith.constant 0 : i32
        %dma_start3A_300 = arith.constant 0 : i32
        %dma_start3A_301 = tpu.memref_slice %arg14[%dma_start3A_298, %dma_start3A_299, %dma_start3A_300] : memref<2x40x128xf32, #tpu.memory_space<vmem>> -> memref<1x40x128xf32, #tpu.memory_space<vmem>>
        %dma_start3A_302 = tpu.memref_squeeze %dma_start3A_301 : memref<1x40x128xf32, #tpu.memory_space<vmem>> -> memref<40x128xf32, #tpu.memory_space<vmem>>
        %dma_start3A_303 = arith.constant 0 : i32
        %dma_start3A_304 = tpu.memref_slice %arg4[%mul3A_297, %dma_start3A_303] : memref<320000x128xf32, #tpu.memory_space<hbm>> -> memref<40x128xf32, #tpu.memory_space<hbm>>
        %dma_start3A_305 = arith.constant 0 : i32
        %dma_start3A_306 = arith.constant 0 : i32
        %dma_start3A_307 = tpu.memref_slice %arg14[%dma_start3A_298, %dma_start3A_305, %dma_start3A_306] : memref<2x40x128xf32, #tpu.memory_space<vmem>> -> memref<1x40x128xf32, #tpu.memory_space<vmem>>
        %dma_start3A_308 = tpu.memref_squeeze %dma_start3A_307 : memref<1x40x128xf32, #tpu.memory_space<vmem>> -> memref<40x128xf32, #tpu.memory_space<vmem>>
        %dma_start3A_309 = arith.constant 0 : i32
        %dma_start3A_310 = tpu.memref_slice %arg4[%mul3A_297, %dma_start3A_309] : memref<320000x128xf32, #tpu.memory_space<hbm>> -> memref<40x128xf32, #tpu.memory_space<hbm>>
        tpu.enqueue_dma source(%dma_start3A_310 : memref<40x128xf32, #tpu.memory_space<hbm>>) target(%dma_start3A_308 : memref<40x128xf32, #tpu.memory_space<vmem>>) target_semaphore(%arg21 : memref<!tpu.dma_semaphore, #tpu.memory_space<semaphore_mem>>)
        %dma_start3A_311 = arith.constant 0 : i32
        %dma_start3A_312 = arith.constant 0 : i32
        %dma_start3A_313 = arith.constant 0 : i32
        %dma_start3A_314 = arith.constant 0 : i32
        %dma_start3A_315 = arith.constant 0 : i32
        %dma_start3A_316 = tpu.memref_slice %arg12[%dma_start3A_313, %dma_start3A_314, %dma_start3A_315] : memref<2x40x128xf32, #tpu.memory_space<vmem>> -> memref<1x40x128xf32, #tpu.memory_space<vmem>>
        %dma_start3A_317 = tpu.memref_squeeze %dma_start3A_316 : memref<1x40x128xf32, #tpu.memory_space<vmem>> -> memref<40x128xf32, #tpu.memory_space<vmem>>
        %dma_start3A_318 = arith.constant 0 : i32
        %dma_start3A_319 = tpu.memref_slice %arg10[%dma_start3A_311, %dma_start3A_312, %dma_start3A_318] : memref<2x2x40xi32, #tpu.memory_space<vmem>> -> memref<1x1x40xi32, #tpu.memory_space<vmem>>
        %dma_start3A_320 = tpu.memref_squeeze %dma_start3A_319 : memref<1x1x40xi32, #tpu.memory_space<vmem>> -> memref<40xi32, #tpu.memory_space<vmem>>
        %dma_start3A_321 = arith.constant 0 : i32
        %dma_start3A_322 = arith.constant 0 : i32
        %dma_start3A_323 = tpu.memref_slice %arg2[%dma_start3A_321, %dma_start3A_322] : memref<10000x128xf32, #tpu.memory_space<hbm>> -> memref<10000x128xf32, #tpu.memory_space<hbm>>
        tpu.enqueue_indirect_dma source(%dma_start3A_323 : memref<10000x128xf32, #tpu.memory_space<hbm>>) target(%dma_start3A_317 : memref<40x128xf32, #tpu.memory_space<vmem>>) offsets(%dma_start3A_320 : memref<40xi32, #tpu.memory_space<vmem>>) semaphore(%arg21 : memref<!tpu.dma_semaphore, #tpu.memory_space<semaphore_mem>>)
        %dma_start3A_324 = arith.constant 0 : i32
        %dma_start3A_325 = arith.constant 1 : i32
        %dma_start3A_326 = arith.constant 0 : i32
        %dma_start3A_327 = arith.constant 0 : i32
        %dma_start3A_328 = arith.constant 0 : i32
        %dma_start3A_329 = tpu.memref_slice %arg13[%dma_start3A_326, %dma_start3A_327, %dma_start3A_328] : memref<2x40x128xf32, #tpu.memory_space<vmem>> -> memref<1x40x128xf32, #tpu.memory_space<vmem>>
        %dma_start3A_330 = tpu.memref_squeeze %dma_start3A_329 : memref<1x40x128xf32, #tpu.memory_space<vmem>> -> memref<40x128xf32, #tpu.memory_space<vmem>>
        %dma_start3A_331 = arith.constant 0 : i32
        %dma_start3A_332 = tpu.memref_slice %arg10[%dma_start3A_324, %dma_start3A_325, %dma_start3A_331] : memref<2x2x40xi32, #tpu.memory_space<vmem>> -> memref<1x1x40xi32, #tpu.memory_space<vmem>>
        %dma_start3A_333 = tpu.memref_squeeze %dma_start3A_332 : memref<1x1x40xi32, #tpu.memory_space<vmem>> -> memref<40xi32, #tpu.memory_space<vmem>>
        %dma_start3A_334 = arith.constant 0 : i32
        %dma_start3A_335 = arith.constant 0 : i32
        %dma_start3A_336 = tpu.memref_slice %arg3[%dma_start3A_334, %dma_start3A_335] : memref<10000x128xf32, #tpu.memory_space<hbm>> -> memref<10000x128xf32, #tpu.memory_space<hbm>>
        tpu.enqueue_indirect_dma source(%dma_start3A_336 : memref<10000x128xf32, #tpu.memory_space<hbm>>) target(%dma_start3A_330 : memref<40x128xf32, #tpu.memory_space<vmem>>) offsets(%dma_start3A_333 : memref<40xi32, #tpu.memory_space<vmem>>) semaphore(%arg21 : memref<!tpu.dma_semaphore, #tpu.memory_space<semaphore_mem>>)
        %ge3A = arith.constant 1 : i32
        %ge3A_337 = arith.cmpi sge, %add3A_194, %ge3A : i32
        %convert_element_type3A_338 = arith.extui %ge3A_337 : i1 to i32
        %cond3A_339 = arith.constant 0 : i32
        %cond3A_340 = arith.cmpi ne, %convert_element_type3A_338, %cond3A_339 : i32
        scf.if %cond3A_340 {
          %dma_wait3A_354 = arith.constant 0 : i32
          %dma_wait3A_355 = arith.constant 0 : i32
          %dma_wait3A_356 = arith.constant 0 : i32
          %dma_wait3A_357 = arith.constant 0 : i32
          %dma_wait3A_358 = tpu.memref_slice %arg15[%dma_wait3A_354, %dma_wait3A_356, %dma_wait3A_357] : memref<2x40x136xf32, #tpu.memory_space<vmem>> -> memref<1x40x136xf32, #tpu.memory_space<vmem>>
          %dma_wait3A_359 = tpu.memref_squeeze %dma_wait3A_358 : memref<1x40x136xf32, #tpu.memory_space<vmem>> -> memref<40x136xf32, #tpu.memory_space<vmem>>
          %dma_wait3A_360 = arith.constant 0 : i32
          %dma_wait3A_361 = tpu.memref_slice %arg11[%dma_wait3A_355, %dma_wait3A_360] : memref<2x40xi32, #tpu.memory_space<vmem>> -> memref<1x40xi32, #tpu.memory_space<vmem>>
          %dma_wait3A_362 = tpu.memref_squeeze %dma_wait3A_361 : memref<1x40xi32, #tpu.memory_space<vmem>> -> memref<40xi32, #tpu.memory_space<vmem>>
          %dma_wait3A_363 = arith.constant 0 : i32
          %dma_wait3A_364 = arith.constant 0 : i32
          %dma_wait3A_365 = tpu.memref_slice %arg16[%dma_wait3A_363, %dma_wait3A_364] : memref<10000x136xf32, #tpu.memory_space<vmem_shared>> -> memref<10000x136xf32, #tpu.memory_space<vmem_shared>>
          tpu.wait_indirect_dma semaphore(%arg23 : memref<!tpu.dma_semaphore, #tpu.memory_space<semaphore_mem>>) src(%dma_wait3A_359 : memref<40x136xf32, #tpu.memory_space<vmem>>) dst(%dma_wait3A_365 : memref<10000x136xf32, #tpu.memory_space<vmem_shared>>)
        } else {
        }
        %add3A_341 = arith.addi %mul3A_2, %add3A_194 : i32
        %add3A_342 = arith.constant 1 : i32
        %add3A_343 = arith.addi %add3A_341, %add3A_342 : i32
        %dma_start3A_344 = arith.constant 0 : i32
        %dma_start3A_345 = arith.constant 0 : i32
        %dma_start3A_346 = tpu.memref_slice %arg11[%dma_start3A_344, %dma_start3A_345] : memref<2x40xi32, #tpu.memory_space<vmem>> -> memref<1x40xi32, #tpu.memory_space<vmem>>
        %dma_start3A_347 = arith.constant 0 : i32
        %dma_start3A_348 = tpu.memref_slice %arg6[%add3A_343, %dma_start3A_347] : memref<8000x40xi32, #tpu.memory_space<hbm>> -> memref<1x40xi32, #tpu.memory_space<hbm>>
        %dma_start3A_349 = arith.constant 0 : i32
        %dma_start3A_350 = arith.constant 0 : i32
        %dma_start3A_351 = tpu.memref_slice %arg11[%dma_start3A_349, %dma_start3A_350] : memref<2x40xi32, #tpu.memory_space<vmem>> -> memref<1x40xi32, #tpu.memory_space<vmem>>
        %dma_start3A_352 = arith.constant 0 : i32
        %dma_start3A_353 = tpu.memref_slice %arg6[%add3A_343, %dma_start3A_352] : memref<8000x40xi32, #tpu.memory_space<hbm>> -> memref<1x40xi32, #tpu.memory_space<hbm>>
        tpu.enqueue_dma source(%dma_start3A_353 : memref<1x40xi32, #tpu.memory_space<hbm>>) target(%dma_start3A_351 : memref<1x40xi32, #tpu.memory_space<vmem>>) target_semaphore(%arg19 : memref<!tpu.dma_semaphore, #tpu.memory_space<semaphore_mem>>)
      } else {
      }
      %dma_wait3A_202 = arith.constant 1 : i32
      %dma_wait3A_203 = arith.constant 0 : i32
      %dma_wait3A_204 = arith.constant 0 : i32
      %dma_wait3A_205 = tpu.memref_slice %arg14[%dma_wait3A_202, %dma_wait3A_203, %dma_wait3A_204] : memref<2x40x128xf32, #tpu.memory_space<vmem>> -> memref<1x40x128xf32, #tpu.memory_space<vmem>>
      %dma_wait3A_206 = tpu.memref_squeeze %dma_wait3A_205 : memref<1x40x128xf32, #tpu.memory_space<vmem>> -> memref<40x128xf32, #tpu.memory_space<vmem>>
      %dma_wait3A_207 = arith.constant 0 : i32
      %dma_wait3A_208 = arith.constant 0 : i32
      %dma_wait3A_209 = tpu.memref_slice %arg4[%dma_wait3A_207, %dma_wait3A_208] : memref<320000x128xf32, #tpu.memory_space<hbm>> -> memref<40x128xf32, #tpu.memory_space<hbm>>
      %dma_wait3A_210 = arith.constant 0 : i32
      %dma_wait3A_211 = arith.constant 0 : i32
      %dma_wait3A_212 = tpu.memref_slice %arg14[%dma_wait3A_202, %dma_wait3A_210, %dma_wait3A_211] : memref<2x40x128xf32, #tpu.memory_space<vmem>> -> memref<1x40x128xf32, #tpu.memory_space<vmem>>
      %dma_wait3A_213 = tpu.memref_squeeze %dma_wait3A_212 : memref<1x40x128xf32, #tpu.memory_space<vmem>> -> memref<40x128xf32, #tpu.memory_space<vmem>>
      %dma_wait3A_214 = arith.constant 0 : i32
      %dma_wait3A_215 = arith.constant 0 : i32
      %dma_wait3A_216 = tpu.memref_slice %arg4[%dma_wait3A_214, %dma_wait3A_215] : memref<320000x128xf32, #tpu.memory_space<hbm>> -> memref<40x128xf32, #tpu.memory_space<hbm>>
      tpu.wait_dma2 semaphore(%arg22 : memref<!tpu.dma_semaphore, #tpu.memory_space<semaphore_mem>>) src(%dma_wait3A_216 : memref<40x128xf32, #tpu.memory_space<hbm>>) dst(%dma_wait3A_213 : memref<40x128xf32, #tpu.memory_space<vmem>>)
      %dma_wait3A_217 = arith.constant 1 : i32
      %dma_wait3A_218 = arith.constant 0 : i32
      %dma_wait3A_219 = arith.constant 1 : i32
      %dma_wait3A_220 = arith.constant 0 : i32
      %dma_wait3A_221 = arith.constant 0 : i32
      %dma_wait3A_222 = tpu.memref_slice %arg12[%dma_wait3A_219, %dma_wait3A_220, %dma_wait3A_221] : memref<2x40x128xf32, #tpu.memory_space<vmem>> -> memref<1x40x128xf32, #tpu.memory_space<vmem>>
      %dma_wait3A_223 = tpu.memref_squeeze %dma_wait3A_222 : memref<1x40x128xf32, #tpu.memory_space<vmem>> -> memref<40x128xf32, #tpu.memory_space<vmem>>
      %dma_wait3A_224 = arith.constant 0 : i32
      %dma_wait3A_225 = tpu.memref_slice %arg10[%dma_wait3A_217, %dma_wait3A_218, %dma_wait3A_224] : memref<2x2x40xi32, #tpu.memory_space<vmem>> -> memref<1x1x40xi32, #tpu.memory_space<vmem>>
      %dma_wait3A_226 = tpu.memref_squeeze %dma_wait3A_225 : memref<1x1x40xi32, #tpu.memory_space<vmem>> -> memref<40xi32, #tpu.memory_space<vmem>>
      %dma_wait3A_227 = arith.constant 0 : i32
      %dma_wait3A_228 = arith.constant 0 : i32
      %dma_wait3A_229 = tpu.memref_slice %arg2[%dma_wait3A_227, %dma_wait3A_228] : memref<10000x128xf32, #tpu.memory_space<hbm>> -> memref<10000x128xf32, #tpu.memory_space<hbm>>
      tpu.wait_indirect_dma semaphore(%arg22 : memref<!tpu.dma_semaphore, #tpu.memory_space<semaphore_mem>>) src(%dma_wait3A_229 : memref<10000x128xf32, #tpu.memory_space<hbm>>) dst(%dma_wait3A_223 : memref<40x128xf32, #tpu.memory_space<vmem>>)
      %dma_wait3A_230 = arith.constant 1 : i32
      %dma_wait3A_231 = arith.constant 1 : i32
      %dma_wait3A_232 = arith.constant 1 : i32
      %dma_wait3A_233 = arith.constant 0 : i32
      %dma_wait3A_234 = arith.constant 0 : i32
      %dma_wait3A_235 = tpu.memref_slice %arg13[%dma_wait3A_232, %dma_wait3A_233, %dma_wait3A_234] : memref<2x40x128xf32, #tpu.memory_space<vmem>> -> memref<1x40x128xf32, #tpu.memory_space<vmem>>
      %dma_wait3A_236 = tpu.memref_squeeze %dma_wait3A_235 : memref<1x40x128xf32, #tpu.memory_space<vmem>> -> memref<40x128xf32, #tpu.memory_space<vmem>>
      %dma_wait3A_237 = arith.constant 0 : i32
      %dma_wait3A_238 = tpu.memref_slice %arg10[%dma_wait3A_230, %dma_wait3A_231, %dma_wait3A_237] : memref<2x2x40xi32, #tpu.memory_space<vmem>> -> memref<1x1x40xi32, #tpu.memory_space<vmem>>
      %dma_wait3A_239 = tpu.memref_squeeze %dma_wait3A_238 : memref<1x1x40xi32, #tpu.memory_space<vmem>> -> memref<40xi32, #tpu.memory_space<vmem>>
      %dma_wait3A_240 = arith.constant 0 : i32
      %dma_wait3A_241 = arith.constant 0 : i32
      %dma_wait3A_242 = tpu.memref_slice %arg3[%dma_wait3A_240, %dma_wait3A_241] : memref<10000x128xf32, #tpu.memory_space<hbm>> -> memref<10000x128xf32, #tpu.memory_space<hbm>>
      tpu.wait_indirect_dma semaphore(%arg22 : memref<!tpu.dma_semaphore, #tpu.memory_space<semaphore_mem>>) src(%dma_wait3A_242 : memref<10000x128xf32, #tpu.memory_space<hbm>>) dst(%dma_wait3A_236 : memref<40x128xf32, #tpu.memory_space<vmem>>)
      %add3A_243 = arith.constant 2 : i32
      %add3A_244 = arith.addi %add3A_194, %add3A_243 : i32
      %lt3A_245 = arith.constant 250 : i32
      %lt3A_246 = arith.cmpi slt, %add3A_244, %lt3A_245 : i32
      %convert_element_type3A_247 = arith.extui %lt3A_246 : i1 to i32
      %cond3A_248 = arith.constant 0 : i32
      %cond3A_249 = arith.cmpi ne, %convert_element_type3A_247, %cond3A_248 : i32
      scf.if %cond3A_249 {
        %add3A_277 = arith.addi %mul3A_2, %add3A_194 : i32
        %add3A_278 = arith.constant 2 : i32
        %add3A_279 = arith.addi %add3A_277, %add3A_278 : i32
        %dma_start3A_280 = arith.constant 1 : i32
        %dma_start3A_281 = arith.constant 0 : i32
        %dma_start3A_282 = arith.constant 0 : i32
        %dma_start3A_283 = tpu.memref_slice %arg10[%dma_start3A_280, %dma_start3A_281, %dma_start3A_282] : memref<2x2x40xi32, #tpu.memory_space<vmem>> -> memref<1x2x40xi32, #tpu.memory_space<vmem>>
        %dma_start3A_284 = arith.constant 0 : i32
        %dma_start3A_285 = arith.constant 0 : i32
        %dma_start3A_286 = tpu.memref_slice %arg5[%add3A_279, %dma_start3A_284, %dma_start3A_285] : memref<8000x2x40xi32, #tpu.memory_space<hbm>> -> memref<1x2x40xi32, #tpu.memory_space<hbm>>
        %dma_start3A_287 = arith.constant 1 : i32
        %dma_start3A_288 = arith.constant 0 : i32
        %dma_start3A_289 = arith.constant 0 : i32
        %dma_start3A_290 = tpu.memref_slice %arg10[%dma_start3A_287, %dma_start3A_288, %dma_start3A_289] : memref<2x2x40xi32, #tpu.memory_space<vmem>> -> memref<1x2x40xi32, #tpu.memory_space<vmem>>
        %dma_start3A_291 = arith.constant 0 : i32
        %dma_start3A_292 = arith.constant 0 : i32
        %dma_start3A_293 = tpu.memref_slice %arg5[%add3A_279, %dma_start3A_291, %dma_start3A_292] : memref<8000x2x40xi32, #tpu.memory_space<hbm>> -> memref<1x2x40xi32, #tpu.memory_space<hbm>>
        tpu.enqueue_dma source(%dma_start3A_293 : memref<1x2x40xi32, #tpu.memory_space<hbm>>) target(%dma_start3A_290 : memref<1x2x40xi32, #tpu.memory_space<vmem>>) target_semaphore(%arg18 : memref<!tpu.dma_semaphore, #tpu.memory_space<semaphore_mem>>)
      } else {
      }
      %parallel_loop3A_250 = arith.constant 0 : i32
      %parallel_loop3A_251 = arith.constant 40 : i32
      %parallel_loop3A_252 = arith.constant 1 : i32
      scf.for %parallel_loop3A_277 = %parallel_loop3A_250 to %parallel_loop3A_251 step %parallel_loop3A_252  : i32 {
        %parallel_loop3A_278 = arith.constant 1 : i32
        %parallel_loop3A_279 = arith.index_cast %parallel_loop3A_278 : i32 to index
        %parallel_loop3A_280 = arith.index_cast %parallel_loop3A_277 : i32 to index
        %parallel_loop3A_281 = arith.constant 0 : index
        %parallel_loop3A_282 = tpu.vector_load %arg12[%parallel_loop3A_279, %parallel_loop3A_280, %parallel_loop3A_281] {strides = array<i32>} : memref<2x40x128xf32, #tpu.memory_space<vmem>>, vector<1x1x16xf32>,
        %parallel_loop3A_283 = vector.shape_cast %parallel_loop3A_282 : vector<1x1x16xf32> to vector<16xf32>
        %parallel_loop3A_284 = arith.constant 1 : i32
        %parallel_loop3A_285 = arith.index_cast %parallel_loop3A_284 : i32 to index
        %parallel_loop3A_286 = arith.index_cast %parallel_loop3A_277 : i32 to index
        %parallel_loop3A_287 = arith.constant 0 : index
        %parallel_loop3A_288 = tpu.vector_load %arg13[%parallel_loop3A_285, %parallel_loop3A_286, %parallel_loop3A_287] {strides = array<i32>} : memref<2x40x128xf32, #tpu.memory_space<vmem>>, vector<1x1x16xf32>,
        %parallel_loop3A_289 = vector.shape_cast %parallel_loop3A_288 : vector<1x1x16xf32> to vector<16xf32>
        %parallel_loop3A_290 = arith.addf %parallel_loop3A_283, %parallel_loop3A_289 : vector<16xf32>
        %parallel_loop3A_291 = arith.constant 1 : i32
        %parallel_loop3A_292 = arith.index_cast %parallel_loop3A_291 : i32 to index
        %parallel_loop3A_293 = arith.index_cast %parallel_loop3A_277 : i32 to index
        %parallel_loop3A_294 = arith.constant 0 : index
        %parallel_loop3A_295 = tpu.vector_load %arg14[%parallel_loop3A_292, %parallel_loop3A_293, %parallel_loop3A_294] {strides = array<i32>} : memref<2x40x128xf32, #tpu.memory_space<vmem>>, vector<1x1x16xf32>,
        %parallel_loop3A_296 = vector.shape_cast %parallel_loop3A_295 : vector<1x1x16xf32> to vector<16xf32>
        %parallel_loop3A_297 = arith.addf %parallel_loop3A_290, %parallel_loop3A_296 : vector<16xf32>
        %parallel_loop3A_298 = math.exp %parallel_loop3A_297 : vector<16xf32>
        %parallel_loop3A_299 = arith.constant 1.000000e+00 : f32
        %parallel_loop3A_300 = vector.broadcast %parallel_loop3A_299 : f32 to vector<16xf32>
        %parallel_loop3A_301 = arith.subf %parallel_loop3A_298, %parallel_loop3A_300 : vector<16xf32>
        %parallel_loop3A_302 = arith.constant 0.000000e+00 : f32
        %parallel_loop3A_303 = vector.broadcast %parallel_loop3A_302 : f32 to vector<16xf32>
        %parallel_loop3A_304 = arith.cmpf ogt, %parallel_loop3A_297, %parallel_loop3A_303 : vector<16xf32>
        %parallel_loop3A_305 = arith.select %parallel_loop3A_304, %parallel_loop3A_297, %parallel_loop3A_301 : vector<16xi1>, vector<16xf32>
        %parallel_loop3A_306 = arith.constant 1 : i32
        %parallel_loop3A_307 = arith.index_cast %parallel_loop3A_306 : i32 to index
        %parallel_loop3A_308 = arith.index_cast %parallel_loop3A_277 : i32 to index
        %parallel_loop3A_309 = arith.constant 0 : index
        %parallel_loop3A_310 = tpu.vector_load %arg15[%parallel_loop3A_307, %parallel_loop3A_308, %parallel_loop3A_309] {strides = array<i32>} : memref<2x40x136xf32, #tpu.memory_space<vmem>>, vector<1x1x16xf32>,
        %parallel_loop3A_311 = vector.shape_cast %parallel_loop3A_310 : vector<1x1x16xf32> to vector<16xf32>
        %parallel_loop3A_312 = vector.shape_cast %parallel_loop3A_305 : vector<16xf32> to vector<1x1x16xf32>
        tpu.vector_store %arg15[%parallel_loop3A_307, %parallel_loop3A_308, %parallel_loop3A_309], %parallel_loop3A_312 {strides = array<i32>} : memref<2x40x136xf32, #tpu.memory_space<vmem>>, vector<1x1x16xf32>,
        %parallel_loop3A_313 = arith.constant 1 : i32
        %parallel_loop3A_314 = arith.index_cast %parallel_loop3A_313 : i32 to index
        %parallel_loop3A_315 = arith.index_cast %parallel_loop3A_277 : i32 to index
        %parallel_loop3A_316 = arith.constant 16 : index
        %parallel_loop3A_317 = tpu.vector_load %arg12[%parallel_loop3A_314, %parallel_loop3A_315, %parallel_loop3A_316] {strides = array<i32>} : memref<2x40x128xf32, #tpu.memory_space<vmem>>, vector<1x1x16xf32>,
        %parallel_loop3A_318 = vector.shape_cast %parallel_loop3A_317 : vector<1x1x16xf32> to vector<16xf32>
        %parallel_loop3A_319 = arith.constant 1 : i32
        %parallel_loop3A_320 = arith.index_cast %parallel_loop3A_319 : i32 to index
        %parallel_loop3A_321 = arith.index_cast %parallel_loop3A_277 : i32 to index
        %parallel_loop3A_322 = arith.constant 16 : index
        %parallel_loop3A_323 = tpu.vector_load %arg13[%parallel_loop3A_320, %parallel_loop3A_321, %parallel_loop3A_322] {strides = array<i32>} : memref<2x40x128xf32, #tpu.memory_space<vmem>>, vector<1x1x16xf32>,
        %parallel_loop3A_324 = vector.shape_cast %parallel_loop3A_323 : vector<1x1x16xf32> to vector<16xf32>
        %parallel_loop3A_325 = arith.addf %parallel_loop3A_318, %parallel_loop3A_324 : vector<16xf32>
        %parallel_loop3A_326 = arith.constant 1 : i32
        %parallel_loop3A_327 = arith.index_cast %parallel_loop3A_326 : i32 to index
        %parallel_loop3A_328 = arith.index_cast %parallel_loop3A_277 : i32 to index
        %parallel_loop3A_329 = arith.constant 16 : index
        %parallel_loop3A_330 = tpu.vector_load %arg14[%parallel_loop3A_327, %parallel_loop3A_328, %parallel_loop3A_329] {strides = array<i32>} : memref<2x40x128xf32, #tpu.memory_space<vmem>>, vector<1x1x16xf32>,
        %parallel_loop3A_331 = vector.shape_cast %parallel_loop3A_330 : vector<1x1x16xf32> to vector<16xf32>
        %parallel_loop3A_332 = arith.addf %parallel_loop3A_325, %parallel_loop3A_331 : vector<16xf32>
        %parallel_loop3A_333 = math.exp %parallel_loop3A_332 : vector<16xf32>
        %parallel_loop3A_334 = arith.constant 1.000000e+00 : f32
        %parallel_loop3A_335 = vector.broadcast %parallel_loop3A_334 : f32 to vector<16xf32>
        %parallel_loop3A_336 = arith.subf %parallel_loop3A_333, %parallel_loop3A_335 : vector<16xf32>
        %parallel_loop3A_337 = arith.constant 0.000000e+00 : f32
        %parallel_loop3A_338 = vector.broadcast %parallel_loop3A_337 : f32 to vector<16xf32>
        %parallel_loop3A_339 = arith.cmpf ogt, %parallel_loop3A_332, %parallel_loop3A_338 : vector<16xf32>
        %parallel_loop3A_340 = arith.select %parallel_loop3A_339, %parallel_loop3A_332, %parallel_loop3A_336 : vector<16xi1>, vector<16xf32>
        %parallel_loop3A_341 = arith.constant 1 : i32
        %parallel_loop3A_342 = arith.index_cast %parallel_loop3A_341 : i32 to index
        %parallel_loop3A_343 = arith.index_cast %parallel_loop3A_277 : i32 to index
        %parallel_loop3A_344 = arith.constant 16 : index
        %parallel_loop3A_345 = tpu.vector_load %arg15[%parallel_loop3A_342, %parallel_loop3A_343, %parallel_loop3A_344] {strides = array<i32>} : memref<2x40x136xf32, #tpu.memory_space<vmem>>, vector<1x1x16xf32>,
        %parallel_loop3A_346 = vector.shape_cast %parallel_loop3A_345 : vector<1x1x16xf32> to vector<16xf32>
        %parallel_loop3A_347 = vector.shape_cast %parallel_loop3A_340 : vector<16xf32> to vector<1x1x16xf32>
        tpu.vector_store %arg15[%parallel_loop3A_342, %parallel_loop3A_343, %parallel_loop3A_344], %parallel_loop3A_347 {strides = array<i32>} : memref<2x40x136xf32, #tpu.memory_space<vmem>>, vector<1x1x16xf32>,
        %parallel_loop3A_348 = arith.constant 1 : i32
        %parallel_loop3A_349 = arith.index_cast %parallel_loop3A_348 : i32 to index
        %parallel_loop3A_350 = arith.index_cast %parallel_loop3A_277 : i32 to index
        %parallel_loop3A_351 = arith.constant 32 : index
        %parallel_loop3A_352 = tpu.vector_load %arg12[%parallel_loop3A_349, %parallel_loop3A_350, %parallel_loop3A_351] {strides = array<i32>} : memref<2x40x128xf32, #tpu.memory_space<vmem>>, vector<1x1x16xf32>,
        %parallel_loop3A_353 = vector.shape_cast %parallel_loop3A_352 : vector<1x1x16xf32> to vector<16xf32>
        %parallel_loop3A_354 = arith.constant 1 : i32
        %parallel_loop3A_355 = arith.index_cast %parallel_loop3A_354 : i32 to index
        %parallel_loop3A_356 = arith.index_cast %parallel_loop3A_277 : i32 to index
        %parallel_loop3A_357 = arith.constant 32 : index
        %parallel_loop3A_358 = tpu.vector_load %arg13[%parallel_loop3A_355, %parallel_loop3A_356, %parallel_loop3A_357] {strides = array<i32>} : memref<2x40x128xf32, #tpu.memory_space<vmem>>, vector<1x1x16xf32>,
        %parallel_loop3A_359 = vector.shape_cast %parallel_loop3A_358 : vector<1x1x16xf32> to vector<16xf32>
        %parallel_loop3A_360 = arith.addf %parallel_loop3A_353, %parallel_loop3A_359 : vector<16xf32>
        %parallel_loop3A_361 = arith.constant 1 : i32
        %parallel_loop3A_362 = arith.index_cast %parallel_loop3A_361 : i32 to index
        %parallel_loop3A_363 = arith.index_cast %parallel_loop3A_277 : i32 to index
        %parallel_loop3A_364 = arith.constant 32 : index
        %parallel_loop3A_365 = tpu.vector_load %arg14[%parallel_loop3A_362, %parallel_loop3A_363, %parallel_loop3A_364] {strides = array<i32>} : memref<2x40x128xf32, #tpu.memory_space<vmem>>, vector<1x1x16xf32>,
        %parallel_loop3A_366 = vector.shape_cast %parallel_loop3A_365 : vector<1x1x16xf32> to vector<16xf32>
        %parallel_loop3A_367 = arith.addf %parallel_loop3A_360, %parallel_loop3A_366 : vector<16xf32>
        %parallel_loop3A_368 = math.exp %parallel_loop3A_367 : vector<16xf32>
        %parallel_loop3A_369 = arith.constant 1.000000e+00 : f32
        %parallel_loop3A_370 = vector.broadcast %parallel_loop3A_369 : f32 to vector<16xf32>
        %parallel_loop3A_371 = arith.subf %parallel_loop3A_368, %parallel_loop3A_370 : vector<16xf32>
        %parallel_loop3A_372 = arith.constant 0.000000e+00 : f32
        %parallel_loop3A_373 = vector.broadcast %parallel_loop3A_372 : f32 to vector<16xf32>
        %parallel_loop3A_374 = arith.cmpf ogt, %parallel_loop3A_367, %parallel_loop3A_373 : vector<16xf32>
        %parallel_loop3A_375 = arith.select %parallel_loop3A_374, %parallel_loop3A_367, %parallel_loop3A_371 : vector<16xi1>, vector<16xf32>
        %parallel_loop3A_376 = arith.constant 1 : i32
        %parallel_loop3A_377 = arith.index_cast %parallel_loop3A_376 : i32 to index
        %parallel_loop3A_378 = arith.index_cast %parallel_loop3A_277 : i32 to index
        %parallel_loop3A_379 = arith.constant 32 : index
        %parallel_loop3A_380 = tpu.vector_load %arg15[%parallel_loop3A_377, %parallel_loop3A_378, %parallel_loop3A_379] {strides = array<i32>} : memref<2x40x136xf32, #tpu.memory_space<vmem>>, vector<1x1x16xf32>,
        %parallel_loop3A_381 = vector.shape_cast %parallel_loop3A_380 : vector<1x1x16xf32> to vector<16xf32>
        %parallel_loop3A_382 = vector.shape_cast %parallel_loop3A_375 : vector<16xf32> to vector<1x1x16xf32>
        tpu.vector_store %arg15[%parallel_loop3A_377, %parallel_loop3A_378, %parallel_loop3A_379], %parallel_loop3A_382 {strides = array<i32>} : memref<2x40x136xf32, #tpu.memory_space<vmem>>, vector<1x1x16xf32>,
        %parallel_loop3A_383 = arith.constant 1 : i32
        %parallel_loop3A_384 = arith.index_cast %parallel_loop3A_383 : i32 to index
        %parallel_loop3A_385 = arith.index_cast %parallel_loop3A_277 : i32 to index
        %parallel_loop3A_386 = arith.constant 48 : index
        %parallel_loop3A_387 = tpu.vector_load %arg12[%parallel_loop3A_384, %parallel_loop3A_385, %parallel_loop3A_386] {strides = array<i32>} : memref<2x40x128xf32, #tpu.memory_space<vmem>>, vector<1x1x16xf32>,
        %parallel_loop3A_388 = vector.shape_cast %parallel_loop3A_387 : vector<1x1x16xf32> to vector<16xf32>
        %parallel_loop3A_389 = arith.constant 1 : i32
        %parallel_loop3A_390 = arith.index_cast %parallel_loop3A_389 : i32 to index
        %parallel_loop3A_391 = arith.index_cast %parallel_loop3A_277 : i32 to index
        %parallel_loop3A_392 = arith.constant 48 : index
        %parallel_loop3A_393 = tpu.vector_load %arg13[%parallel_loop3A_390, %parallel_loop3A_391, %parallel_loop3A_392] {strides = array<i32>} : memref<2x40x128xf32, #tpu.memory_space<vmem>>, vector<1x1x16xf32>,
        %parallel_loop3A_394 = vector.shape_cast %parallel_loop3A_393 : vector<1x1x16xf32> to vector<16xf32>
        %parallel_loop3A_395 = arith.addf %parallel_loop3A_388, %parallel_loop3A_394 : vector<16xf32>
        %parallel_loop3A_396 = arith.constant 1 : i32
        %parallel_loop3A_397 = arith.index_cast %parallel_loop3A_396 : i32 to index
        %parallel_loop3A_398 = arith.index_cast %parallel_loop3A_277 : i32 to index
        %parallel_loop3A_399 = arith.constant 48 : index
        %parallel_loop3A_400 = tpu.vector_load %arg14[%parallel_loop3A_397, %parallel_loop3A_398, %parallel_loop3A_399] {strides = array<i32>} : memref<2x40x128xf32, #tpu.memory_space<vmem>>, vector<1x1x16xf32>,
        %parallel_loop3A_401 = vector.shape_cast %parallel_loop3A_400 : vector<1x1x16xf32> to vector<16xf32>
        %parallel_loop3A_402 = arith.addf %parallel_loop3A_395, %parallel_loop3A_401 : vector<16xf32>
        %parallel_loop3A_403 = math.exp %parallel_loop3A_402 : vector<16xf32>
        %parallel_loop3A_404 = arith.constant 1.000000e+00 : f32
        %parallel_loop3A_405 = vector.broadcast %parallel_loop3A_404 : f32 to vector<16xf32>
        %parallel_loop3A_406 = arith.subf %parallel_loop3A_403, %parallel_loop3A_405 : vector<16xf32>
        %parallel_loop3A_407 = arith.constant 0.000000e+00 : f32
        %parallel_loop3A_408 = vector.broadcast %parallel_loop3A_407 : f32 to vector<16xf32>
        %parallel_loop3A_409 = arith.cmpf ogt, %parallel_loop3A_402, %parallel_loop3A_408 : vector<16xf32>
        %parallel_loop3A_410 = arith.select %parallel_loop3A_409, %parallel_loop3A_402, %parallel_loop3A_406 : vector<16xi1>, vector<16xf32>
        %parallel_loop3A_411 = arith.constant 1 : i32
        %parallel_loop3A_412 = arith.index_cast %parallel_loop3A_411 : i32 to index
        %parallel_loop3A_413 = arith.index_cast %parallel_loop3A_277 : i32 to index
        %parallel_loop3A_414 = arith.constant 48 : index
        %parallel_loop3A_415 = tpu.vector_load %arg15[%parallel_loop3A_412, %parallel_loop3A_413, %parallel_loop3A_414] {strides = array<i32>} : memref<2x40x136xf32, #tpu.memory_space<vmem>>, vector<1x1x16xf32>,
        %parallel_loop3A_416 = vector.shape_cast %parallel_loop3A_415 : vector<1x1x16xf32> to vector<16xf32>
        %parallel_loop3A_417 = vector.shape_cast %parallel_loop3A_410 : vector<16xf32> to vector<1x1x16xf32>
        tpu.vector_store %arg15[%parallel_loop3A_412, %parallel_loop3A_413, %parallel_loop3A_414], %parallel_loop3A_417 {strides = array<i32>} : memref<2x40x136xf32, #tpu.memory_space<vmem>>, vector<1x1x16xf32>,
        %parallel_loop3A_418 = arith.constant 1 : i32
        %parallel_loop3A_419 = arith.index_cast %parallel_loop3A_418 : i32 to index
        %parallel_loop3A_420 = arith.index_cast %parallel_loop3A_277 : i32 to index
        %parallel_loop3A_421 = arith.constant 64 : index
        %parallel_loop3A_422 = tpu.vector_load %arg12[%parallel_loop3A_419, %parallel_loop3A_420, %parallel_loop3A_421] {strides = array<i32>} : memref<2x40x128xf32, #tpu.memory_space<vmem>>, vector<1x1x16xf32>,
        %parallel_loop3A_423 = vector.shape_cast %parallel_loop3A_422 : vector<1x1x16xf32> to vector<16xf32>
        %parallel_loop3A_424 = arith.constant 1 : i32
        %parallel_loop3A_425 = arith.index_cast %parallel_loop3A_424 : i32 to index
        %parallel_loop3A_426 = arith.index_cast %parallel_loop3A_277 : i32 to index
        %parallel_loop3A_427 = arith.constant 64 : index
        %parallel_loop3A_428 = tpu.vector_load %arg13[%parallel_loop3A_425, %parallel_loop3A_426, %parallel_loop3A_427] {strides = array<i32>} : memref<2x40x128xf32, #tpu.memory_space<vmem>>, vector<1x1x16xf32>,
        %parallel_loop3A_429 = vector.shape_cast %parallel_loop3A_428 : vector<1x1x16xf32> to vector<16xf32>
        %parallel_loop3A_430 = arith.addf %parallel_loop3A_423, %parallel_loop3A_429 : vector<16xf32>
        %parallel_loop3A_431 = arith.constant 1 : i32
        %parallel_loop3A_432 = arith.index_cast %parallel_loop3A_431 : i32 to index
        %parallel_loop3A_433 = arith.index_cast %parallel_loop3A_277 : i32 to index
        %parallel_loop3A_434 = arith.constant 64 : index
        %parallel_loop3A_435 = tpu.vector_load %arg14[%parallel_loop3A_432, %parallel_loop3A_433, %parallel_loop3A_434] {strides = array<i32>} : memref<2x40x128xf32, #tpu.memory_space<vmem>>, vector<1x1x16xf32>,
        %parallel_loop3A_436 = vector.shape_cast %parallel_loop3A_435 : vector<1x1x16xf32> to vector<16xf32>
        %parallel_loop3A_437 = arith.addf %parallel_loop3A_430, %parallel_loop3A_436 : vector<16xf32>
        %parallel_loop3A_438 = math.exp %parallel_loop3A_437 : vector<16xf32>
        %parallel_loop3A_439 = arith.constant 1.000000e+00 : f32
        %parallel_loop3A_440 = vector.broadcast %parallel_loop3A_439 : f32 to vector<16xf32>
        %parallel_loop3A_441 = arith.subf %parallel_loop3A_438, %parallel_loop3A_440 : vector<16xf32>
        %parallel_loop3A_442 = arith.constant 0.000000e+00 : f32
        %parallel_loop3A_443 = vector.broadcast %parallel_loop3A_442 : f32 to vector<16xf32>
        %parallel_loop3A_444 = arith.cmpf ogt, %parallel_loop3A_437, %parallel_loop3A_443 : vector<16xf32>
        %parallel_loop3A_445 = arith.select %parallel_loop3A_444, %parallel_loop3A_437, %parallel_loop3A_441 : vector<16xi1>, vector<16xf32>
        %parallel_loop3A_446 = arith.constant 1 : i32
        %parallel_loop3A_447 = arith.index_cast %parallel_loop3A_446 : i32 to index
        %parallel_loop3A_448 = arith.index_cast %parallel_loop3A_277 : i32 to index
        %parallel_loop3A_449 = arith.constant 64 : index
        %parallel_loop3A_450 = tpu.vector_load %arg15[%parallel_loop3A_447, %parallel_loop3A_448, %parallel_loop3A_449] {strides = array<i32>} : memref<2x40x136xf32, #tpu.memory_space<vmem>>, vector<1x1x16xf32>,
        %parallel_loop3A_451 = vector.shape_cast %parallel_loop3A_450 : vector<1x1x16xf32> to vector<16xf32>
        %parallel_loop3A_452 = vector.shape_cast %parallel_loop3A_445 : vector<16xf32> to vector<1x1x16xf32>
        tpu.vector_store %arg15[%parallel_loop3A_447, %parallel_loop3A_448, %parallel_loop3A_449], %parallel_loop3A_452 {strides = array<i32>} : memref<2x40x136xf32, #tpu.memory_space<vmem>>, vector<1x1x16xf32>,
        %parallel_loop3A_453 = arith.constant 1 : i32
        %parallel_loop3A_454 = arith.index_cast %parallel_loop3A_453 : i32 to index
        %parallel_loop3A_455 = arith.index_cast %parallel_loop3A_277 : i32 to index
        %parallel_loop3A_456 = arith.constant 80 : index
        %parallel_loop3A_457 = tpu.vector_load %arg12[%parallel_loop3A_454, %parallel_loop3A_455, %parallel_loop3A_456] {strides = array<i32>} : memref<2x40x128xf32, #tpu.memory_space<vmem>>, vector<1x1x16xf32>,
        %parallel_loop3A_458 = vector.shape_cast %parallel_loop3A_457 : vector<1x1x16xf32> to vector<16xf32>
        %parallel_loop3A_459 = arith.constant 1 : i32
        %parallel_loop3A_460 = arith.index_cast %parallel_loop3A_459 : i32 to index
        %parallel_loop3A_461 = arith.index_cast %parallel_loop3A_277 : i32 to index
        %parallel_loop3A_462 = arith.constant 80 : index
        %parallel_loop3A_463 = tpu.vector_load %arg13[%parallel_loop3A_460, %parallel_loop3A_461, %parallel_loop3A_462] {strides = array<i32>} : memref<2x40x128xf32, #tpu.memory_space<vmem>>, vector<1x1x16xf32>,
        %parallel_loop3A_464 = vector.shape_cast %parallel_loop3A_463 : vector<1x1x16xf32> to vector<16xf32>
        %parallel_loop3A_465 = arith.addf %parallel_loop3A_458, %parallel_loop3A_464 : vector<16xf32>
        %parallel_loop3A_466 = arith.constant 1 : i32
        %parallel_loop3A_467 = arith.index_cast %parallel_loop3A_466 : i32 to index
        %parallel_loop3A_468 = arith.index_cast %parallel_loop3A_277 : i32 to index
        %parallel_loop3A_469 = arith.constant 80 : index
        %parallel_loop3A_470 = tpu.vector_load %arg14[%parallel_loop3A_467, %parallel_loop3A_468, %parallel_loop3A_469] {strides = array<i32>} : memref<2x40x128xf32, #tpu.memory_space<vmem>>, vector<1x1x16xf32>,
        %parallel_loop3A_471 = vector.shape_cast %parallel_loop3A_470 : vector<1x1x16xf32> to vector<16xf32>
        %parallel_loop3A_472 = arith.addf %parallel_loop3A_465, %parallel_loop3A_471 : vector<16xf32>
        %parallel_loop3A_473 = math.exp %parallel_loop3A_472 : vector<16xf32>
        %parallel_loop3A_474 = arith.constant 1.000000e+00 : f32
        %parallel_loop3A_475 = vector.broadcast %parallel_loop3A_474 : f32 to vector<16xf32>
        %parallel_loop3A_476 = arith.subf %parallel_loop3A_473, %parallel_loop3A_475 : vector<16xf32>
        %parallel_loop3A_477 = arith.constant 0.000000e+00 : f32
        %parallel_loop3A_478 = vector.broadcast %parallel_loop3A_477 : f32 to vector<16xf32>
        %parallel_loop3A_479 = arith.cmpf ogt, %parallel_loop3A_472, %parallel_loop3A_478 : vector<16xf32>
        %parallel_loop3A_480 = arith.select %parallel_loop3A_479, %parallel_loop3A_472, %parallel_loop3A_476 : vector<16xi1>, vector<16xf32>
        %parallel_loop3A_481 = arith.constant 1 : i32
        %parallel_loop3A_482 = arith.index_cast %parallel_loop3A_481 : i32 to index
        %parallel_loop3A_483 = arith.index_cast %parallel_loop3A_277 : i32 to index
        %parallel_loop3A_484 = arith.constant 80 : index
        %parallel_loop3A_485 = tpu.vector_load %arg15[%parallel_loop3A_482, %parallel_loop3A_483, %parallel_loop3A_484] {strides = array<i32>} : memref<2x40x136xf32, #tpu.memory_space<vmem>>, vector<1x1x16xf32>,
        %parallel_loop3A_486 = vector.shape_cast %parallel_loop3A_485 : vector<1x1x16xf32> to vector<16xf32>
        %parallel_loop3A_487 = vector.shape_cast %parallel_loop3A_480 : vector<16xf32> to vector<1x1x16xf32>
        tpu.vector_store %arg15[%parallel_loop3A_482, %parallel_loop3A_483, %parallel_loop3A_484], %parallel_loop3A_487 {strides = array<i32>} : memref<2x40x136xf32, #tpu.memory_space<vmem>>, vector<1x1x16xf32>,
        %parallel_loop3A_488 = arith.constant 1 : i32
        %parallel_loop3A_489 = arith.index_cast %parallel_loop3A_488 : i32 to index
        %parallel_loop3A_490 = arith.index_cast %parallel_loop3A_277 : i32 to index
        %parallel_loop3A_491 = arith.constant 96 : index
        %parallel_loop3A_492 = tpu.vector_load %arg12[%parallel_loop3A_489, %parallel_loop3A_490, %parallel_loop3A_491] {strides = array<i32>} : memref<2x40x128xf32, #tpu.memory_space<vmem>>, vector<1x1x16xf32>,
        %parallel_loop3A_493 = vector.shape_cast %parallel_loop3A_492 : vector<1x1x16xf32> to vector<16xf32>
        %parallel_loop3A_494 = arith.constant 1 : i32
        %parallel_loop3A_495 = arith.index_cast %parallel_loop3A_494 : i32 to index
        %parallel_loop3A_496 = arith.index_cast %parallel_loop3A_277 : i32 to index
        %parallel_loop3A_497 = arith.constant 96 : index
        %parallel_loop3A_498 = tpu.vector_load %arg13[%parallel_loop3A_495, %parallel_loop3A_496, %parallel_loop3A_497] {strides = array<i32>} : memref<2x40x128xf32, #tpu.memory_space<vmem>>, vector<1x1x16xf32>,
        %parallel_loop3A_499 = vector.shape_cast %parallel_loop3A_498 : vector<1x1x16xf32> to vector<16xf32>
        %parallel_loop3A_500 = arith.addf %parallel_loop3A_493, %parallel_loop3A_499 : vector<16xf32>
        %parallel_loop3A_501 = arith.constant 1 : i32
        %parallel_loop3A_502 = arith.index_cast %parallel_loop3A_501 : i32 to index
        %parallel_loop3A_503 = arith.index_cast %parallel_loop3A_277 : i32 to index
        %parallel_loop3A_504 = arith.constant 96 : index
        %parallel_loop3A_505 = tpu.vector_load %arg14[%parallel_loop3A_502, %parallel_loop3A_503, %parallel_loop3A_504] {strides = array<i32>} : memref<2x40x128xf32, #tpu.memory_space<vmem>>, vector<1x1x16xf32>,
        %parallel_loop3A_506 = vector.shape_cast %parallel_loop3A_505 : vector<1x1x16xf32> to vector<16xf32>
        %parallel_loop3A_507 = arith.addf %parallel_loop3A_500, %parallel_loop3A_506 : vector<16xf32>
        %parallel_loop3A_508 = math.exp %parallel_loop3A_507 : vector<16xf32>
        %parallel_loop3A_509 = arith.constant 1.000000e+00 : f32
        %parallel_loop3A_510 = vector.broadcast %parallel_loop3A_509 : f32 to vector<16xf32>
        %parallel_loop3A_511 = arith.subf %parallel_loop3A_508, %parallel_loop3A_510 : vector<16xf32>
        %parallel_loop3A_512 = arith.constant 0.000000e+00 : f32
        %parallel_loop3A_513 = vector.broadcast %parallel_loop3A_512 : f32 to vector<16xf32>
        %parallel_loop3A_514 = arith.cmpf ogt, %parallel_loop3A_507, %parallel_loop3A_513 : vector<16xf32>
        %parallel_loop3A_515 = arith.select %parallel_loop3A_514, %parallel_loop3A_507, %parallel_loop3A_511 : vector<16xi1>, vector<16xf32>
        %parallel_loop3A_516 = arith.constant 1 : i32
        %parallel_loop3A_517 = arith.index_cast %parallel_loop3A_516 : i32 to index
        %parallel_loop3A_518 = arith.index_cast %parallel_loop3A_277 : i32 to index
        %parallel_loop3A_519 = arith.constant 96 : index
        %parallel_loop3A_520 = tpu.vector_load %arg15[%parallel_loop3A_517, %parallel_loop3A_518, %parallel_loop3A_519] {strides = array<i32>} : memref<2x40x136xf32, #tpu.memory_space<vmem>>, vector<1x1x16xf32>,
        %parallel_loop3A_521 = vector.shape_cast %parallel_loop3A_520 : vector<1x1x16xf32> to vector<16xf32>
        %parallel_loop3A_522 = vector.shape_cast %parallel_loop3A_515 : vector<16xf32> to vector<1x1x16xf32>
        tpu.vector_store %arg15[%parallel_loop3A_517, %parallel_loop3A_518, %parallel_loop3A_519], %parallel_loop3A_522 {strides = array<i32>} : memref<2x40x136xf32, #tpu.memory_space<vmem>>, vector<1x1x16xf32>,
        %parallel_loop3A_523 = arith.constant 1 : i32
        %parallel_loop3A_524 = arith.index_cast %parallel_loop3A_523 : i32 to index
        %parallel_loop3A_525 = arith.index_cast %parallel_loop3A_277 : i32 to index
        %parallel_loop3A_526 = arith.constant 112 : index
        %parallel_loop3A_527 = tpu.vector_load %arg12[%parallel_loop3A_524, %parallel_loop3A_525, %parallel_loop3A_526] {strides = array<i32>} : memref<2x40x128xf32, #tpu.memory_space<vmem>>, vector<1x1x16xf32>,
        %parallel_loop3A_528 = vector.shape_cast %parallel_loop3A_527 : vector<1x1x16xf32> to vector<16xf32>
        %parallel_loop3A_529 = arith.constant 1 : i32
        %parallel_loop3A_530 = arith.index_cast %parallel_loop3A_529 : i32 to index
        %parallel_loop3A_531 = arith.index_cast %parallel_loop3A_277 : i32 to index
        %parallel_loop3A_532 = arith.constant 112 : index
        %parallel_loop3A_533 = tpu.vector_load %arg13[%parallel_loop3A_530, %parallel_loop3A_531, %parallel_loop3A_532] {strides = array<i32>} : memref<2x40x128xf32, #tpu.memory_space<vmem>>, vector<1x1x16xf32>,
        %parallel_loop3A_534 = vector.shape_cast %parallel_loop3A_533 : vector<1x1x16xf32> to vector<16xf32>
        %parallel_loop3A_535 = arith.addf %parallel_loop3A_528, %parallel_loop3A_534 : vector<16xf32>
        %parallel_loop3A_536 = arith.constant 1 : i32
        %parallel_loop3A_537 = arith.index_cast %parallel_loop3A_536 : i32 to index
        %parallel_loop3A_538 = arith.index_cast %parallel_loop3A_277 : i32 to index
        %parallel_loop3A_539 = arith.constant 112 : index
        %parallel_loop3A_540 = tpu.vector_load %arg14[%parallel_loop3A_537, %parallel_loop3A_538, %parallel_loop3A_539] {strides = array<i32>} : memref<2x40x128xf32, #tpu.memory_space<vmem>>, vector<1x1x16xf32>,
        %parallel_loop3A_541 = vector.shape_cast %parallel_loop3A_540 : vector<1x1x16xf32> to vector<16xf32>
        %parallel_loop3A_542 = arith.addf %parallel_loop3A_535, %parallel_loop3A_541 : vector<16xf32>
        %parallel_loop3A_543 = math.exp %parallel_loop3A_542 : vector<16xf32>
        %parallel_loop3A_544 = arith.constant 1.000000e+00 : f32
        %parallel_loop3A_545 = vector.broadcast %parallel_loop3A_544 : f32 to vector<16xf32>
        %parallel_loop3A_546 = arith.subf %parallel_loop3A_543, %parallel_loop3A_545 : vector<16xf32>
        %parallel_loop3A_547 = arith.constant 0.000000e+00 : f32
        %parallel_loop3A_548 = vector.broadcast %parallel_loop3A_547 : f32 to vector<16xf32>
        %parallel_loop3A_549 = arith.cmpf ogt, %parallel_loop3A_542, %parallel_loop3A_548 : vector<16xf32>
        %parallel_loop3A_550 = arith.select %parallel_loop3A_549, %parallel_loop3A_542, %parallel_loop3A_546 : vector<16xi1>, vector<16xf32>
        %parallel_loop3A_551 = arith.constant 1 : i32
        %parallel_loop3A_552 = arith.index_cast %parallel_loop3A_551 : i32 to index
        %parallel_loop3A_553 = arith.index_cast %parallel_loop3A_277 : i32 to index
        %parallel_loop3A_554 = arith.constant 112 : index
        %parallel_loop3A_555 = tpu.vector_load %arg15[%parallel_loop3A_552, %parallel_loop3A_553, %parallel_loop3A_554] {strides = array<i32>} : memref<2x40x136xf32, #tpu.memory_space<vmem>>, vector<1x1x16xf32>,
        %parallel_loop3A_556 = vector.shape_cast %parallel_loop3A_555 : vector<1x1x16xf32> to vector<16xf32>
        %parallel_loop3A_557 = vector.shape_cast %parallel_loop3A_550 : vector<16xf32> to vector<1x1x16xf32>
        tpu.vector_store %arg15[%parallel_loop3A_552, %parallel_loop3A_553, %parallel_loop3A_554], %parallel_loop3A_557 {strides = array<i32>} : memref<2x40x136xf32, #tpu.memory_space<vmem>>, vector<1x1x16xf32>,
      } {sc.loop_unroll_factor = 4 : i64, sc.parallel_access}
      %dma_wait3A_253 = arith.constant 1 : i32
      %dma_wait3A_254 = arith.constant 0 : i32
      %dma_wait3A_255 = tpu.memref_slice %arg11[%dma_wait3A_253, %dma_wait3A_254] : memref<2x40xi32, #tpu.memory_space<vmem>> -> memref<1x40xi32, #tpu.memory_space<vmem>>
      %dma_wait3A_256 = arith.constant 0 : i32
      %dma_wait3A_257 = arith.constant 0 : i32
      %dma_wait3A_258 = tpu.memref_slice %arg6[%dma_wait3A_256, %dma_wait3A_257] : memref<8000x40xi32, #tpu.memory_space<hbm>> -> memref<1x40xi32, #tpu.memory_space<hbm>>
      %dma_wait3A_259 = arith.constant 1 : i32
      %dma_wait3A_260 = arith.constant 0 : i32
      %dma_wait3A_261 = tpu.memref_slice %arg11[%dma_wait3A_259, %dma_wait3A_260] : memref<2x40xi32, #tpu.memory_space<vmem>> -> memref<1x40xi32, #tpu.memory_space<vmem>>
      %dma_wait3A_262 = arith.constant 0 : i32
      %dma_wait3A_263 = arith.constant 0 : i32
      %dma_wait3A_264 = tpu.memref_slice %arg6[%dma_wait3A_262, %dma_wait3A_263] : memref<8000x40xi32, #tpu.memory_space<hbm>> -> memref<1x40xi32, #tpu.memory_space<hbm>>
      tpu.wait_dma2 semaphore(%arg20 : memref<!tpu.dma_semaphore, #tpu.memory_space<semaphore_mem>>) src(%dma_wait3A_264 : memref<1x40xi32, #tpu.memory_space<hbm>>) dst(%dma_wait3A_261 : memref<1x40xi32, #tpu.memory_space<vmem>>)
      %dma_start3A_265 = arith.constant 1 : i32
      %dma_start3A_266 = arith.constant 1 : i32
      %dma_start3A_267 = arith.constant 0 : i32
      %dma_start3A_268 = arith.constant 0 : i32
      %dma_start3A_269 = tpu.memref_slice %arg15[%dma_start3A_265, %dma_start3A_267, %dma_start3A_268] : memref<2x40x136xf32, #tpu.memory_space<vmem>> -> memref<1x40x136xf32, #tpu.memory_space<vmem>>
      %dma_start3A_270 = tpu.memref_squeeze %dma_start3A_269 : memref<1x40x136xf32, #tpu.memory_space<vmem>> -> memref<40x136xf32, #tpu.memory_space<vmem>>
      %dma_start3A_271 = arith.constant 0 : i32
      %dma_start3A_272 = tpu.memref_slice %arg11[%dma_start3A_266, %dma_start3A_271] : memref<2x40xi32, #tpu.memory_space<vmem>> -> memref<1x40xi32, #tpu.memory_space<vmem>>
      %dma_start3A_273 = tpu.memref_squeeze %dma_start3A_272 : memref<1x40xi32, #tpu.memory_space<vmem>> -> memref<40xi32, #tpu.memory_space<vmem>>
      %dma_start3A_274 = arith.constant 0 : i32
      %dma_start3A_275 = arith.constant 0 : i32
      %dma_start3A_276 = tpu.memref_slice %arg16[%dma_start3A_274, %dma_start3A_275] : memref<10000x136xf32, #tpu.memory_space<vmem_shared>> -> memref<10000x136xf32, #tpu.memory_space<vmem_shared>>
      tpu.enqueue_indirect_dma source(%dma_start3A_270 : memref<40x136xf32, #tpu.memory_space<vmem>>) target(%dma_start3A_276 : memref<10000x136xf32, #tpu.memory_space<vmem_shared>>) offsets(%dma_start3A_273 : memref<40xi32, #tpu.memory_space<vmem>>) semaphore(%arg24 : memref<!tpu.dma_semaphore, #tpu.memory_space<semaphore_mem>>) {add = true}
    }
    %scan3A_77 = arith.constant 125 : i32
    %dma_wait3A = arith.constant 0 : i32
    %dma_wait3A_78 = arith.constant 0 : i32
    %dma_wait3A_79 = arith.constant 0 : i32
    %dma_wait3A_80 = arith.constant 0 : i32
    %dma_wait3A_81 = tpu.memref_slice %arg15[%dma_wait3A, %dma_wait3A_79, %dma_wait3A_80] : memref<2x40x136xf32, #tpu.memory_space<vmem>> -> memref<1x40x136xf32, #tpu.memory_space<vmem>>
    %dma_wait3A_82 = tpu.memref_squeeze %dma_wait3A_81 : memref<1x40x136xf32, #tpu.memory_space<vmem>> -> memref<40x136xf32, #tpu.memory_space<vmem>>
    %dma_wait3A_83 = arith.constant 0 : i32
    %dma_wait3A_84 = tpu.memref_slice %arg11[%dma_wait3A_78, %dma_wait3A_83] : memref<2x40xi32, #tpu.memory_space<vmem>> -> memref<1x40xi32, #tpu.memory_space<vmem>>
    %dma_wait3A_85 = tpu.memref_squeeze %dma_wait3A_84 : memref<1x40xi32, #tpu.memory_space<vmem>> -> memref<40xi32, #tpu.memory_space<vmem>>
    %dma_wait3A_86 = arith.constant 0 : i32
    %dma_wait3A_87 = arith.constant 0 : i32
    %dma_wait3A_88 = tpu.memref_slice %arg16[%dma_wait3A_86, %dma_wait3A_87] : memref<10000x136xf32, #tpu.memory_space<vmem_shared>> -> memref<10000x136xf32, #tpu.memory_space<vmem_shared>>
    tpu.wait_indirect_dma semaphore(%arg23 : memref<!tpu.dma_semaphore, #tpu.memory_space<semaphore_mem>>) src(%dma_wait3A_82 : memref<40x136xf32, #tpu.memory_space<vmem>>) dst(%dma_wait3A_88 : memref<10000x136xf32, #tpu.memory_space<vmem_shared>>)
    %dma_wait3A_89 = arith.constant 1 : i32
    %dma_wait3A_90 = arith.constant 1 : i32
    %dma_wait3A_91 = arith.constant 0 : i32
    %dma_wait3A_92 = arith.constant 0 : i32
    %dma_wait3A_93 = tpu.memref_slice %arg15[%dma_wait3A_89, %dma_wait3A_91, %dma_wait3A_92] : memref<2x40x136xf32, #tpu.memory_space<vmem>> -> memref<1x40x136xf32, #tpu.memory_space<vmem>>
    %dma_wait3A_94 = tpu.memref_squeeze %dma_wait3A_93 : memref<1x40x136xf32, #tpu.memory_space<vmem>> -> memref<40x136xf32, #tpu.memory_space<vmem>>
    %dma_wait3A_95 = arith.constant 0 : i32
    %dma_wait3A_96 = tpu.memref_slice %arg11[%dma_wait3A_90, %dma_wait3A_95] : memref<2x40xi32, #tpu.memory_space<vmem>> -> memref<1x40xi32, #tpu.memory_space<vmem>>
    %dma_wait3A_97 = tpu.memref_squeeze %dma_wait3A_96 : memref<1x40xi32, #tpu.memory_space<vmem>> -> memref<40xi32, #tpu.memory_space<vmem>>
    %dma_wait3A_98 = arith.constant 0 : i32
    %dma_wait3A_99 = arith.constant 0 : i32
    %dma_wait3A_100 = tpu.memref_slice %arg16[%dma_wait3A_98, %dma_wait3A_99] : memref<10000x136xf32, #tpu.memory_space<vmem_shared>> -> memref<10000x136xf32, #tpu.memory_space<vmem_shared>>
    tpu.wait_indirect_dma semaphore(%arg24 : memref<!tpu.dma_semaphore, #tpu.memory_space<semaphore_mem>>) src(%dma_wait3A_94 : memref<40x136xf32, #tpu.memory_space<vmem>>) dst(%dma_wait3A_100 : memref<10000x136xf32, #tpu.memory_space<vmem_shared>>)
    %barrier3A_101 = arith.constant 0 : index
    tpu.barrier barrier_id(%barrier3A_101)
    %mul3A_102 = arith.constant 625 : i32
    %mul3A_103 = arith.muli %arg1, %mul3A_102 : i32
    "tpu.region"() ({
      %run_scoped3A_104 = tpu.sem_alloc : memref<!tpu.dma_semaphore, #tpu.memory_space<semaphore_mem>>
      %dma_start3A_105 = arith.constant 0 : i32
      %dma_start3A_106 = tpu.memref_slice %arg9[%arg0, %mul3A_103, %dma_start3A_105] : memref<2x10000x136xf32, #tpu.memory_space<hbm>> -> memref<1x625x136xf32, #tpu.memory_space<hbm>>
      %dma_start3A_107 = tpu.memref_squeeze %dma_start3A_106 : memref<1x625x136xf32, #tpu.memory_space<hbm>> -> memref<625x136xf32, #tpu.memory_space<hbm>>
      %dma_start3A_108 = arith.constant 0 : i32
      %dma_start3A_109 = tpu.memref_slice %arg16[%mul3A_103, %dma_start3A_108] : memref<10000x136xf32, #tpu.memory_space<vmem_shared>> -> memref<625x136xf32, #tpu.memory_space<vmem_shared>>
      tpu.enqueue_dma source(%dma_start3A_109 : memref<625x136xf32, #tpu.memory_space<vmem_shared>>) target(%dma_start3A_107 : memref<625x136xf32, #tpu.memory_space<hbm>>) target_semaphore(%run_scoped3A_104 : memref<!tpu.dma_semaphore, #tpu.memory_space<semaphore_mem>>)
      %dma_wait3A_110 = arith.constant 0 : i32
      %dma_wait3A_111 = tpu.memref_slice %arg9[%arg0, %mul3A_103, %dma_wait3A_110] : memref<2x10000x136xf32, #tpu.memory_space<hbm>> -> memref<1x625x136xf32, #tpu.memory_space<hbm>>
      %dma_wait3A_112 = tpu.memref_squeeze %dma_wait3A_111 : memref<1x625x136xf32, #tpu.memory_space<hbm>> -> memref<625x136xf32, #tpu.memory_space<hbm>>
      %dma_wait3A_113 = arith.constant 0 : i32
      %dma_wait3A_114 = tpu.memref_slice %arg16[%mul3A_103, %dma_wait3A_113] : memref<10000x136xf32, #tpu.memory_space<vmem_shared>> -> memref<625x136xf32, #tpu.memory_space<vmem_shared>>
      tpu.wait_dma2 semaphore(%run_scoped3A_104 : memref<!tpu.dma_semaphore, #tpu.memory_space<semaphore_mem>>) src(%dma_wait3A_114 : memref<625x136xf32, #tpu.memory_space<vmem_shared>>) dst(%dma_wait3A_112 : memref<625x136xf32, #tpu.memory_space<hbm>>)
      tpu.yield
    }) : () -> ()
    return
  }
}

module attributes {stable_mosaic.version = 14 : i64} {
  func.func @_proj_body(%arg0: i32, %arg1: memref<1000x128xf32, #tpu.memory_space<vmem>>, %arg2: memref<128x128xf32, #tpu.memory_space<vmem>>, %arg3: memref<128x128xf32, #tpu.memory_space<vmem>>, %arg4: memref<1000x128xf32, #tpu.memory_space<vmem>>, %arg5: memref<1000x128xf32, #tpu.memory_space<vmem>>) attributes {dimension_semantics = [#tpu.dimension_semantics<arbitrary>], iteration_bounds = array<i64: 10>, scalar_prefetch = 0 : i64, scratch_operands = 0 : i64, tpu.core_type = #tpu.core_type<tc>, window_params = [{transform_indices = @transform_0, window_bounds = array<i64: 1000, 128>}, {pipeline_mode = #tpu.pipeline_mode<synchronous>, transform_indices = @transform_1, window_bounds = array<i64: 128, 128>}, {pipeline_mode = #tpu.pipeline_mode<synchronous>, transform_indices = @transform_2, window_bounds = array<i64: 128, 128>}, {transform_indices = @transform_3, window_bounds = array<i64: 1000, 128>}, {transform_indices = @transform_4, window_bounds = array<i64: 1000, 128>}]} {
    %get3A = arith.constant 0 : index
    %get3A_0 = arith.constant 0 : index
    %get3A_1 = vector.load %arg1[%get3A, %get3A_0] : memref<1000x128xf32, #tpu.memory_space<vmem>>, vector<1000x128xf32>
    %get3A_2 = arith.constant 0 : index
    %get3A_3 = arith.constant 0 : index
    %get3A_4 = vector.load %arg2[%get3A_2, %get3A_3] : memref<128x128xf32, #tpu.memory_space<vmem>>, vector<128x128xf32>
    %dot_general3A = arith.constant dense<0.000000e+00> : vector<1000x128xf32>
    %dot_general3A_5 = tpu.matmul %get3A_1, %get3A_4, %dot_general3A {dimension_numbers = #tpu.dot_dimension_numbers<[1], [0], [0], [1], [0, 0, 1, 1], [], []>, transpose_lhs_hint = false} : vector<1000x128xf32>, vector<128x128xf32>, vector<1000x128xf32> -> vector<1000x128xf32>
    %swap3A = arith.constant 0 : index
    %swap3A_6 = arith.constant 0 : index
    %swap3A_7 = vector.load %arg4[%swap3A, %swap3A_6] : memref<1000x128xf32, #tpu.memory_space<vmem>>, vector<1000x128xf32>
    tpu.vector_store %arg4[%swap3A, %swap3A_6], %dot_general3A_5 {strides = array<i32>} : memref<1000x128xf32, #tpu.memory_space<vmem>>, vector<1000x128xf32>,
    %get3A_8 = arith.constant 0 : index
    %get3A_9 = arith.constant 0 : index
    %get3A_10 = vector.load %arg3[%get3A_8, %get3A_9] : memref<128x128xf32, #tpu.memory_space<vmem>>, vector<128x128xf32>
    %dot_general3A_11 = arith.constant dense<0.000000e+00> : vector<1000x128xf32>
    %dot_general3A_12 = tpu.matmul %get3A_1, %get3A_10, %dot_general3A_11 {dimension_numbers = #tpu.dot_dimension_numbers<[1], [0], [0], [1], [0, 0, 1, 1], [], []>, transpose_lhs_hint = false} : vector<1000x128xf32>, vector<128x128xf32>, vector<1000x128xf32> -> vector<1000x128xf32>
    %swap3A_13 = arith.constant 0 : index
    %swap3A_14 = arith.constant 0 : index
    %swap3A_15 = vector.load %arg5[%swap3A_13, %swap3A_14] : memref<1000x128xf32, #tpu.memory_space<vmem>>, vector<1000x128xf32>
    tpu.vector_store %arg5[%swap3A_13, %swap3A_14], %dot_general3A_12 {strides = array<i32>} : memref<1000x128xf32, #tpu.memory_space<vmem>>, vector<1000x128xf32>,
    return
  }
  func.func @transform_0(%arg0: i32) -> (i32, i32) {
    %c0_i32 = arith.constant 0 : i32
    %c0_i32_0 = arith.constant 0 : i32
    return %arg0, %c0_i32 : i32, i32
  }
  func.func @transform_1(%arg0: i32) -> (i32, i32) {
    %c0_i32 = arith.constant 0 : i32
    %c0_i32_0 = arith.constant 0 : i32
    %c0_i32_1 = arith.constant 0 : i32
    return %c0_i32, %c0_i32_0 : i32, i32
  }
  func.func @transform_2(%arg0: i32) -> (i32, i32) {
    %c0_i32 = arith.constant 0 : i32
    %c0_i32_0 = arith.constant 0 : i32
    %c0_i32_1 = arith.constant 0 : i32
    return %c0_i32, %c0_i32_0 : i32, i32
  }
  func.func @transform_3(%arg0: i32) -> (i32, i32) {
    %c0_i32 = arith.constant 0 : i32
    %c0_i32_0 = arith.constant 0 : i32
    return %arg0, %c0_i32 : i32, i32
  }
  func.func @transform_4(%arg0: i32) -> (i32, i32) {
    %c0_i32 = arith.constant 0 : i32
    %c0_i32_0 = arith.constant 0 : i32
    return %arg0, %c0_i32 : i32, i32
  }
}

module attributes {stable_mosaic.version = 14 : i64} {
  func.func @_edge_affine_body(%arg0: i32, %arg1: memref<4000x4xf32, #tpu.memory_space<vmem>>, %arg2: memref<4x128xf32, #tpu.memory_space<vmem>>, %arg3: memref<1x128xf32, #tpu.memory_space<vmem>>, %arg4: memref<4000x128xf32, #tpu.memory_space<vmem>>) attributes {dimension_semantics = [#tpu.dimension_semantics<arbitrary>], iteration_bounds = array<i64: 80>, scalar_prefetch = 0 : i64, scratch_operands = 0 : i64, tpu.core_type = #tpu.core_type<tc>, window_params = [{transform_indices = @transform_0, window_bounds = array<i64: 4000, 4>}, {pipeline_mode = #tpu.pipeline_mode<synchronous>, transform_indices = @transform_1, window_bounds = array<i64: 4, 128>}, {pipeline_mode = #tpu.pipeline_mode<synchronous>, transform_indices = @transform_2, window_bounds = array<i64: 1, 128>}, {transform_indices = @transform_3, window_bounds = array<i64: 4000, 128>}]} {
    %get3A = arith.constant 0 : index
    %get3A_0 = arith.constant 0 : index
    %get3A_1 = vector.load %arg1[%get3A, %get3A_0] : memref<4000x4xf32, #tpu.memory_space<vmem>>, vector<4000x4xf32>
    %get3A_2 = arith.constant 0 : index
    %get3A_3 = arith.constant 0 : index
    %get3A_4 = vector.load %arg2[%get3A_2, %get3A_3] : memref<4x128xf32, #tpu.memory_space<vmem>>, vector<4x128xf32>
    %dot_general3A = arith.constant dense<0.000000e+00> : vector<4000x128xf32>
    %dot_general3A_5 = tpu.matmul %get3A_1, %get3A_4, %dot_general3A {dimension_numbers = #tpu.dot_dimension_numbers<[1], [0], [0], [1], [0, 0, 1, 1], [], []>, transpose_lhs_hint = false} : vector<4000x4xf32>, vector<4x128xf32>, vector<4000x128xf32> -> vector<4000x128xf32>
    %get3A_6 = arith.constant 0 : index
    %get3A_7 = arith.constant 0 : index
    %get3A_8 = vector.load %arg3[%get3A_6, %get3A_7] : memref<1x128xf32, #tpu.memory_space<vmem>>, vector<1x128xf32>
    %add3A = vector.broadcast %get3A_8 : vector<1x128xf32> to vector<4000x128xf32>
    %add3A_9 = arith.addf %dot_general3A_5, %add3A : vector<4000x128xf32>
    %swap3A = arith.constant 0 : index
    %swap3A_10 = arith.constant 0 : index
    %swap3A_11 = vector.load %arg4[%swap3A, %swap3A_10] : memref<4000x128xf32, #tpu.memory_space<vmem>>, vector<4000x128xf32>
    tpu.vector_store %arg4[%swap3A, %swap3A_10], %add3A_9 {strides = array<i32>} : memref<4000x128xf32, #tpu.memory_space<vmem>>, vector<4000x128xf32>,
    return
  }
  func.func @transform_0(%arg0: i32) -> (i32, i32) {
    %c0_i32 = arith.constant 0 : i32
    %c0_i32_0 = arith.constant 0 : i32
    return %arg0, %c0_i32 : i32, i32
  }
  func.func @transform_1(%arg0: i32) -> (i32, i32) {
    %c0_i32 = arith.constant 0 : i32
    %c0_i32_0 = arith.constant 0 : i32
    %c0_i32_1 = arith.constant 0 : i32
    return %c0_i32, %c0_i32_0 : i32, i32
  }
  func.func @transform_2(%arg0: i32) -> (i32, i32) {
    %c0_i32 = arith.constant 0 : i32
    %c0_i32_0 = arith.constant 0 : i32
    %c0_i32_1 = arith.constant 0 : i32
    return %c0_i32, %c0_i32_0 : i32, i32
  }
  func.func @transform_3(%arg0: i32) -> (i32, i32) {
    %c0_i32 = arith.constant 0 : i32
    %c0_i32_0 = arith.constant 0 : i32
    return %arg0, %c0_i32 : i32, i32
  }
}

module attributes {stable_mosaic.version = 14 : i64} {
  func.func @_final_body(%arg0: i32, %arg1: memref<2x1000x136xf32, #tpu.memory_space<vmem>>, %arg2: memref<1000x128xf32, #tpu.memory_space<vmem>>, %arg3: memref<128x128xf32, #tpu.memory_space<vmem>>, %arg4: memref<1x128xf32, #tpu.memory_space<vmem>>, %arg5: memref<128x128xf32, #tpu.memory_space<vmem>>, %arg6: memref<128x128xf32, #tpu.memory_space<vmem>>, %arg7: memref<1x128xf32, #tpu.memory_space<vmem>>, %arg8: memref<128x128xf32, #tpu.memory_space<vmem>>, %arg9: memref<1x128xf32, #tpu.memory_space<vmem>>, %arg10: memref<1000x128xf32, #tpu.memory_space<vmem>>) attributes {dimension_semantics = [#tpu.dimension_semantics<arbitrary>], iteration_bounds = array<i64: 10>, scalar_prefetch = 0 : i64, scratch_operands = 0 : i64, tpu.core_type = #tpu.core_type<tc>, window_params = [{transform_indices = @transform_0, window_bounds = array<i64: 2, 1000, 136>}, {transform_indices = @transform_1, window_bounds = array<i64: 1000, 128>}, {pipeline_mode = #tpu.pipeline_mode<synchronous>, transform_indices = @transform_2, window_bounds = array<i64: 128, 128>}, {pipeline_mode = #tpu.pipeline_mode<synchronous>, transform_indices = @transform_3, window_bounds = array<i64: 1, 128>}, {pipeline_mode = #tpu.pipeline_mode<synchronous>, transform_indices = @transform_4, window_bounds = array<i64: 128, 128>}, {pipeline_mode = #tpu.pipeline_mode<synchronous>, transform_indices = @transform_5, window_bounds = array<i64: 128, 128>}, {pipeline_mode = #tpu.pipeline_mode<synchronous>, transform_indices = @transform_6, window_bounds = array<i64: 1, 128>}, {pipeline_mode = #tpu.pipeline_mode<synchronous>, transform_indices = @transform_7, window_bounds = array<i64: 128, 128>}, {pipeline_mode = #tpu.pipeline_mode<synchronous>, transform_indices = @transform_8, window_bounds = array<i64: 1, 128>}, {transform_indices = @transform_9, window_bounds = array<i64: 1000, 128>}]} {
    %get3A = arith.constant 0 : index
    %get3A_0 = arith.constant 0 : index
    %get3A_1 = arith.constant 0 : index
    %get3A_2 = vector.load %arg1[%get3A, %get3A_0, %get3A_1] : memref<2x1000x136xf32, #tpu.memory_space<vmem>>, vector<1x1000x136xf32>
    %get3A_3 = vector.shape_cast %get3A_2 : vector<1x1000x136xf32> to vector<1000x136xf32>
    %get3A_4 = arith.constant 1 : index
    %get3A_5 = arith.constant 0 : index
    %get3A_6 = arith.constant 0 : index
    %get3A_7 = vector.load %arg1[%get3A_4, %get3A_5, %get3A_6] : memref<2x1000x136xf32, #tpu.memory_space<vmem>>, vector<1x1000x136xf32>
    %get3A_8 = vector.shape_cast %get3A_7 : vector<1x1000x136xf32> to vector<1000x136xf32>
    %add3A = arith.addf %get3A_3, %get3A_8 : vector<1000x136xf32>
    %slice3A = vector.extract_strided_slice %add3A {offsets = [0, 0], sizes = [1000, 128], strides = [1, 1]} : vector<1000x136xf32> to vector<1000x128xf32>
    %slice3A_9 = vector.extract_strided_slice %add3A {offsets = [0, 128], sizes = [1000, 1], strides = [1, 1]} : vector<1000x136xf32> to vector<1000x1xf32>
    %max3A = arith.constant 1.000000e+00 : f32
    %max3A_10 = vector.broadcast %max3A : f32 to vector<1000x1xf32>
    %max3A_11 = arith.maximumf %slice3A_9, %max3A_10 : vector<1000x1xf32>
    %div3A = vector.broadcast %max3A_11 : vector<1000x1xf32> to vector<1000x128xf32>
    %div3A_12 = arith.divf %slice3A, %div3A : vector<1000x128xf32>
    %gt3A = arith.constant 0.000000e+00 : f32
    %gt3A_13 = vector.broadcast %gt3A : f32 to vector<1000x1xf32>
    %gt3A_14 = arith.cmpf ogt, %slice3A_9, %gt3A_13 : vector<1000x1xf32>
    %convert_element_type3A = arith.extui %gt3A_14 : vector<1000x1xi1> to vector<1000x1xi32>
    %convert_element_type3A_15 = arith.sitofp %convert_element_type3A : vector<1000x1xi32> to vector<1000x1xf32>
    %get3A_16 = arith.constant 0 : index
    %get3A_17 = arith.constant 0 : index
    %get3A_18 = vector.load %arg3[%get3A_16, %get3A_17] : memref<128x128xf32, #tpu.memory_space<vmem>>, vector<128x128xf32>
    %dot_general3A = arith.constant dense<0.000000e+00> : vector<1000x128xf32>
    %dot_general3A_19 = tpu.matmul %div3A_12, %get3A_18, %dot_general3A {dimension_numbers = #tpu.dot_dimension_numbers<[1], [0], [0], [1], [0, 0, 1, 1], [], []>, transpose_lhs_hint = false} : vector<1000x128xf32>, vector<128x128xf32>, vector<1000x128xf32> -> vector<1000x128xf32>
    %get3A_20 = arith.constant 0 : index
    %get3A_21 = arith.constant 0 : index
    %get3A_22 = vector.load %arg4[%get3A_20, %get3A_21] : memref<1x128xf32, #tpu.memory_space<vmem>>, vector<1x128xf32>
    %mul3A = vector.broadcast %get3A_22 : vector<1x128xf32> to vector<1000x128xf32>
    %mul3A_23 = vector.broadcast %convert_element_type3A_15 : vector<1000x1xf32> to vector<1000x128xf32>
    %mul3A_24 = arith.mulf %mul3A, %mul3A_23 : vector<1000x128xf32>
    %add3A_25 = arith.addf %dot_general3A_19, %mul3A_24 : vector<1000x128xf32>
    %get3A_26 = arith.constant 0 : index
    %get3A_27 = arith.constant 0 : index
    %get3A_28 = vector.load %arg2[%get3A_26, %get3A_27] : memref<1000x128xf32, #tpu.memory_space<vmem>>, vector<1000x128xf32>
    %get3A_29 = arith.constant 0 : index
    %get3A_30 = arith.constant 0 : index
    %get3A_31 = vector.load %arg5[%get3A_29, %get3A_30] : memref<128x128xf32, #tpu.memory_space<vmem>>, vector<128x128xf32>
    %dot_general3A_32 = arith.constant dense<0.000000e+00> : vector<1000x128xf32>
    %dot_general3A_33 = tpu.matmul %get3A_28, %get3A_31, %dot_general3A_32 {dimension_numbers = #tpu.dot_dimension_numbers<[1], [0], [0], [1], [0, 0, 1, 1], [], []>, transpose_lhs_hint = false} : vector<1000x128xf32>, vector<128x128xf32>, vector<1000x128xf32> -> vector<1000x128xf32>
    %get3A_34 = arith.constant 0 : index
    %get3A_35 = arith.constant 0 : index
    %get3A_36 = vector.load %arg6[%get3A_34, %get3A_35] : memref<128x128xf32, #tpu.memory_space<vmem>>, vector<128x128xf32>
    %dot_general3A_37 = arith.constant dense<0.000000e+00> : vector<1000x128xf32>
    %dot_general3A_38 = tpu.matmul %add3A_25, %get3A_36, %dot_general3A_37 {dimension_numbers = #tpu.dot_dimension_numbers<[1], [0], [0], [1], [0, 0, 1, 1], [], []>, transpose_lhs_hint = false} : vector<1000x128xf32>, vector<128x128xf32>, vector<1000x128xf32> -> vector<1000x128xf32>
    %add3A_39 = arith.addf %dot_general3A_33, %dot_general3A_38 : vector<1000x128xf32>
    %get3A_40 = arith.constant 0 : index
    %get3A_41 = arith.constant 0 : index
    %get3A_42 = vector.load %arg7[%get3A_40, %get3A_41] : memref<1x128xf32, #tpu.memory_space<vmem>>, vector<1x128xf32>
    %add3A_43 = vector.broadcast %get3A_42 : vector<1x128xf32> to vector<1000x128xf32>
    %add3A_44 = arith.addf %add3A_39, %add3A_43 : vector<1000x128xf32>
    %gt3A_45 = arith.constant 0.000000e+00 : f32
    %gt3A_46 = vector.broadcast %gt3A_45 : f32 to vector<1000x128xf32>
    %gt3A_47 = arith.cmpf ogt, %add3A_44, %gt3A_46 : vector<1000x128xf32>
    %min3A = arith.constant 0.000000e+00 : f32
    %min3A_48 = vector.broadcast %min3A : f32 to vector<1000x128xf32>
    %min3A_49 = arith.minimumf %add3A_44, %min3A_48 : vector<1000x128xf32>
    %exp3A = math.exp %min3A_49 : vector<1000x128xf32>
    %sub3A = arith.constant 1.000000e+00 : f32
    %sub3A_50 = vector.broadcast %sub3A : f32 to vector<1000x128xf32>
    %sub3A_51 = arith.subf %exp3A, %sub3A_50 : vector<1000x128xf32>
    %select_n3A = arith.select %gt3A_47, %add3A_44, %sub3A_51 : vector<1000x128xi1>, vector<1000x128xf32>
    %get3A_52 = arith.constant 0 : index
    %get3A_53 = arith.constant 0 : index
    %get3A_54 = vector.load %arg8[%get3A_52, %get3A_53] : memref<128x128xf32, #tpu.memory_space<vmem>>, vector<128x128xf32>
    %dot_general3A_55 = arith.constant dense<0.000000e+00> : vector<1000x128xf32>
    %dot_general3A_56 = tpu.matmul %select_n3A, %get3A_54, %dot_general3A_55 {dimension_numbers = #tpu.dot_dimension_numbers<[1], [0], [0], [1], [0, 0, 1, 1], [], []>, transpose_lhs_hint = false} : vector<1000x128xf32>, vector<128x128xf32>, vector<1000x128xf32> -> vector<1000x128xf32>
    %get3A_57 = arith.constant 0 : index
    %get3A_58 = arith.constant 0 : index
    %get3A_59 = vector.load %arg9[%get3A_57, %get3A_58] : memref<1x128xf32, #tpu.memory_space<vmem>>, vector<1x128xf32>
    %add3A_60 = vector.broadcast %get3A_59 : vector<1x128xf32> to vector<1000x128xf32>
    %add3A_61 = arith.addf %dot_general3A_56, %add3A_60 : vector<1000x128xf32>
    %swap3A = arith.constant 0 : index
    %swap3A_62 = arith.constant 0 : index
    %swap3A_63 = vector.load %arg10[%swap3A, %swap3A_62] : memref<1000x128xf32, #tpu.memory_space<vmem>>, vector<1000x128xf32>
    tpu.vector_store %arg10[%swap3A, %swap3A_62], %add3A_61 {strides = array<i32>} : memref<1000x128xf32, #tpu.memory_space<vmem>>, vector<1000x128xf32>,
    return
  }
  func.func @transform_0(%arg0: i32) -> (i32, i32, i32) {
    %c0_i32 = arith.constant 0 : i32
    %c0_i32_0 = arith.constant 0 : i32
    %c0_i32_1 = arith.constant 0 : i32
    return %c0_i32, %arg0, %c0_i32_0 : i32, i32, i32
  }
  func.func @transform_1(%arg0: i32) -> (i32, i32) {
    %c0_i32 = arith.constant 0 : i32
    %c0_i32_0 = arith.constant 0 : i32
    return %arg0, %c0_i32 : i32, i32
  }
  func.func @transform_2(%arg0: i32) -> (i32, i32) {
    %c0_i32 = arith.constant 0 : i32
    %c0_i32_0 = arith.constant 0 : i32
    %c0_i32_1 = arith.constant 0 : i32
    return %c0_i32, %c0_i32_0 : i32, i32
  }
  func.func @transform_3(%arg0: i32) -> (i32, i32) {
    %c0_i32 = arith.constant 0 : i32
    %c0_i32_0 = arith.constant 0 : i32
    %c0_i32_1 = arith.constant 0 : i32
    return %c0_i32, %c0_i32_0 : i32, i32
  }
  func.func @transform_4(%arg0: i32) -> (i32, i32) {
    %c0_i32 = arith.constant 0 : i32
    %c0_i32_0 = arith.constant 0 : i32
    %c0_i32_1 = arith.constant 0 : i32
    return %c0_i32, %c0_i32_0 : i32, i32
  }
  func.func @transform_5(%arg0: i32) -> (i32, i32) {
    %c0_i32 = arith.constant 0 : i32
    %c0_i32_0 = arith.constant 0 : i32
    %c0_i32_1 = arith.constant 0 : i32
    return %c0_i32, %c0_i32_0 : i32, i32
  }
  func.func @transform_6(%arg0: i32) -> (i32, i32) {
    %c0_i32 = arith.constant 0 : i32
    %c0_i32_0 = arith.constant 0 : i32
    %c0_i32_1 = arith.constant 0 : i32
    return %c0_i32, %c0_i32_0 : i32, i32
  }
  func.func @transform_7(%arg0: i32) -> (i32, i32) {
    %c0_i32 = arith.constant 0 : i32
    %c0_i32_0 = arith.constant 0 : i32
    %c0_i32_1 = arith.constant 0 : i32
    return %c0_i32, %c0_i32_0 : i32, i32
  }
  func.func @transform_8(%arg0: i32) -> (i32, i32) {
    %c0_i32 = arith.constant 0 : i32
    %c0_i32_0 = arith.constant 0 : i32
    %c0_i32_1 = arith.constant 0 : i32
    return %c0_i32, %c0_i32_0 : i32, i32
  }
  func.func @transform_9(%arg0: i32) -> (i32, i32) {
    %c0_i32 = arith.constant 0 : i32
    %c0_i32_0 = arith.constant 0 : i32
    return %arg0, %c0_i32 : i32, i32
  }
}

</mosaic_0001>

<sc_bundles>
// kernel: kernel.6.cloned.1.call-start
scs
__scs_entry_jumppad:
0x0: {  	(pc) =	sbr.rel $0x88, $3  }
0x1: {  	(tag) =	ssettag $0x0;
	lr =	simm.s32 $0x1  }
0x2: {  	[smem:$0x3F96] =	sst lr;
	_ =	strace $0xD0000000  }
0x3: {  	_ = 	snop  }
0x4: {  	_ = 	snop  }
0x5: {  	_ = 	snop  }
0x6: {  	_ = 	snop  }
0x7: {  	_ = 	snop  }
__scs_overlays_trampoline_lowered:
0x8: {  	[smem:$0x3FA5] =	sst s0  }
0x9: {  	[smem:$0x3FA6] =	sst s1  }
0xa: {  	[smem:$0x3FA7] =	sst s2  }
0xb: {  	[smem:$0x3FA8] =	sst s3  }
0xc: {  	[smem:$0x3FA9] =	sst s4  }
0xd: {  	[smem:$0x3FAA] =	sst s5  }
0xe: {  	[smem:$0x3FAB] =	sst s6  }
0xf: {  	[smem:$0x3FAC] =	sst s7  }
0x10: {  	[smem:$0x3FAD] =	sst s8  }
0x11: {  	[smem:$0x3FAE] =	sst s9;
	s0 =	simm.s32 @!p0 $0x0  }
0x12: {  	s1 =	sld [smem:$0x3F94];
	s0 =	simm.s32 @p0 $0x1  }
0x13: {  	[smem:$0x3FAF] =	sst s0;
	s0 =	simm.s32 @!p1 $0x0  }
0x14: {  	s2 =	sld [smem:$0x3F93];
	s0 =	simm.s32 @p1 $0x1  }
0x15: {  	[smem:$0x3FB0] =	sst s0;
	s0 =	simm.s32 @!p2 $0x0  }
0x16: {  	s3 =	sld [smem:$0x3FDB];
	s0 =	simm.s32 @p2 $0x1  }
0x17: {  	s4 =	simm.s32 $0x1BF5;
	[smem:$0x3FB2] =	sst s0  }
0x18: {  	s0 =	sld [smem:$0x3F95];
	_ =	swait.ge [sflag:s4], $0x0  }
0x19: {  	s7 =	sld [smem:$0x3F96]  }
0x1a: {  	s8 =	sadd.s32 $0xFFFFE003, lr  }
0x1b: {  	s9 =	sadd.s32 $0xFFFFFEF7, lr;
	s5 =	simm.s32 $0xFFFFFFFF;
	p2 =	slt.u32 s8, $0xFFFFF086  }
0x1c: {  	p1 =	slt.u32 s9, $0xF7A;
	s5 =	simm.s32 @!p2 $0x0  }
0x1d: {  	s5 =	simm.s32 @p1 $0x1;
	p0 =	seq.s32 s7, s2  }
0x1e: {  	s7 =	smul.u32 @!p0 $0xF7A, s2;
	p2 =	seq.s32 @!p0 s5, $0x0  }
0x1f: {  	s9 =	smul.u32 $0xF7A, s1;
	s8 =	simm.s32 @!p0 $0x1BF5;
	p2 =	por !p2, p0  }
0x20: {  	[sflag:s8] =	ssyncset.s32 @!p0 $0xFFFFF086;
	s6 =	sadd.s32 @!p0 s3, s7;
	s7 =	simm.s32 @!p0 $0x108  }
0x21: {  	s3 =	sadd.s32 s3, s9;
	s6 =	sadd.s32 @!p0 $0x88, s6;
	s7 =	simm.s32 @p2 $0x1082  }
0x22: {  	[simem:s7], [sflag:s8] =	dma.local @!p0 [hbm:s6], $0xF7A  }
0x23: {  	s9 =	sor.u32 $0xD0000000, s2;
	s6 =	simm.s32 $0x108;
	_ =	swait.ge @!p0 [sflag:s8], $0x0  }
0x24: {  	s3 =	sadd.s32 $0x88, s3;
	s6 =	simm.s32 @!p1 $0x1082;
	[sflag:s4] =	ssyncset.s32 $0xFFFFF086  }
0x25: {  	[simem:s6], [sflag:s4] =	dma.local [hbm:s3], $0xF7A  }
0x26: {  	[smem:$0x3F96] =	sst s1;
	(tag) =	ssettag s2;
	_ =	strace s9  }
0x27: {  	s1 =	sld [smem:$0x3FA6]  }
0x28: {  	s2 =	sld [smem:$0x3FA7]  }
0x29: {  	s4 =	sld [smem:$0x3FA9]  }
0x2a: {  	p0 =	seq.s32 s5, $0x0;
	s5 =	sld [smem:$0x3FAA]  }
0x2b: {  	s6 =	sld [smem:$0x3FAB]  }
0x2c: {  	s7 =	sld [smem:$0x3FAC]  }
0x2d: {  	s3 =	simm.s32 $0x108;
	s8 =	sld [smem:$0x3FAD]  }
0x2e: {  	s3 =	simm.s32 @!p0 $0x1082;
	s9 =	sld [smem:$0x3FAE]  }
0x2f: {  	lr =	sadd.s32 s0, s3;
	s0 =	sld [smem:$0x3FA5]  }
0x30: {  	s3 =	sld [smem:$0x3FA8]  }
0x31: {  	[smem:$0x3FB1] =	sst s10  }
0x32: {  	s10 =	sld [smem:$0x3FAF];
	_ =	sdelay $0x3  }
0x33: {  	p0 =	seq.s32 s10, $0x1;
	s10 =	sld [smem:$0x3FB1];
	_ =	sdelay $0x3  }
0x34: {  	[smem:$0x3FB1] =	sst s10  }
0x35: {  	s10 =	sld [smem:$0x3FB0];
	_ =	sdelay $0x3  }
0x36: {  	p1 =	seq.s32 s10, $0x1;
	s10 =	sld [smem:$0x3FB1];
	_ =	sdelay $0x3  }
0x37: {  	[smem:$0x3FB1] =	sst s10  }
0x38: {  	s10 =	sld [smem:$0x3FB2]  }
0x39: {  	_ = 	snop;
	(pc) =	sbr.ind lr, $3  }
0x3a: {  	_ = 	snop  }
0x3b: {  	_ = 	snop  }
0x3c: {  	p2 =	seq.s32 s10, $0x1;
	s10 =	sld [smem:$0x3FB1]  }
0x3d: {  	_ =	shalt  }
0x3e: {  	_ =	shalt  }
0x3f: {  	_ =	shalt  }
0x40: {  	_ =	shalt  }
0x41: {  	_ =	shalt  }
0x42: {  	_ =	shalt  }
0x43: {  	_ =	shalt  }
0x44: {  	_ =	shalt  }
0x45: {  	_ =	shalt  }
0x46: {  	_ =	shalt  }
0x47: {  	_ =	shalt  }
0x48: {  	_ =	shalt  }
0x49: {  	_ =	shalt  }
0x4a: {  	_ =	shalt  }
0x4b: {  	_ =	shalt  }
0x4c: {  	_ =	shalt  }
0x4d: {  	_ =	shalt  }
0x4e: {  	_ =	shalt  }
0x4f: {  	_ =	shalt  }
0x50: {  	_ =	shalt  }
0x51: {  	_ =	shalt  }
0x52: {  	_ =	shalt  }
0x53: {  	_ =	shalt  }
0x54: {  	_ =	shalt  }
0x55: {  	_ =	shalt  }
0x56: {  	_ =	shalt  }
0x57: {  	_ =	shalt  }
0x58: {  	_ =	shalt  }
0x59: {  	_ =	shalt  }
0x5a: {  	_ =	shalt  }
0x5b: {  	_ =	shalt  }
0x5c: {  	_ =	shalt  }
0x5d: {  	_ =	shalt  }
0x5e: {  	_ =	shalt  }
0x5f: {  	_ =	shalt  }
0x60: {  	_ =	shalt  }
0x61: {  	_ =	shalt  }
0x62: {  	_ =	shalt  }
0x63: {  	_ =	shalt  }
0x64: {  	_ =	shalt  }
0x65: {  	_ =	shalt  }
0x66: {  	_ =	shalt  }
0x67: {  	_ =	shalt  }
0x68: {  	_ =	shalt  }
0x69: {  	_ =	shalt  }
0x6a: {  	_ =	shalt  }
0x6b: {  	_ =	shalt  }
0x6c: {  	_ =	shalt  }
0x6d: {  	_ =	shalt  }
0x6e: {  	_ =	shalt  }
0x6f: {  	_ =	shalt  }
0x70: {  	_ =	shalt  }
0x71: {  	_ =	shalt  }
0x72: {  	_ =	shalt  }
0x73: {  	_ =	shalt  }
0x74: {  	_ =	shalt  }
0x75: {  	_ =	shalt  }
0x76: {  	_ =	shalt  }
0x77: {  	_ =	shalt  }
0x78: {  	_ =	shalt  }
0x79: {  	_ =	shalt  }
0x7a: {  	_ =	shalt  }
0x7b: {  	_ =	shalt  }
0x7c: {  	_ =	shalt  }
0x7d: {  	_ =	shalt  }
0x7e: {  	_ =	shalt  }
0x7f: {  	_ =	shalt  }
0x80: {  	_ =	shalt  }
0x81: {  	_ =	shalt  }
0x82: {  	_ =	shalt  }
0x83: {  	_ =	shalt  }
0x84: {  	_ =	shalt  }
0x85: {  	_ =	shalt  }
0x86: {  	_ =	shalt  }
0x87: {  	_ =	shalt  }
.Lfunc_end0:
.L_simem_size_0:
called_computation_lowered:
.L_overlay_start_0:
0x88: {  	s2 =	sld [smem:$0x3FD9]  }
0x89: {  	s3 =	sld [smem:$0x3FFE];
	_ =	sdelay $0x1  }
0x8a: {  	s1 =	srdreg.scid  }
0x8b: {  	s0 =	sand.u32 $0x1, s1  }
0x8c: {  	s17 =	sshll.u32 s0, $0xA;
	s2 =	sadd.s32 s3, s2  }
0x8d: {  	s2 =	sadd.s32 s2, s17  }
0x8e: {  	[smem:$0x3FBD] =	sst s2  }
0x8f: {  	_ = 	snop  }
0x90: {  	s2 =	sld [smem:$0x3FD0];
	(tm) =	ssettm $0x1  }
0x91: {  	s18 =	sld [smem:$0x3FFB];
	_ =	sdelay $0x3  }
0x92: {  	_ =	strace s18  }
0x93: {  	s3 =	sld [smem:$0x3FFC];
	_ =	sdelay $0x3  }
0x94: {  	_ =	strace s3  }
0x95: {  	s3 =	sld [smem:$0x3FFD];
	_ =	sdelay $0x3  }
0x96: {  	_ =	strace s3  }
0x97: {  	_ =	strace $0x8FFFFFFF  }
0x98: {  	s19 =	sld [smem:$0x3FDB];
	_ =	sdelay $0x1  }
0x99: {  	s4 =	simm.s32 $_scs_section_size  }
0x9a: {  	s5 =	simm.s32 $_size__tile_overlayer_lowered;
	s6 =	simm.s32 $_tile_overlayer_lowered  }
0x9b: {  	s22 =	simm.s32 $0x1BFF;
	s21 =	sshll.u32 s6, $0x1;
	s3 =	sadd.s32 s4, s19  }
0x9c: {  	s7 =	simm.s32 $0x0;
	s20 =	sshll.u32 s5, $0x1;
	s5 =	sadd.s32 s21, s3  }
0x9d: {  	[timem:s7], [sflag:s22] =	dma.local [hbm:s5], s20  }
0x9e: {  	_ =	swait.ge [sflag:s22], s20  }
0x9f: {  	s4 =	ssub.s32 $0x0, s20;
	[sflag:s22] =	ssyncset.done $0x0  }
0xa0: {  	[sflag:s22] =	ssyncadd.s32 s4;
	_ =	sdelay $0x1  }
0xa1: {  	s23 =	simm.s32 $0x1B8B  }
0xa2: {  	_ =	swait.ge [sflag:s23], $0x1  }
0xa3: {  	[sflag:s23] =	ssyncset.done $0x0  }
0xa4: {  	s25 =	simm.s32 $0x1B8E;
	s24 =	sld [smem:$0x3FFE];
	[sflag:s23] =	ssyncadd.s32 $0xFFFFFFFF  }
0xa5: {  	s26 =	simm.s32 $execute0_lowered;
	[smem:$0x3FD2] =	sst s25  }
0xa6: {  	s5 =	sshll.u32 s26, $0x1;
	_ =	strace $0x80000046;
	[dreg:$0x1] =	wrdreg $0xFFFFFFFF  }
0xa7: {  	s28 =	simm.s32 $_size_execute0_lowered;
	s3 =	sadd.s32 s3, s5;
	[dreg:$0x0] =	wrdreg $0x0  }
0xa8: {  	s5 =	sshll.u32 s28, $0x1;
	[dreg:$0x2] =	wrdreg s3  }
0xa9: {  	[dreg:$0x3] =	wrdreg s5  }
0xaa: {  	[dreg:$0x4] =	wrdreg $0xC0  }
0xab: {  	_ =	task [dreg:s7], $0x5FFFF  }
0xac: {  	[dreg:$0x1] =	wrdreg $0xFFFFFFFF  }
0xad: {  	[dreg:$0x0] =	wrdreg $0x60  }
0xae: {  	[dreg:$0x2] =	wrdreg s2  }
0xaf: {  	[dreg:$0x3] =	wrdreg s24  }
0xb0: {  	[dreg:$0x4] =	wrdreg $0xA3700  }
0xb1: {  	[dreg:$0x5] =	wrdreg $0x9  }
0xb2: {  	_ =	task.clear_ibuf [dreg:s7], $0x6FFFF;
	_ =	strace $0x90000046  }
0xb3: {  	s29 =	simm.s32 $0x9;
	_ =	strace $0x80000048  }
0xb4: {  	_ =	swait.ge [sflag:s29], $0x1  }
0xb5: {  	[sflag:s29] =	ssyncadd.s32 $0xFFFFFFFF  }
0xb6: {  	_ =	strace $0x90000048  }
0xb7: {  	_ =	sfence  }
0xb8: {  	s30 =	sld [smem:$0x0];
	_ =	sdelay $0x2  }
0xb9: {  	s31 =	sshll.u32 s1, $0xD;
	s1 =	sshrl.u32 s1, $0x2  }
0xba: {  	s3 =	sand.u32 $0x4000, s31;
	s1 =	sadd.s32 s1, s30  }
0xbb: {  	s0 =	sor.u32 s3, s0;
	s1 =	sshll.u32 s1, $0x11  }
0xbc: {  	s0 =	sor.u32 s1, s0  }
0xbd: {  	s0 =	sadd.s32 $0x8F2B, s0  }
0xbe: {  	[sflag:s0] =	ssyncadd.remote.s32 $0x1  }
0xbf: {  	_ =	sfence.sel $0xFFFF  }
0xc0: {  	[dreg:$0x0] =	wrdreg $0xFFFFFFFF;
	(pc) =	sbr.abs _section_cstart, $3  }
0xc1: {  	[dreg:$0x1] =	wrdreg $0xFFFFFFFF  }
0xc2: {  	_ =	task.clear_ibuf [dreg:s7], $0x2FFFF;
	_ =	strace $0x9FFFFFFF  }
0xc3: {  	(tm) =	ssettm $0x7FFFFFFF  }
tec
execute0_lowered:
.L_overlay_start_1:
0x0: {  	(tag) =	ssettag $0x1  }
0x1: {  	s1 =	rddreg [dreg:$0x0]  }
0x2: {  	s0 =	rddreg [dreg:$0x1]  }
0x3: {  	s16 =	rddreg [dreg:$0x2];
	s3 =	simm.s32 $0x0;
	s2 =	srdreg.scid  }
0x4: {  	s15 =	stileid.u32;
	s28 =	simm.s32 $0xC8;
	[smem:$0x7FF] =	sst s3  }
0x5: {  	s31 =	simm.s32 $0x2;
	s5 =	sadd.s32 $0x501800, s0;
	s6 =	sadd.s32 $0x528A00, s0  }
0x6: {  	s2 =	sand.u32 $0x1, s2;
	s4 =	smul.u32 $0x14C08, s15;
	s7 =	sadd.s32 $0x4EDA00, s0  }
0x7: {  	s10 =	sadd.s32 $0x1C00, s0;
	s12 =	sadd.s32 $0x501400, s0;
	s8 =	sshll.u32 s2, $0x4  }
0x8: {  	s30 =	sshll.u32 s15, $0x6;
	s9 =	smul.u32 $0x14C080, s2;
	s11 =	sor.u32 s15, s8  }
0x9: {  	_ =	strace $0x80000047;
	[dreg:$0x4] =	wrdreg s10;
	s10 =	smul.u32 $0xFA, s11  }
0xa: {  	[dreg:$0x5] =	wrdreg s12;
	s2 =	ssub.s32 $0x2, s2;
	s20 =	smul.u32 $0x9C4, s11  }
0xb: {  	s8 =	sadd.s32 $0x4E3C00, s0;
	s21 =	sshrl.u32 s2, $0x1;
	s13 =	smul.u32 $0x4E20, s11  }
0xc: {  	s9 =	sadd.s32 s4, s9;
	s14 =	smul.u32 $0x27100, s11;
	s2 =	ssub.s32 s2, s21  }
0xd: {  	s22 =	smul.u32 $0x4E2, s11;
	s4 =	sadd.s32 s4, s16;
	s29 =	smax.u32 s2, $0x1  }
0xe: {  	s9 =	sshrl.u32 s9, $0x3;
	s4 =	sshrl.u32 s4, $0x3;
	[dreg:$0xc] =	wrdreg s29  }
0xf: {  	s2 =	simm.s32 $0x0;
	s12 =	sadd.s32 s7, s20;
	[dreg:$0xe] =	wrdreg s4  }
0x10: {  	s0 =	sadd.s32 s9, s0;
	s24 =	sadd.s32 s6, s14;
	[dreg:$0x6] =	wrdreg s12  }
0x11: {  	s23 =	sshrl.u32 s13, $0x3;
	s9 =	sadd.s32 s8, s22;
	[dreg:$0x7] =	wrdreg s24  }
0x12: {  	s26 =	sadd.s32 $0x2, s10;
	s14 =	sor.u32 $0x1C09, s30;
	[dreg:$0x8] =	wrdreg s9  }
0x13: {  	s13 =	simm.s32 $0x4;
	s11 =	sadd.s32 s7, s23;
	[dreg:$0xa] =	wrdreg s26  }
0x14: {  	s0 =	sadd.s32 $0x4600, s0;
	s9 =	simm.s32 $0x5;
	[dreg:$0xd] =	wrdreg s14  }
0x15: {  	s12 =	simm.s32 $0x3;
	s25 =	sadd.s32 $0xA, s11;
	[dreg:$0xb] =	wrdreg s0  }
0x16: {  	s11 =	simm.s32 $0x9;
	[dreg:$0x9] =	wrdreg s25;
	s25 =	simm.s32 $0x28  }
.LBB2_1:
0x17: {  	[dreg:$0xf] =	wrdreg s2  }
0x18: {  	s0 =	rddreg [dreg:$0x5];
	s15 =	simm.s32 $0x78F0  }
0x19: {  	[tilespmem:s15], [sflag:$0x9] =	stream.linear.gather [hbm4b:s0+s3], $0x1540, $0x38;
	[tilespmem:$0x1EF78] =	vst v63  }
0x1a: {  	_ =	swait.ge [sflag:s11], $0x1540  }
0x1b: {  	[sflag:s11] =	ssyncset.done $0x0  }
0x1c: {  	s17 =	simm.s32 $0x8E30;
	[sflag:s11] =	ssyncadd.s32 $0xFFFFEAC0  }
0x1d: {  	[tilespmem:s17], [sflag:$0x9] =	stream.linear.gather [hbm4b:s0+s3], $0x1540, $0x38;
	[tilespmem:$0x1EF78] =	vst v63  }
0x1e: {  	_ =	swait.ge [sflag:s11], $0x1540  }
0x1f: {  	[sflag:s11] =	ssyncset.done $0x0  }
0x20: {  	s18 =	rddreg [dreg:$0x4];
	[sflag:s11] =	ssyncadd.s32 $0xFFFFEAC0  }
0x21: {  	[spmem:s4], [sflag:s14] =	dma.local [hbm:s18], $0x2981  }
0x22: {  	_ =	swait.ge [sflag:s11], $0x2981  }
0x23: {  	[sflag:s11] =	ssyncset.done $0x0  }
0x24: {  	[sflag:s11] =	ssyncadd.s32 $0xFFFFD67F  }
0x25: {  	[bflag:$0x0] =	sbarrier.arrive $0xFFFF  }
0x26: {  	s19 =	rddreg [dreg:$0x6]  }
0x27: {  	[tilespmem:s3], [sflag:$0x9] =	stream.linear.gather [hbm4b:s19+s3], $0x50, $0x38;
	[tilespmem:$0x1EF78] =	vst v63  }
0x28: {  	_ =	swait.ge [sflag:s11], $0x50  }
0x29: {  	[sflag:s11] =	ssyncset.done $0x0  }
0x2a: {  	s21 =	simm.s32 $0x50F0;
	s20 =	rddreg [dreg:$0x7];
	[sflag:s11] =	ssyncadd.s32 $0xFFFFFFB0  }
0x2b: {  	[tilespmem:s21], [sflag:$0x5] =	stream.linear.gather [hbm4b:s20+s3], $0x1400, $0x38;
	[tilespmem:$0x1EF78] =	vst v63  }
0x2c: {  	s22 =	simm.s32 $0xF0  }
0x2d: {  	[tilespmem:s22], [sflag:$0x5] =	stream.indirect.gather [hbm4b:s1+s25], $0x80, s3, s25, $0xb8;
	[tilespmem:$0x1EF78] =	vst v63  }
0x2e: {  	s23 =	simm.s32 $0x28F0  }
0x2f: {  	[tilespmem:s23], [sflag:$0x5] =	stream.indirect.gather [hbm4b:s5+s25], $0x80, s25, s25, $0xb8;
	[tilespmem:$0x1EF78] =	vst v63  }
0x30: {  	s26 =	simm.s32 $0xA0;
	s24 =	rddreg [dreg:$0x8]  }
0x31: {  	[tilespmem:s26], [sflag:$0x3] =	stream.linear.gather [hbm4b:s24+s3], $0x28, $0x38;
	[tilespmem:$0x1EF78] =	vst v63  }
0x32: {  	s30 =	simm.s32 $0x50;
	s18 =	simm.s32 $0x0;
	s29 =	rddreg [dreg:$0x9]  }
0x33: {  	[tilespmem:s30], [sflag:$0x2] =	stream.linear.gather [hbm4b:s29+s3], $0x50, $0x38;
	[tilespmem:$0x1EF78] =	vst v63  }
.LBB2_2:
0x34: {  	s15 =	sshll.u32 s18, $0x1  }
0x35: {  	s0 =	sadd.s32 s15, s10  }
0x36: {  	s14 =	sadd.s32 $0x1, s0  }
0x37: {  	_ =	swait.ge [sflag:s31], $0x50;
	s0 =	smul.u32 $0x280, s14  }
0x38: {  	s2 =	simm.s32 $0x64F0;
	s21 =	simm.s32 $0x50;
	[sflag:s31] =	ssyncset.done $0x0  }
0x39: {  	s22 =	simm.s32 $0x14F0;
	[sflag:s31] =	ssyncadd.s32 $0xFFFFFFB0;
	s0 =	sadd.s32 s6, s0  }
0x3a: {  	[tilespmem:s2], [sflag:$0x6] =	stream.linear.gather [hbm4b:s0+s3], $0x1400, $0x38;
	[tilespmem:$0x1EF78] =	vst v63  }
0x3b: {  	s23 =	simm.s32 $0x78;
	p0 =	seq.s32 s18, $0x0;
	s0 =	sadd.s32 s10, s15  }
0x3c: {  	[tilespmem:s22], [sflag:$0x6] =	stream.indirect.gather [hbm4b:s1+s25], $0x80, s21, s25, $0xb8;
	[tilespmem:$0x1EF78] =	vst v63  }
0x3d: {  	s24 =	simm.s32 $0x3CF0;
	s4 =	simm.s32 @!p0 $0x8;
	s26 =	smul.u32 $0x28, s0  }
0x3e: {  	[tilespmem:s24], [sflag:$0x6] =	stream.indirect.gather [hbm4b:s5+s25], $0x80, s23, s25, $0xb8;
	[tilespmem:$0x1EF78] =	vst v63  }
0x3f: {  	s2 =	sadd.s32 $0x28, s26;
	_ =	swait.ge @!p0 [sflag:s4], $0x1540  }
0x40: {  	s2 =	sshrl.u32 s2, $0x3;
	[sflag:s4] =	ssyncset.done @!p0 $0x0  }
0x41: {  	s2 =	sadd.s32 s8, s2;
	[sflag:s4] =	ssyncadd.s32 @!p0 $0xFFFFEAC0  }
0x42: {  	[tilespmem:s28], [sflag:$0x4] =	stream.linear.gather [hbm4b:s2+s3], $0x28, $0x38;
	[tilespmem:$0x1EF78] =	vst v63  }
0x43: {  	_ =	swait.ge [sflag:s9], $0x1400  }
0x44: {  	[sflag:s9] =	ssyncset.done $0x0  }
0x45: {  	[sflag:s9] =	ssyncadd.s32 $0xFFFFEC00  }
0x46: {  	p0 =	seq.s32 s18, $0x7C;
	_ =	swait.ge [sflag:s9], $0x1400  }
0x47: {  	s0 =	smul.u32 @!p0 $0x50, s0;
	[sflag:s9] =	ssyncset.done $0x0  }
0x48: {  	[sflag:s9] =	ssyncadd.s32 $0xFFFFEC00  }
0x49: {  	s0 =	sshrl.u32 @!p0 s0, $0x3;
	_ =	swait.ge [sflag:s9], $0x1400  }
0x4a: {  	s29 =	simm.s32 $0x1F0;
	s0 =	sadd.s32 @!p0 s7, s0;
	[sflag:s9] =	ssyncset.done $0x0  }
0x4b: {  	s2 =	simm.s32 @!p0 $0x0;
	s0 =	sadd.s32 @!p0 $0x14, s0;
	[sflag:s9] =	ssyncadd.s32 $0xFFFFEC00  }
0x4c: {  	[tilespmem:s2], [sflag:$0x1] =	stream.linear.gather @!p0 [hbm4b:s0+s2], $0x50, $0x38;
	[tilespmem:$0x1EF78] =	vst v63  }
0x4d: {  	s26 =	simm.s32 $0x29F0;
	v0 =	vld [tilespmem:s29+$0x80]  }
0x4e: {  	v1 =	vld [tilespmem:s26+$0x80]  }
0x4f: {  	s21 =	simm.s32 $0x51F0  }
0x50: {  	v2 =	vld [tilespmem:s21+$0x80];
	_ =	sdelay $0x2  }
0x51: {  	v0 =	vadd.f32 v1, v0;
	_ =	sdelay $0x1  }
0x52: {  	v0 =	vadd.f32 v2, v0;
	_ =	sdelay $0x1  }
0x53: {  	v1 =	vmul.f32 $1.442695020e+00, v0;
	_ =	sdelay $0x1  }
0x54: {  	(erf) = vpow2.f32 v1;
	_ =	sdelay $0x2  }
0x55: {  	v3 =	vld [tilespmem:s26+$0xFFFFFF80]  }
0x56: {  	v4 =	vld [tilespmem:s29+$0xFFFFFF00]  }
0x57: {  	v1 =	vld [tilespmem:s26+$0xFFFFFF00]  }
0x58: {  	v5 =	vld [tilespmem:s29+$0x0]  }
0x59: {  	v6 =	vld [tilespmem:s21+$0xFFFFFF00]  }
0x5a: {  	v2 =	vld [tilespmem:s29+$0xFFFFFF80]  }
0x5b: {  	v7 =	vld [tilespmem:s26+$0x0];
	v9 =	vpop (erf)  }
0x5c: {  	v8 =	vld [tilespmem:s21+$0xFFFFFF80];
	v1 =	vadd.f32 v1, v4;
	v4 =	vadd.f32 $-1.000000000e+00, v9  }
0x5d: {  	vm0 =	vgt.f32 v0, $0.0e+00  }
0x5e: {  	s11 =	simm.s32 $0x7A00;
	v1 =	vadd.f32 v6, v1;
	v9 =	vld [tilespmem:s21+$0x0];
	v0 =	vsel vm0, v0, v4  }
0x5f: {  	v2 =	vadd.f32 v3, v2;
	[tilespmem:s11+$0x88] =	vst v0  }
0x60: {  	v3 =	vmul.f32 $1.442695020e+00, v1;
	v4 =	vld [tilespmem:s29+$0x90]  }
0x61: {  	v2 =	vadd.f32 v8, v2;
	v0 =	vadd.f32 v7, v5;
	v5 =	vld [tilespmem:s26+$0x90]  }
0x62: {  	(erf) = vpow2.f32 v3  }
0x63: {  	v6 =	vmul.f32 $1.442695020e+00, v2;
	v3 =	vld [tilespmem:s21+$0x90];
	v0 =	vadd.f32 v9, v0;
	_ =	sdelay $0x1  }
0x64: {  	(erf) = vpow2.f32 v6;
	v7 =	vmul.f32 $1.442695020e+00, v0  }
0x65: {  	v4 =	vadd.f32 v5, v4  }
0x66: {  	(erf) = vpow2.f32 v7  }
0x67: {  	v3 =	vadd.f32 v3, v4;
	_ =	sdelay $0x1  }
0x68: {  	v4 =	vmul.f32 $1.442695020e+00, v3  }
0x69: {  	v5 =	vpop (erf)  }
0x6a: {  	v5 =	vadd.f32 $-1.000000000e+00, v5;
	(erf) = vpow2.f32 v4  }
0x6b: {  	vm0 =	vgt.f32 v1, $0.0e+00  }
0x6c: {  	v1 =	vsel vm0, v1, v5;
	v4 =	vpop (erf)  }
0x6d: {  	[tilespmem:s11+$0xFFFFFEF0] =	vst v1;
	v4 =	vadd.f32 $-1.000000000e+00, v4  }
0x6e: {  	vm0 =	vgt.f32 v2, $0.0e+00;
	v6 =	vld [tilespmem:s21+$0xFFFFFF10];
	v5 =	vpop (erf)  }
0x6f: {  	v1 =	vadd.f32 $-1.000000000e+00, v5;
	v2 =	vsel vm0, v2, v4;
	v4 =	vld [tilespmem:s29+$0xFFFFFF10]  }
0x70: {  	vm0 =	vgt.f32 v0, $0.0e+00;
	[tilespmem:s11+$0xFFFFFF78] =	vst v2;
	v2 =	vld [tilespmem:s26+$0xFFFFFF10]  }
0x71: {  	v0 =	vsel vm0, v0, v1;
	v1 =	vld [tilespmem:s29+$0xFFFFFF90]  }
0x72: {  	[tilespmem:s11+$0x0] =	vst v0;
	v0 =	vld [tilespmem:s26+$0xFFFFFF90]  }
0x73: {  	v9 =	vld [tilespmem:s21+$0xFFFFFF90];
	v7 =	vpop (erf)  }
0x74: {  	v5 =	vld [tilespmem:s29+$0x10];
	v7 =	vadd.f32 $-1.000000000e+00, v7  }
0x75: {  	vm0 =	vgt.f32 v3, $0.0e+00;
	v8 =	vld [tilespmem:s26+$0x10]  }
0x76: {  	v2 =	vadd.f32 v2, v4;
	v3 =	vsel vm0, v3, v7  }
0x77: {  	v4 =	vld [tilespmem:s21+$0x10];
	[tilespmem:s11+$0x98] =	vst v3  }
0x78: {  	v0 =	vadd.f32 v0, v1;
	v1 =	vadd.f32 v6, v2;
	v2 =	vld [tilespmem:s29+$0xA0]  }
0x79: {  	v3 =	vld [tilespmem:s26+$0xA0]  }
0x7a: {  	v5 =	vadd.f32 v8, v5;
	v0 =	vadd.f32 v9, v0  }
0x7b: {  	v7 =	vld [tilespmem:s21+$0xA0];
	v6 =	vmul.f32 $1.442695020e+00, v1  }
0x7c: {  	v4 =	vadd.f32 v4, v5;
	v5 =	vmul.f32 $1.442695020e+00, v0  }
0x7d: {  	(erf) = vpow2.f32 v6  }
0x7e: {  	(erf) = vpow2.f32 v5;
	v2 =	vadd.f32 v3, v2;
	_ =	sdelay $0x1  }
0x7f: {  	v6 =	vmul.f32 $1.442695020e+00, v4;
	v2 =	vadd.f32 v7, v2;
	_ =	sdelay $0x1  }
0x80: {  	(erf) = vpow2.f32 v6;
	v3 =	vmul.f32 $1.442695020e+00, v2;
	_ =	sdelay $0x2  }
0x81: {  	(erf) = vpow2.f32 v3  }
0x82: {  	v3 =	vpop (erf)  }
0x83: {  	v3 =	vadd.f32 $-1.000000000e+00, v3;
	v5 =	vpop (erf)  }
0x84: {  	vm0 =	vgt.f32 v1, $0.0e+00;
	v5 =	vadd.f32 $-1.000000000e+00, v5  }
0x85: {  	v1 =	vsel vm0, v1, v3;
	vm0 =	vgt.f32 v0, $0.0e+00  }
0x86: {  	[tilespmem:s11+$0xFFFFFF00] =	vst v1;
	v0 =	vsel vm0, v0, v5  }
0x87: {  	v3 =	vpop (erf);
	[tilespmem:s11+$0xFFFFFF88] =	vst v0;
	v0 =	vld [tilespmem:s26+$0xFFFFFF20]  }
0x88: {  	v8 =	vld [tilespmem:s21+$0xFFFFFF20];
	v1 =	vadd.f32 $-1.000000000e+00, v3  }
0x89: {  	vm0 =	vgt.f32 v4, $0.0e+00;
	v3 =	vld [tilespmem:s29+$0xFFFFFF20]  }
0x8a: {  	v5 =	vpop (erf);
	v1 =	vsel vm0, v4, v1;
	v4 =	vld [tilespmem:s29+$0xFFFFFFA0]  }
0x8b: {  	v5 =	vadd.f32 $-1.000000000e+00, v5;
	[tilespmem:s11+$0x10] =	vst v1;
	v1 =	vld [tilespmem:s26+$0xFFFFFFA0]  }
0x8c: {  	vm0 =	vgt.f32 v2, $0.0e+00;
	v6 =	vld [tilespmem:s29+$0x20]  }
0x8d: {  	v7 =	vld [tilespmem:s26+$0x20];
	v2 =	vsel vm0, v2, v5  }
0x8e: {  	v5 =	vld [tilespmem:s21+$0xFFFFFFA0];
	[tilespmem:s11+$0xA8] =	vst v2  }
0x8f: {  	v0 =	vadd.f32 v0, v3;
	v2 =	vld [tilespmem:s29+$0xB0]  }
0x90: {  	v3 =	vld [tilespmem:s26+$0xB0]  }
0x91: {  	v9 =	vld [tilespmem:s21+$0x20];
	v0 =	vadd.f32 v8, v0  }
0x92: {  	v8 =	vld [tilespmem:s21+$0xB0]  }
0x93: {  	v1 =	vadd.f32 v1, v4;
	v4 =	vadd.f32 v7, v6;
	v6 =	vmul.f32 $1.442695020e+00, v0;
	_ =	sdelay $0x1  }
0x94: {  	v1 =	vadd.f32 v5, v1;
	v2 =	vadd.f32 v3, v2;
	(erf) = vpow2.f32 v6  }
0x95: {  	v3 =	vadd.f32 v9, v4  }
0x96: {  	v4 =	vmul.f32 $1.442695020e+00, v1;
	v2 =	vadd.f32 v8, v2  }
0x97: {  	v5 =	vmul.f32 $1.442695020e+00, v3  }
0x98: {  	(erf) = vpow2.f32 v4;
	v4 =	vmul.f32 $1.442695020e+00, v2  }
0x99: {  	(erf) = vpow2.f32 v5  }
0x9a: {  	(erf) = vpow2.f32 v4;
	_ =	sdelay $0x1  }
0x9b: {  	s23 =	simm.s32 $0x2BF0  }
0x9c: {  	s17 =	simm.s32 $0x3F0;
	v6 =	vld [tilespmem:s23+$0x80];
	v5 =	vpop (erf)  }
0x9d: {  	v4 =	vld [tilespmem:s17+$0x80];
	v5 =	vadd.f32 $-1.000000000e+00, v5  }
0x9e: {  	s20 =	simm.s32 $0x53F0  }
0x9f: {  	v7 =	vld [tilespmem:s20+$0x80]  }
0xa0: {  	vm0 =	vgt.f32 v0, $0.0e+00;
	v8 =	vpop (erf)  }
0xa1: {  	v0 =	vsel vm0, v0, v5;
	v5 =	vpop (erf)  }
0xa2: {  	v4 =	vadd.f32 v6, v4;
	v9 =	vpop (erf)  }
0xa3: {  	v9 =	vadd.f32 $-1.000000000e+00, v9  }
0xa4: {  	v10 =	vld [tilespmem:s17+$0xFFFFFF80];
	vm0 =	vgt.f32 v2, $0.0e+00;
	v4 =	vadd.f32 v7, v4  }
0xa5: {  	v14 =	vld [tilespmem:s17+$0xFFFFFF00];
	v2 =	vsel vm0, v2, v9  }
0xa6: {  	v15 =	vld [tilespmem:s20+$0xFFFFFF00];
	[tilespmem:s11+$0xB8] =	vst v2;
	v2 =	vmul.f32 $1.442695020e+00, v4  }
0xa7: {  	v16 =	vld [tilespmem:s20+$0xFFFFFF80]  }
0xa8: {  	v6 =	vld [tilespmem:s23+$0xFFFFFF00];
	(erf) = vpow2.f32 v2  }
0xa9: {  	v11 =	vld [tilespmem:s29+$0xC0]  }
0xaa: {  	v12 =	vld [tilespmem:s26+$0xC0]  }
0xab: {  	v7 =	vld [tilespmem:s23+$0xFFFFFF80]  }
0xac: {  	[tilespmem:s11+$0xFFFFFF10] =	vst v0;
	v13 =	vld [tilespmem:s21+$0xC0]  }
0xad: {  	v8 =	vadd.f32 $-1.000000000e+00, v8;
	v0 =	vld [tilespmem:s29+$0xFFFFFF30]  }
0xae: {  	v5 =	vadd.f32 $-1.000000000e+00, v5;
	v9 =	vld [tilespmem:s17+$0x0];
	vm0 =	vgt.f32 v1, $0.0e+00  }
0xaf: {  	v1 =	vsel vm0, v1, v8;
	v8 =	vld [tilespmem:s20+$0x0];
	vm0 =	vgt.f32 v3, $0.0e+00;
	v11 =	vadd.f32 v12, v11  }
0xb0: {  	[tilespmem:s11+$0xFFFFFF98] =	vst v1;
	v3 =	vsel vm0, v3, v5;
	v2 =	vld [tilespmem:s23+$0x0]  }
0xb1: {  	v1 =	vld [tilespmem:s26+$0xFFFFFF30];
	[tilespmem:s11+$0x20] =	vst v3;
	v3 =	vadd.f32 v6, v14;
	v11 =	vadd.f32 v13, v11;
	v13 =	vpop (erf)  }
0xb2: {  	v5 =	vld [tilespmem:s29+$0xFFFFFFB0];
	v13 =	vadd.f32 $-1.000000000e+00, v13  }
0xb3: {  	vm0 =	vgt.f32 v4, $0.0e+00;
	v6 =	vld [tilespmem:s26+$0xFFFFFFB0];
	v3 =	vadd.f32 v15, v3;
	v12 =	vmul.f32 $1.442695020e+00, v11  }
0xb4: {  	s22 =	simm.s32 $0x7C20;
	v7 =	vadd.f32 v7, v10;
	v10 =	vld [tilespmem:s29+$0x30];
	v4 =	vsel vm0, v4, v13  }
0xb5: {  	v2 =	vadd.f32 v2, v9;
	v9 =	vmul.f32 $1.442695020e+00, v3;
	(erf) = vpow2.f32 v12;
	v12 =	vld [tilespmem:s21+$0xFFFFFF30];
	[tilespmem:s22+$0x88] =	vst v4  }
0xb6: {  	v4 =	vld [tilespmem:s17+$0x90]  }
0xb7: {  	v7 =	vadd.f32 v16, v7;
	(erf) = vpow2.f32 v9;
	v9 =	vld [tilespmem:s23+$0x90]  }
0xb8: {  	v14 =	vld [tilespmem:s26+$0x30];
	v0 =	vadd.f32 v1, v0;
	v2 =	vadd.f32 v8, v2  }
0xb9: {  	v8 =	vmul.f32 $1.442695020e+00, v7;
	v13 =	vld [tilespmem:s21+$0xFFFFFFB0]  }
0xba: {  	v15 =	vld [tilespmem:s21+$0x30];
	v16 =	vmul.f32 $1.442695020e+00, v2;
	v0 =	vadd.f32 v12, v0  }
0xbb: {  	v5 =	vadd.f32 v6, v5;
	(erf) = vpow2.f32 v8;
	v1 =	vld [tilespmem:s20+$0x90]  }
0xbc: {  	(erf) = vpow2.f32 v16;
	v4 =	vadd.f32 v9, v4;
	v9 =	vmul.f32 $1.442695020e+00, v0  }
0xbd: {  	v6 =	vadd.f32 v14, v10  }
0xbe: {  	v5 =	vadd.f32 v13, v5;
	v8 =	vpop (erf)  }
0xbf: {  	v6 =	vadd.f32 v15, v6;
	vm0 =	vgt.f32 v11, $0.0e+00;
	v8 =	vadd.f32 $-1.000000000e+00, v8  }
0xc0: {  	v10 =	vmul.f32 $1.442695020e+00, v5;
	v1 =	vadd.f32 v1, v4;
	(erf) = vpow2.f32 v9;
	v9 =	vpop (erf)  }
0xc1: {  	v4 =	vmul.f32 $1.442695020e+00, v6;
	v8 =	vsel vm0, v11, v8;
	v9 =	vadd.f32 $-1.000000000e+00, v9  }
0xc2: {  	(erf) = vpow2.f32 v10;
	[tilespmem:s11+$0xC8] =	vst v8  }
0xc3: {  	v8 =	vmul.f32 $1.442695020e+00, v1;
	(erf) = vpow2.f32 v4;
	v4 =	vld [tilespmem:s29+$0xD0]  }
0xc4: {  	vm0 =	vgt.f32 v3, $0.0e+00;
	v10 =	vpop (erf);
	v11 =	vld [tilespmem:s26+$0xD0]  }
0xc5: {  	(erf) = vpow2.f32 v8;
	v8 =	vadd.f32 $-1.000000000e+00, v10;
	v3 =	vsel vm0, v3, v9;
	v9 =	vpop (erf)  }
0xc6: {  	vm0 =	vgt.f32 v7, $0.0e+00;
	v9 =	vadd.f32 $-1.000000000e+00, v9  }
0xc7: {  	[tilespmem:s22+$0xFFFFFEF0] =	vst v3;
	v3 =	vld [tilespmem:s21+$0xD0];
	v7 =	vsel vm0, v7, v8;
	vm0 =	vgt.f32 v2, $0.0e+00  }
0xc8: {  	v8 =	vld [tilespmem:s17+$0xFFFFFF10];
	v2 =	vsel vm0, v2, v9  }
0xc9: {  	[tilespmem:s22+$0xFFFFFF78] =	vst v7;
	v7 =	vld [tilespmem:s23+$0xFFFFFF10];
	v4 =	vadd.f32 v11, v4  }
0xca: {  	v13 =	vld [tilespmem:s20+$0xFFFFFF10]  }
0xcb: {  	v10 =	vld [tilespmem:s23+$0xFFFFFF90];
	[tilespmem:s22+$0x0] =	vst v2;
	v2 =	vpop (erf)  }
0xcc: {  	v9 =	vld [tilespmem:s17+$0xFFFFFF90];
	v11 =	vpop (erf)  }
0xcd: {  	v3 =	vadd.f32 v3, v4;
	v12 =	vld [tilespmem:s17+$0x10];
	v2 =	vadd.f32 $-1.000000000e+00, v2;
	v4 =	vpop (erf)  }
0xce: {  	vm0 =	vgt.f32 v0, $0.0e+00;
	v14 =	vld [tilespmem:s23+$0x10];
	v16 =	vpop (erf)  }
0xcf: {  	v15 =	vmul.f32 $1.442695020e+00, v3;
	v0 =	vsel vm0, v0, v2;
	v2 =	vld [tilespmem:s20+$0xFFFFFF90];
	v16 =	vadd.f32 $-1.000000000e+00, v16  }
0xd0: {  	vm0 =	vgt.f32 v1, $0.0e+00  }
0xd1: {  	(erf) = vpow2.f32 v15;
	[tilespmem:s11+$0xFFFFFF20] =	vst v0;
	v0 =	vadd.f32 v7, v8;
	v7 =	vld [tilespmem:s20+$0x10];
	v1 =	vsel vm0, v1, v16  }
0xd2: {  	[tilespmem:s22+$0x98] =	vst v1;
	v1 =	vadd.f32 v10, v9  }
0xd3: {  	v12 =	vadd.f32 v14, v12;
	v8 =	vld [tilespmem:s29+$0xFFFFFF40];
	v10 =	vadd.f32 $-1.000000000e+00, v11  }
0xd4: {  	v15 =	vld [tilespmem:s26+$0xFFFFFF40];
	v0 =	vadd.f32 v13, v0;
	vm0 =	vgt.f32 v5, $0.0e+00;
	v1 =	vadd.f32 v2, v1  }
0xd5: {  	v9 =	vld [tilespmem:s17+$0xA0];
	v5 =	vsel vm0, v5, v10  }
0xd6: {  	v11 =	vmul.f32 $1.442695020e+00, v0;
	v2 =	vld [tilespmem:s21+$0xFFFFFF40];
	[tilespmem:s11+$0xFFFFFFA8] =	vst v5;
	v5 =	vadd.f32 v7, v12;
	v7 =	vmul.f32 $1.442695020e+00, v1  }
0xd7: {  	v13 =	vld [tilespmem:s23+$0xA0]  }
0xd8: {  	(erf) = vpow2.f32 v11  }
0xd9: {  	v4 =	vadd.f32 $-1.000000000e+00, v4;
	v10 =	vld [tilespmem:s20+$0xA0];
	v8 =	vadd.f32 v15, v8  }
0xda: {  	vm0 =	vgt.f32 v6, $0.0e+00;
	(erf) = vpow2.f32 v7;
	v7 =	vpop (erf)  }
0xdb: {  	v4 =	vsel vm0, v6, v4;
	v6 =	vld [tilespmem:s29+$0xFFFFFFC0];
	v2 =	vadd.f32 v2, v8;
	v7 =	vadd.f32 $-1.000000000e+00, v7  }
0xdc: {  	vm0 =	vgt.f32 v3, $0.0e+00;
	[tilespmem:s11+$0x30] =	vst v4;
	v4 =	vld [tilespmem:s26+$0xFFFFFFC0];
	v11 =	vmul.f32 $1.442695020e+00, v5;
	v9 =	vadd.f32 v13, v9  }
0xdd: {  	v12 =	vld [tilespmem:s29+$0x40];
	v3 =	vsel vm0, v3, v7;
	v7 =	vmul.f32 $1.442695020e+00, v2  }
0xde: {  	v8 =	vld [tilespmem:s26+$0x40];
	(erf) = vpow2.f32 v11;
	v9 =	vadd.f32 v10, v9  }
0xdf: {  	v10 =	vld [tilespmem:s21+$0xFFFFFFC0]  }
0xe0: {  	v11 =	vld [tilespmem:s21+$0x40];
	[tilespmem:s11+$0xD8] =	vst v3;
	v3 =	vmul.f32 $1.442695020e+00, v9  }
0xe1: {  	v13 =	vld [tilespmem:s29+$0xE0];
	(erf) = vpow2.f32 v7;
	v7 =	vpop (erf)  }
0xe2: {  	v14 =	vld [tilespmem:s26+$0xE0];
	(erf) = vpow2.f32 v3;
	v3 =	vadd.f32 v4, v6;
	v4 =	vadd.f32 $-1.000000000e+00, v7  }
0xe3: {  	vm0 =	vgt.f32 v0, $0.0e+00;
	v7 =	vadd.f32 v8, v12  }
0xe4: {  	v6 =	vld [tilespmem:s21+$0xE0];
	v3 =	vadd.f32 v10, v3;
	v0 =	vsel vm0, v0, v4  }
0xe5: {  	v8 =	vpop (erf);
	[tilespmem:s22+$0xFFFFFF00] =	vst v0;
	v0 =	vadd.f32 v11, v7  }
0xe6: {  	v4 =	vadd.f32 $-1.000000000e+00, v8;
	v8 =	vmul.f32 $1.442695020e+00, v3  }
0xe7: {  	vm0 =	vgt.f32 v1, $0.0e+00;
	v11 =	vadd.f32 v14, v13;
	v7 =	vpop (erf);
	v10 =	vld [tilespmem:s17+$0xFFFFFF20];
	v12 =	vmul.f32 $1.442695020e+00, v0  }
0xe8: {  	v1 =	vsel vm0, v1, v4;
	v4 =	vld [tilespmem:s23+$0xFFFFFF20];
	v7 =	vadd.f32 $-1.000000000e+00, v7;
	(erf) = vpow2.f32 v8  }
0xe9: {  	vm0 =	vgt.f32 v5, $0.0e+00;
	v6 =	vadd.f32 v6, v11;
	[tilespmem:s22+$0xFFFFFF88] =	vst v1;
	v1 =	vld [tilespmem:s20+$0xFFFFFF20]  }
0xea: {  	v8 =	vpop (erf);
	v5 =	vsel vm0, v5, v7;
	v7 =	vld [tilespmem:s17+$0xFFFFFFA0]  }
0xeb: {  	(erf) = vpow2.f32 v12;
	v11 =	vmul.f32 $1.442695020e+00, v6;
	[tilespmem:s22+$0x10] =	vst v5;
	v5 =	vld [tilespmem:s23+$0xFFFFFFA0];
	v12 =	vpop (erf)  }
0xec: {  	v13 =	vld [tilespmem:s17+$0x20];
	v12 =	vadd.f32 $-1.000000000e+00, v12  }
0xed: {  	vm0 =	vgt.f32 v9, $0.0e+00;
	v4 =	vadd.f32 v4, v10;
	(erf) = vpow2.f32 v11;
	v10 =	vld [tilespmem:s23+$0x20]  }
0xee: {  	v11 =	vld [tilespmem:s20+$0xFFFFFFA0];
	v9 =	vsel vm0, v9, v12  }
0xef: {  	v14 =	vld [tilespmem:s20+$0x20];
	v1 =	vadd.f32 v1, v4;
	[tilespmem:s22+$0xA8] =	vst v9  }
0xf0: {  	v8 =	vadd.f32 $-1.000000000e+00, v8;
	v4 =	vld [tilespmem:s17+$0xB0]  }
0xf1: {  	vm0 =	vgt.f32 v2, $0.0e+00;
	v9 =	vmul.f32 $1.442695020e+00, v1;
	v12 =	vld [tilespmem:s23+$0xB0];
	v15 =	vpop (erf)  }
0xf2: {  	v2 =	vsel vm0, v2, v8;
	v8 =	vadd.f32 $-1.000000000e+00, v15  }
0xf3: {  	v5 =	vadd.f32 v5, v7;
	v7 =	vadd.f32 v10, v13;
	v15 =	vld [tilespmem:s20+$0xB0];
	(erf) = vpow2.f32 v9;
	_ =	sdelay $0x1  }
0xf4: {  	s4 =	simm.s32 $0x2DF0;
	vm0 =	vgt.f32 v3, $0.0e+00;
	[tilespmem:s11+$0xFFFFFF30] =	vst v2;
	v5 =	vadd.f32 v11, v5;
	v2 =	vpop (erf);
	v7 =	vadd.f32 v14, v7  }
0xf5: {  	v17 =	vld [tilespmem:s4+$0x80];
	v3 =	vsel vm0, v3, v8;
	v2 =	vadd.f32 $-1.000000000e+00, v2;
	v8 =	vpop (erf);
	v4 =	vadd.f32 v12, v4  }
0xf6: {  	v19 =	vld [tilespmem:s4+$0xFFFFFF00];
	vm0 =	vgt.f32 v0, $0.0e+00;
	v10 =	vmul.f32 $1.442695020e+00, v5;
	v8 =	vadd.f32 $-1.000000000e+00, v8  }
0xf7: {  	v9 =	vld [tilespmem:s29+$0xFFFFFF50];
	v0 =	vsel vm0, v0, v2;
	vm0 =	vgt.f32 v6, $0.0e+00;
	v4 =	vadd.f32 v15, v4  }
0xf8: {  	[tilespmem:s11+$0xFFFFFFB8] =	vst v3;
	v3 =	vld [tilespmem:s26+$0xFFFFFF50];
	v11 =	vmul.f32 $1.442695020e+00, v7;
	v6 =	vsel vm0, v6, v8  }
0xf9: {  	v2 =	vld [tilespmem:s29+$0xFFFFFFD0];
	(erf) = vpow2.f32 v10;
	[tilespmem:s11+$0xE8] =	vst v6;
	v6 =	vmul.f32 $1.442695020e+00, v4  }
0xfa: {  	[tilespmem:s11+$0x40] =	vst v0;
	v0 =	vld [tilespmem:s26+$0xFFFFFFD0];
	(erf) = vpow2.f32 v11  }
0xfb: {  	v12 =	vld [tilespmem:s29+$0x50];
	v13 =	vpop (erf);
	(erf) = vpow2.f32 v6  }
0xfc: {  	v15 =	vld [tilespmem:s21+$0xFFFFFFD0]  }
0xfd: {  	v10 =	vld [tilespmem:s29+$0xF0]  }
0xfe: {  	v11 =	vld [tilespmem:s26+$0xF0]  }
0xff: {  	v6 =	vld [tilespmem:s21+$0xFFFFFF50];
	v13 =	vadd.f32 $-1.000000000e+00, v13  }
0x100: {  	v8 =	vld [tilespmem:s26+$0x50];
	vm0 =	vgt.f32 v1, $0.0e+00  }
0x101: {  	s0 =	simm.s32 $0x5F0;
	v14 =	vld [tilespmem:s21+$0xF0];
	v1 =	vsel vm0, v1, v13  }
0x102: {  	v3 =	vadd.f32 v3, v9;
	[tilespmem:s22+$0xFFFFFF10] =	vst v1;
	v1 =	vld [tilespmem:s0+$0x80];
	v9 =	vpop (erf)  }
0x103: {  	s24 =	simm.s32 $0x55F0;
	v2 =	vadd.f32 v0, v2;
	v13 =	vld [tilespmem:s21+$0x50];
	v18 =	vpop (erf)  }
0x104: {  	v0 =	vadd.f32 v11, v10;
	v3 =	vadd.f32 v6, v3;
	v6 =	vld [tilespmem:s24+$0x80];
	v10 =	vpop (erf)  }
0x105: {  	v20 =	vld [tilespmem:s24+$0xFFFFFF00];
	v8 =	vadd.f32 v8, v12;
	vm0 =	vgt.f32 v4, $0.0e+00;
	v10 =	vadd.f32 $-1.000000000e+00, v10  }
0x106: {  	v2 =	vadd.f32 v15, v2;
	v15 =	vld [tilespmem:s0+$0x0];
	v0 =	vadd.f32 v14, v0;
	v12 =	vmul.f32 $1.442695020e+00, v3  }
0x107: {  	v16 =	vld [tilespmem:s17+$0xFFFFFF30];
	v1 =	vadd.f32 v17, v1;
	v4 =	vsel vm0, v4, v10  }
0x108: {  	v11 =	vld [tilespmem:s0+$0xFFFFFF80];
	v8 =	vadd.f32 v13, v8;
	(erf) = vpow2.f32 v12;
	v10 =	vmul.f32 $1.442695020e+00, v0;
	[tilespmem:s22+$0xB8] =	vst v4  }
0x109: {  	v6 =	vadd.f32 v6, v1;
	v4 =	vmul.f32 $1.442695020e+00, v2;
	v1 =	vld [tilespmem:s17+$0xC0]  }
0x10a: {  	v12 =	vmul.f32 $1.442695020e+00, v8;
	(erf) = vpow2.f32 v10;
	v10 =	vld [tilespmem:s23+$0xC0]  }
0x10b: {  	v9 =	vadd.f32 $-1.000000000e+00, v9;
	v17 =	vmul.f32 $1.442695020e+00, v6;
	(erf) = vpow2.f32 v4;
	v4 =	vld [tilespmem:s0+$0xFFFFFF00]  }
0x10c: {  	v18 =	vadd.f32 $-1.000000000e+00, v18;
	vm0 =	vgt.f32 v5, $0.0e+00;
	(erf) = vpow2.f32 v12;
	v12 =	vld [tilespmem:s20+$0xC0]  }
0x10d: {  	v14 =	vld [tilespmem:s4+$0xFFFFFF80];
	v5 =	vsel vm0, v5, v9;
	vm0 =	vgt.f32 v7, $0.0e+00;
	(erf) = vpow2.f32 v17  }
0x10e: {  	v23 =	vld [tilespmem:s20+$0xFFFFFF30];
	v7 =	vsel vm0, v7, v18  }
0x10f: {  	v13 =	vld [tilespmem:s4+$0x0];
	v1 =	vadd.f32 v10, v1  }
0x110: {  	v17 =	vld [tilespmem:s24+$0xFFFFFF80]  }
0x111: {  	v9 =	vld [tilespmem:s24+$0x0];
	[tilespmem:s22+$0x20] =	vst v7;
	v7 =	vpop (erf);
	v4 =	vadd.f32 v19, v4;
	v12 =	vadd.f32 v12, v1  }
0x112: {  	v11 =	vadd.f32 v14, v11;
	[tilespmem:s22+$0xFFFFFF98] =	vst v5;
	v5 =	vld [tilespmem:s23+$0xFFFFFF30];
	v7 =	vadd.f32 $-1.000000000e+00, v7  }
0x113: {  	vm0 =	vgt.f32 v3, $0.0e+00;
	v28 =	vld [tilespmem:s23+$0xFFFFFFB0];
	v4 =	vadd.f32 v20, v4;
	v1 =	vpop (erf);
	v29 =	vmul.f32 $1.442695020e+00, v12  }
0x114: {  	v13 =	vadd.f32 v13, v15;
	v14 =	vld [tilespmem:s17+$0x30];
	v3 =	vsel vm0, v3, v7;
	v15 =	vpop (erf)  }
0x115: {  	v30 =	vld [tilespmem:s23+$0x30];
	v7 =	vadd.f32 v17, v11;
	v22 =	vmul.f32 $1.442695020e+00, v4;
	v21 =	vpop (erf);
	(erf) = vpow2.f32 v29  }
0x116: {  	vm1 =	vgt.f32 v2, $0.0e+00;
	v9 =	vadd.f32 v9, v13;
	v10 =	vld [tilespmem:s17+$0xFFFFFFB0];
	v15 =	vadd.f32 $-1.000000000e+00, v15;
	v11 =	vpop (erf)  }
0x117: {  	v17 =	vld [tilespmem:s20+$0xFFFFFFB0];
	[tilespmem:s11+$0xFFFFFF40] =	vst v3;
	v13 =	vmul.f32 $1.442695020e+00, v7;
	(erf) = vpow2.f32 v22;
	v3 =	vadd.f32 $-1.000000000e+00, v11  }
0x118: {  	v5 =	vadd.f32 v5, v16;
	vm0 =	vgt.f32 v6, $0.0e+00;
	v2 =	vsel vm1, v2, v15;
	v11 =	vld [tilespmem:s20+$0x30]  }
0x119: {  	s19 =	simm.s32 $0x7E40;
	v15 =	vld [tilespmem:s29+$0xFFFFFF60];
	(erf) = vpow2.f32 v13;
	v13 =	vadd.f32 $-1.000000000e+00, v21;
	[tilespmem:s11+$0xFFFFFFC8] =	vst v2;
	v2 =	vsel vm0, v6, v3  }
0x11a: {  	v5 =	vadd.f32 v23, v5;
	v3 =	vld [tilespmem:s26+$0xFFFFFF60];
	v6 =	vmul.f32 $1.442695020e+00, v9;
	vm0 =	vgt.f32 v8, $0.0e+00;
	[tilespmem:s19+$0x88] =	vst v2  }
0x11b: {  	v8 =	vsel vm0, v8, v13;
	v16 =	vld [tilespmem:s0+$0x90]  }
0x11c: {  	(erf) = vpow2.f32 v6;
	v6 =	vadd.f32 v28, v10;
	v10 =	vld [tilespmem:s4+$0x90];
	[tilespmem:s11+$0x50] =	vst v8;
	v8 =	vmul.f32 $1.442695020e+00, v5  }
0x11d: {  	v2 =	vld [tilespmem:s29+$0xFFFFFFE0];
	v13 =	vadd.f32 v30, v14  }
0x11e: {  	v6 =	vadd.f32 v17, v6;
	v17 =	vld [tilespmem:s24+$0x90];
	v31 =	vpop (erf)  }
0x11f: {  	v14 =	vld [tilespmem:s26+$0xFFFFFFE0];
	v11 =	vadd.f32 v11, v13;
	v13 =	vadd.f32 $-1.000000000e+00, v31  }
0x120: {  	vm0 =	vgt.f32 v12, $0.0e+00;
	v32 =	vld [tilespmem:s29+$0x60];
	(erf) = vpow2.f32 v8;
	v33 =	vmul.f32 $1.442695020e+00, v6;
	v8 =	vpop (erf)  }
0x121: {  	v34 =	vld [tilespmem:s26+$0x60];
	v8 =	vadd.f32 $-1.000000000e+00, v8;
	v10 =	vadd.f32 v10, v16;
	v12 =	vsel vm0, v12, v13  }
0x122: {  	v16 =	vmul.f32 $1.442695020e+00, v11;
	v13 =	vld [tilespmem:s21+$0xFFFFFF60];
	vm0 =	vgt.f32 v4, $0.0e+00;
	[tilespmem:s22+$0xC8] =	vst v12  }
0x123: {  	v35 =	vpop (erf);
	(erf) = vpow2.f32 v33;
	v4 =	vsel vm0, v4, v8;
	v8 =	vadd.f32 v17, v10;
	v10 =	vld [tilespmem:s17+$0xD0]  }
0x124: {  	(erf) = vpow2.f32 v16;
	v16 =	vadd.f32 $-1.000000000e+00, v35;
	[tilespmem:s19+$0xFFFFFEF0] =	vst v4;
	v4 =	vld [tilespmem:s23+$0xD0]  }
0x125: {  	v12 =	vld [tilespmem:s21+$0xFFFFFFE0];
	vm0 =	vgt.f32 v7, $0.0e+00;
	v37 =	vmul.f32 $1.442695020e+00, v8  }
0x126: {  	v3 =	vadd.f32 v3, v15;
	v7 =	vsel vm0, v7, v16;
	v16 =	vld [tilespmem:s20+$0xD0]  }
0x127: {  	v2 =	vadd.f32 v14, v2;
	v17 =	vpop (erf);
	v36 =	vld [tilespmem:s0+$0xFFFFFF10];
	(erf) = vpow2.f32 v37  }
0x128: {  	v38 =	vld [tilespmem:s24+$0xFFFFFF10];
	v17 =	vadd.f32 $-1.000000000e+00, v17;
	v3 =	vadd.f32 v13, v3  }
0x129: {  	vm0 =	vgt.f32 v9, $0.0e+00;
	[tilespmem:s19+$0xFFFFFF78] =	vst v7;
	v7 =	vld [tilespmem:s4+$0xFFFFFF10];
	v4 =	vadd.f32 v4, v10  }
0x12a: {  	v14 =	vld [tilespmem:s0+$0xFFFFFF90];
	v9 =	vsel vm0, v9, v17;
	v2 =	vadd.f32 v12, v2;
	v10 =	vpop (erf);
	v15 =	vmul.f32 $1.442695020e+00, v3  }
0x12b: {  	[tilespmem:s19+$0x0] =	vst v9;
	v9 =	vld [tilespmem:s4+$0xFFFFFF90];
	v10 =	vadd.f32 $-1.000000000e+00, v10;
	v4 =	vadd.f32 v16, v4  }
0x12c: {  	vm0 =	vgt.f32 v5, $0.0e+00;
	v12 =	vld [tilespmem:s0+$0x10];
	v13 =	vpop (erf);
	v16 =	vmul.f32 $1.442695020e+00, v2;
	(erf) = vpow2.f32 v15  }
0x12d: {  	v13 =	vadd.f32 $-1.000000000e+00, v13;
	v5 =	vsel vm0, v5, v10;
	v10 =	vld [tilespmem:s24+$0xFFFFFF90];
	v15 =	vmul.f32 $1.442695020e+00, v4  }
0x12e: {  	v17 =	vld [tilespmem:s4+$0x10];
	v7 =	vadd.f32 v7, v36;
	v39 =	vpop (erf);
	vm0 =	vgt.f32 v6, $0.0e+00;
	(erf) = vpow2.f32 v16  }
0x12f: {  	v22 =	vadd.f32 $-1.000000000e+00, v39;
	[tilespmem:s22+$0xFFFFFF20] =	vst v5;
	v5 =	vld [tilespmem:s24+$0x10];
	v6 =	vsel vm0, v6, v13;
	(erf) = vpow2.f32 v15  }
0x130: {  	v7 =	vadd.f32 v38, v7;
	v13 =	vld [tilespmem:s17+$0xFFFFFF40];
	vm0 =	vgt.f32 v11, $0.0e+00;
	[tilespmem:s22+$0xFFFFFFA8] =	vst v6;
	v6 =	vadd.f32 v9, v14;
	v9 =	vpop (erf)  }
0x131: {  	v14 =	vld [tilespmem:s23+$0xFFFFFF40];
	v11 =	vsel vm0, v11, v22;
	v9 =	vadd.f32 $-1.000000000e+00, v9  }
0x132: {  	vm0 =	vgt.f32 v8, $0.0e+00;
	v15 =	vld [tilespmem:s17+$0xFFFFFFC0];
	v6 =	vadd.f32 v10, v6;
	v10 =	vmul.f32 $1.442695020e+00, v7  }
0x133: {  	[tilespmem:s22+$0x30] =	vst v11;
	v11 =	vadd.f32 v17, v12;
	v12 =	vld [tilespmem:s23+$0xFFFFFFC0];
	v8 =	vsel vm0, v8, v9  }
0x134: {  	v9 =	vld [tilespmem:s17+$0x40];
	[tilespmem:s19+$0x98] =	vst v8  }
0x135: {  	v5 =	vadd.f32 v5, v11;
	v11 =	vmul.f32 $1.442695020e+00, v6;
	(erf) = vpow2.f32 v10;
	v16 =	vld [tilespmem:s0+$0xA0]  }
0x136: {  	v10 =	vpop (erf);
	v17 =	vld [tilespmem:s4+$0xA0]  }
0x137: {  	v41 =	vmul.f32 $1.442695020e+00, v5;
	(erf) = vpow2.f32 v11;
	v11 =	vld [tilespmem:s20+$0xFFFFFF40];
	v40 =	vpop (erf)  }
0x138: {  	v8 =	vld [tilespmem:s23+$0x40];
	v10 =	vadd.f32 $-1.000000000e+00, v10;
	v43 =	vpop (erf)  }
0x139: {  	vm0 =	vgt.f32 v3, $0.0e+00;
	v42 =	vld [tilespmem:s24+$0xA0];
	(erf) = vpow2.f32 v41;
	v23 =	vadd.f32 $-1.000000000e+00, v43  }
0x13a: {  	v13 =	vadd.f32 v14, v13;
	v3 =	vsel vm0, v3, v10;
	v10 =	vld [tilespmem:s20+$0x40];
	vm0 =	vgt.f32 v4, $0.0e+00  }
0x13b: {  	v44 =	vld [tilespmem:s20+$0xFFFFFFC0];
	v12 =	vadd.f32 v12, v15;
	[tilespmem:s11+$0xFFFFFF50] =	vst v3;
	v3 =	vadd.f32 v17, v16;
	v4 =	vsel vm0, v4, v23  }
0x13c: {  	vm1 =	vgt.f32 v7, $0.0e+00;
	v14 =	vld [tilespmem:s21+$0x60];
	v11 =	vadd.f32 v11, v13;
	v13 =	vadd.f32 $-1.000000000e+00, v40;
	[tilespmem:s22+$0xD8] =	vst v4  }
0x13d: {  	v8 =	vadd.f32 v8, v9;
	v16 =	vadd.f32 v34, v32;
	vm0 =	vgt.f32 v2, $0.0e+00;
	v17 =	vld [tilespmem:s17+$0xE0]  }
0x13e: {  	v3 =	vadd.f32 v42, v3;
	v15 =	vpop (erf);
	v45 =	vmul.f32 $1.442695020e+00, v11;
	v2 =	vsel vm0, v2, v13;
	v46 =	vld [tilespmem:s23+$0xE0]  }
0x13f: {  	v47 =	vld [tilespmem:s26+$0xFFFFFF70];
	vm0 =	vgt.f32 v6, $0.0e+00;
	v13 =	vadd.f32 $-1.000000000e+00, v15;
	v8 =	vadd.f32 v10, v8  }
0x140: {  	[tilespmem:s11+$0xFFFFFFD8] =	vst v2;
	v2 =	vadd.f32 v44, v12;
	v12 =	vld [tilespmem:s20+$0xE0];
	v15 =	vmul.f32 $1.442695020e+00, v3;
	v9 =	vpop (erf);
	(erf) = vpow2.f32 v45  }
0x141: {  	v4 =	vld [tilespmem:s29+$0xFFFFFF70];
	v9 =	vadd.f32 $-1.000000000e+00, v9;
	v7 =	vsel vm1, v7, v13;
	v48 =	vmul.f32 $1.442695020e+00, v8  }
0x142: {  	v14 =	vadd.f32 v14, v16;
	v13 =	vld [tilespmem:s29+$0xFFFFFFF0];
	(erf) = vpow2.f32 v15;
	v15 =	vmul.f32 $1.442695020e+00, v2;
	[tilespmem:s19+$0xFFFFFF00] =	vst v7;
	v10 =	vpop (erf)  }
0x143: {  	v6 =	vsel vm0, v6, v9;
	v9 =	vld [tilespmem:s0+$0xFFFFFF20];
	v10 =	vadd.f32 $-1.000000000e+00, v10;
	v17 =	vadd.f32 v46, v17  }
0x144: {  	vm0 =	vgt.f32 v5, $0.0e+00;
	[tilespmem:s19+$0xFFFFFF88] =	vst v6;
	v6 =	vld [tilespmem:s4+$0xFFFFFF20];
	(erf) = vpow2.f32 v15;
	v15 =	vmul.f32 $1.442695020e+00, v14  }
0x145: {  	(erf) = vpow2.f32 v48;
	v5 =	vsel vm0, v5, v10;
	v10 =	vld [tilespmem:s0+$0xFFFFFFA0];
	v12 =	vadd.f32 v12, v17  }
0x146: {  	(erf) = vpow2.f32 v15;
	v15 =	vld [tilespmem:s24+$0xFFFFFF20]  }
0x147: {  	[tilespmem:s19+$0x10] =	vst v5;
	v5 =	vld [tilespmem:s4+$0xFFFFFFA0];
	v17 =	vmul.f32 $1.442695020e+00, v12  }
0x148: {  	v16 =	vld [tilespmem:s0+$0x20]  }
0x149: {  	v50 =	vpop (erf);
	(erf) = vpow2.f32 v17;
	v17 =	vld [tilespmem:s24+$0xFFFFFFA0]  }
0x14a: {  	v49 =	vld [tilespmem:s4+$0x20];
	v6 =	vadd.f32 v6, v9  }
0x14b: {  	v7 =	vld [tilespmem:s26+$0xFFFFFFF0];
	v19 =	vadd.f32 $-1.000000000e+00, v50  }
0x14c: {  	vm0 =	vgt.f32 v11, $0.0e+00;
	v52 =	vld [tilespmem:s24+$0x20];
	v51 =	vpop (erf);
	v6 =	vadd.f32 v15, v6;
	v5 =	vadd.f32 v5, v10  }
0x14d: {  	v21 =	vadd.f32 $-1.000000000e+00, v51;
	v9 =	vsel vm0, v11, v19;
	v11 =	vld [tilespmem:s21+$0xFFFFFF70]  }
0x14e: {  	vm1 =	vgt.f32 v3, $0.0e+00;
	[tilespmem:s22+$0xFFFFFF30] =	vst v9;
	v9 =	vld [tilespmem:s21+$0xFFFFFFF0];
	v5 =	vadd.f32 v17, v5;
	v17 =	vmul.f32 $1.442695020e+00, v6  }
0x14f: {  	v1 =	vadd.f32 $-1.000000000e+00, v1;
	v10 =	vpop (erf);
	v15 =	vadd.f32 v49, v16;
	v3 =	vsel vm1, v3, v21;
	v55 =	vld [tilespmem:s23+$0xFFFFFF50]  }
0x150: {  	v4 =	vadd.f32 v47, v4;
	v10 =	vadd.f32 $-1.000000000e+00, v10;
	v53 =	vpop (erf);
	[tilespmem:s19+$0xA8] =	vst v3;
	v3 =	vld [tilespmem:s17+$0xFFFFFF50]  }
0x151: {  	v7 =	vadd.f32 v7, v13;
	vm0 =	vgt.f32 v2, $0.0e+00;
	v15 =	vadd.f32 v52, v15;
	v56 =	vpop (erf);
	v16 =	vld [tilespmem:s0+$0xB0]  }
0x152: {  	v54 =	vld [tilespmem:s4+$0xB0];
	v2 =	vsel vm0, v2, v10;
	v10 =	vadd.f32 $-1.000000000e+00, v53;
	(erf) = vpow2.f32 v17;
	v17 =	vpop (erf)  }
0x153: {  	vm0 =	vgt.f32 v8, $0.0e+00;
	v57 =	vld [tilespmem:s24+$0xB0];
	[tilespmem:s22+$0xFFFFFFB8] =	vst v2;
	v2 =	vmul.f32 $1.442695020e+00, v5;
	v17 =	vadd.f32 $-1.000000000e+00, v17  }
0x154: {  	v8 =	vsel vm0, v8, v10;
	v10 =	vmul.f32 $1.442695020e+00, v15;
	v58 =	vld [tilespmem:s17+$0xFFFFFFD0];
	vm0 =	vgt.f32 v12, $0.0e+00  }
0x155: {  	v60 =	vld [tilespmem:s20+$0xFFFFFFD0];
	[tilespmem:s22+$0x40] =	vst v8;
	(erf) = vpow2.f32 v2;
	v8 =	vsel vm0, v12, v17;
	vm0 =	vgt.f32 v0, $0.0e+00  }
0x156: {  	v2 =	vld [tilespmem:s23+$0xFFFFFFD0];
	(erf) = vpow2.f32 v10;
	[tilespmem:s22+$0xE8] =	vst v8;
	v8 =	vsel vm0, v0, v1;
	v0 =	vadd.f32 v11, v4  }
0x157: {  	v13 =	vld [tilespmem:s23+$0x50];
	v4 =	vadd.f32 v54, v16  }
0x158: {  	v17 =	vld [tilespmem:s17+$0x50];
	v1 =	vadd.f32 v9, v7;
	v9 =	vmul.f32 $1.442695020e+00, v0  }
0x159: {  	v10 =	vld [tilespmem:s17+$0xF0];
	v4 =	vadd.f32 v57, v4  }
0x15a: {  	v11 =	vadd.f32 $-1.000000000e+00, v56;
	v7 =	vld [tilespmem:s23+$0xF0];
	v12 =	vmul.f32 $1.442695020e+00, v1;
	(erf) = vpow2.f32 v9  }
0x15b: {  	vm1 =	vgt.f32 v6, $0.0e+00;
	vm0 =	vgt.f32 v14, $0.0e+00;
	v16 =	vld [tilespmem:s20+$0xFFFFFF50];
	v9 =	vmul.f32 $1.442695020e+00, v4  }
0x15c: {  	v61 =	vadd.f32 v2, v58;
	v11 =	vsel vm0, v14, v11;
	v14 =	vld [tilespmem:s20+$0xF0];
	(erf) = vpow2.f32 v12  }
0x15d: {  	vm2 =	vgt.f32 v5, $0.0e+00;
	v3 =	vadd.f32 v55, v3;
	[tilespmem:s11+$0xF8] =	vst v8;
	v59 =	vpop (erf);
	(erf) = vpow2.f32 v9  }
0x15e: {  	vm3 =	vgt.f32 v15, $0.0e+00;
	[tilespmem:s11+$0x60] =	vst v11;
	v11 =	vld [tilespmem:s20+$0x50];
	v8 =	vadd.f32 v60, v61;
	v12 =	vadd.f32 $-1.000000000e+00, v59;
	v2 =	vpop (erf)  }
0x15f: {  	vm0 =	vgt.f32 v0, $0.0e+00;
	v9 =	vld [tilespmem:s29+$0x70];
	v2 =	vadd.f32 $-1.000000000e+00, v2;
	v62 =	vadd.f32 v7, v10;
	v7 =	vpop (erf)  }
0x160: {  	v10 =	vld [tilespmem:s21+$0x70];
	v6 =	vsel vm1, v6, v12;
	v63 =	vadd.f32 $-1.000000000e+00, v7;
	v7 =	vadd.f32 v16, v3  }
0x161: {  	s2 =	simm.s32 $0x7F0;
	v13 =	vadd.f32 v13, v17;
	s29 =	simm.s32 $0x2DF0;
	v12 =	vld [tilespmem:s26+$0x70];
	[tilespmem:s19+$0xFFFFFF10] =	vst v6;
	v5 =	vsel vm2, v5, v2;
	v2 =	vadd.f32 v14, v62  }
0x162: {  	s30 =	simm.s32 $0x8;
	s21 =	simm.s32 $0x55F0;
	vm1 =	vgt.f32 v1, $0.0e+00;
	s26 =	simm.s32 $0x7E40;
	v3 =	vld [tilespmem:s0+$0xFFFFFF30];
	[tilespmem:s19+$0xFFFFFF98] =	vst v5;
	v14 =	vsel vm3, v15, v63;
	v15 =	vmul.f32 $1.442695020e+00, v7  }
.LBB2_3:
0x163: {  	v5 =	vld [tilespmem:s2+$0x80];
	[tilespmem:s19+$0x20] =	vst v14;
	s4 =	sadd.s32 $0x200, s4;
	vm4 =	vgt.f32 v7, $0.0e+00;
	v6 =	vadd.f32 v11, v13;
	v18 =	vmul.f32 $1.442695020e+00, v2;
	v13 =	vpop (erf)  }
0x164: {  	v14 =	vld [tilespmem:s4+$0x80];
	v16 =	vmul.f32 $1.442695020e+00, v8;
	vm2 =	vgt.f32 v8, $0.0e+00;
	(erf) = vpow2.f32 v15  }
0x165: {  	s24 =	sadd.s32 $0x200, s24;
	v15 =	vld [tilespmem:s4+$0xFFFFFF00];
	v17 =	vmul.f32 $1.442695020e+00, v6;
	vm3 =	vgt.f32 v6, $0.0e+00;
	(erf) = vpow2.f32 v18;
	v11 =	vpop (erf)  }
0x166: {  	v13 =	vadd.f32 $-1.000000000e+00, v13;
	v9 =	vadd.f32 v12, v9;
	v18 =	vld [tilespmem:s24+$0x80];
	v19 =	vpop (erf);
	(erf) = vpow2.f32 v16  }
0x167: {  	v11 =	vadd.f32 $-1.000000000e+00, v11;
	v12 =	vld [tilespmem:s2+$0xFFFFFF80];
	v16 =	vadd.f32 $-1.000000000e+00, v19;
	(erf) = vpow2.f32 v17  }
0x168: {  	vm5 =	vgt.f32 v4, $0.0e+00;
	v0 =	vsel vm0, v0, v13;
	v9 =	vadd.f32 v10, v9;
	v17 =	vld [tilespmem:s4+$0xFFFFFF80]  }
0x169: {  	v10 =	vld [tilespmem:s2+$0x0];
	v5 =	vadd.f32 v14, v5;
	v4 =	vsel vm5, v4, v16;
	[tilespmem:s11+$0xFFFFFF60] =	vst v0;
	v0 =	vsel vm1, v1, v11  }
0x16a: {  	vm0 =	vgt.f32 v9, $0.0e+00;
	v1 =	vld [tilespmem:s4+$0x0];
	[tilespmem:s19+$0xB8] =	vst v4;
	v4 =	vmul.f32 $1.442695020e+00, v9  }
0x16b: {  	s30 =	sadd.s32 $0x4, s30;
	v5 =	vadd.f32 v18, v5;
	v11 =	vld [tilespmem:s0+$0xC0];
	[tilespmem:s11+$0xFFFFFFE8] =	vst v0  }
0x16c: {  	p1 =	slt.u32 s30, $0x24;
	v0 =	vld [tilespmem:s29+$0xC0];
	(erf) = vpow2.f32 v4  }
0x16d: {  	v4 =	vld [tilespmem:s2+$0xFFFFFF00];
	v12 =	vadd.f32 v17, v12;
	v19 =	vmul.f32 $1.442695020e+00, v5;
	v14 =	vpop (erf)  }
0x16e: {  	v16 =	vld [tilespmem:s21+$0xC0];
	v20 =	vadd.f32 $-1.000000000e+00, v14;
	v17 =	vpop (erf)  }
0x16f: {  	v18 =	vld [tilespmem:s24+$0xFFFFFF00];
	v1 =	vadd.f32 v1, v10;
	(erf) = vpow2.f32 v19;
	v10 =	vadd.f32 $-1.000000000e+00, v17;
	v13 =	vpop (erf)  }
0x170: {  	vm1 =	vgt.f32 v2, $0.0e+00;
	v17 =	vld [tilespmem:s24+$0xFFFFFF80];
	v7 =	vsel vm4, v7, v20;
	v13 =	vadd.f32 $-1.000000000e+00, v13;
	v14 =	vpop (erf)  }
0x171: {  	v19 =	vld [tilespmem:s24+$0x0];
	v0 =	vadd.f32 v0, v11;
	[tilespmem:s22+$0xFFFFFF40] =	vst v7;
	v7 =	vadd.f32 $-1.000000000e+00, v14;
	v2 =	vsel vm1, v2, v10  }
0x172: {  	v4 =	vadd.f32 v15, v4;
	v10 =	vld [tilespmem:s29+$0xFFFFFF30];
	v8 =	vsel vm2, v8, v13;
	[tilespmem:s22+$0xF8] =	vst v2  }
0x173: {  	v2 =	vld [tilespmem:s0+$0xFFFFFFB0];
	v0 =	vadd.f32 v16, v0;
	[tilespmem:s22+$0xFFFFFFC8] =	vst v8;
	v6 =	vsel vm3, v6, v7  }
0x174: {  	v4 =	vadd.f32 v18, v4;
	v7 =	vld [tilespmem:s29+$0xFFFFFFB0];
	[tilespmem:s22+$0x50] =	vst v6  }
0x175: {  	v6 =	vadd.f32 v17, v12;
	v8 =	vld [tilespmem:s0+$0x30];
	v11 =	vmul.f32 $1.442695020e+00, v0;
	v12 =	vpop (erf)  }
0x176: {  	v17 =	vmul.f32 $1.442695020e+00, v4;
	vm3 =	vgt.f32 v4, $0.0e+00;
	v1 =	vadd.f32 v19, v1;
	v14 =	vld [tilespmem:s29+$0x30]  }
0x177: {  	v15 =	vmul.f32 $1.442695020e+00, v6;
	vm1 =	vgt.f32 v6, $0.0e+00;
	v16 =	vld [tilespmem:s21+$0xFFFFFF30];
	(erf) = vpow2.f32 v11  }
0x178: {  	v11 =	vmul.f32 $1.442695020e+00, v1;
	vm2 =	vgt.f32 v1, $0.0e+00;
	(erf) = vpow2.f32 v17;
	v13 =	vpop (erf);
	v17 =	vld [tilespmem:s21+$0xFFFFFFB0]  }
0x179: {  	v3 =	vadd.f32 v10, v3;
	v13 =	vadd.f32 $-1.000000000e+00, v13;
	(erf) = vpow2.f32 v15;
	v10 =	vld [tilespmem:s21+$0x30]  }
0x17a: {  	vm4 =	vgt.f32 v5, $0.0e+00;
	v2 =	vadd.f32 v7, v2;
	(erf) = vpow2.f32 v11;
	v7 =	vld [tilespmem:s17+$0xFFFFFF60]  }
0x17b: {  	s19 =	sadd.s32 $0x220, s19;
	v12 =	vadd.f32 $-1.000000000e+00, v12;
	v5 =	vsel vm4, v5, v13;
	v8 =	vadd.f32 v14, v8;
	v11 =	vld [tilespmem:s23+$0xFFFFFF60]  }
0x17c: {  	[tilespmem:s19+$0x88] =	vst v5;
	v3 =	vadd.f32 v16, v3;
	v5 =	vld [tilespmem:s17+$0xFFFFFFE0]  }
0x17d: {  	v9 =	vsel vm0, v9, v12;
	v13 =	vld [tilespmem:s2+$0x90];
	v2 =	vadd.f32 v17, v2  }
0x17e: {  	v12 =	vld [tilespmem:s4+$0x90];
	v18 =	vmul.f32 $1.442695020e+00, v3;
	vm4 =	vgt.f32 v3, $0.0e+00;
	v8 =	vadd.f32 v10, v8;
	[tilespmem:s11+$0x70] =	vst v9;
	s11 =	smov.u32 s22;
	s22 =	smov.u32 s26;
	s26 =	smov.u32 s19  }
0x17f: {  	v9 =	vmul.f32 $1.442695020e+00, v2;
	vm6 =	vgt.f32 v2, $0.0e+00;
	v10 =	vld [tilespmem:s23+$0xFFFFFFE0]  }
0x180: {  	v15 =	vld [tilespmem:s24+$0x90];
	v16 =	vmul.f32 $1.442695020e+00, v8;
	vm5 =	vgt.f32 v8, $0.0e+00;
	(erf) = vpow2.f32 v18;
	v14 =	vpop (erf)  }
0x181: {  	v7 =	vadd.f32 v11, v7;
	v17 =	vpop (erf);
	v14 =	vadd.f32 $-1.000000000e+00, v14;
	(erf) = vpow2.f32 v9;
	v9 =	vld [tilespmem:s17+$0x60]  }
0x182: {  	vm0 =	vgt.f32 v0, $0.0e+00;
	v11 =	vadd.f32 $-1.000000000e+00, v17;
	v17 =	vpop (erf);
	(erf) = vpow2.f32 v16;
	v16 =	vld [tilespmem:s23+$0x60]  }
0x183: {  	v17 =	vadd.f32 $-1.000000000e+00, v17;
	v12 =	vadd.f32 v12, v13;
	v13 =	vpop (erf);
	v0 =	vsel vm0, v0, v14;
	v14 =	vld [tilespmem:s20+$0xFFFFFF60]  }
0x184: {  	v4 =	vsel vm3, v4, v11;
	v11 =	vadd.f32 $-1.000000000e+00, v13;
	[tilespmem:s22+$0xC8] =	vst v0;
	v5 =	vadd.f32 v10, v5;
	v10 =	vld [tilespmem:s20+$0xFFFFFFE0]  }
0x185: {  	[tilespmem:s19+$0xFFFFFEF0] =	vst v4;
	v0 =	vsel vm1, v6, v17;
	v4 =	vadd.f32 v15, v12;
	v6 =	vld [tilespmem:s0+$0xD0]  }
0x186: {  	[tilespmem:s19+$0xFFFFFF78] =	vst v0;
	v0 =	vsel vm2, v1, v11;
	v1 =	vld [tilespmem:s29+$0xD0]  }
0x187: {  	v11 =	vld [tilespmem:s2+$0xFFFFFF10];
	[tilespmem:s19+$0x0] =	vst v0;
	v15 =	vmul.f32 $1.442695020e+00, v4;
	v0 =	vadd.f32 v16, v9  }
0x188: {  	v9 =	vld [tilespmem:s21+$0xD0];
	v7 =	vadd.f32 v14, v7  }
0x189: {  	v13 =	vld [tilespmem:s4+$0xFFFFFF10];
	(erf) = vpow2.f32 v15;
	v12 =	vpop (erf);
	v5 =	vadd.f32 v10, v5  }
0x18a: {  	v10 =	vld [tilespmem:s2+$0xFFFFFF90];
	v12 =	vadd.f32 $-1.000000000e+00, v12;
	v14 =	vpop (erf);
	v15 =	vmul.f32 $1.442695020e+00, v7;
	vm0 =	vgt.f32 v7, $0.0e+00  }
0x18b: {  	v16 =	vld [tilespmem:s4+$0xFFFFFF90];
	v14 =	vadd.f32 $-1.000000000e+00, v14;
	v1 =	vadd.f32 v1, v6;
	v6 =	vpop (erf);
	v17 =	vmul.f32 $1.442695020e+00, v5  }
0x18c: {  	v18 =	vld [tilespmem:s2+$0x10];
	v3 =	vsel vm4, v3, v12;
	v6 =	vadd.f32 $-1.000000000e+00, v6;
	(erf) = vpow2.f32 v15  }
0x18d: {  	v12 =	vld [tilespmem:s4+$0x10];
	[tilespmem:s22+$0xFFFFFF20] =	vst v3;
	v2 =	vsel vm6, v2, v14;
	v1 =	vadd.f32 v9, v1;
	(erf) = vpow2.f32 v17  }
0x18e: {  	vm2 =	vgt.f32 v5, $0.0e+00;
	v3 =	vadd.f32 v13, v11;
	v9 =	vld [tilespmem:s24+$0xFFFFFF10];
	[tilespmem:s22+$0xFFFFFFA8] =	vst v2;
	v2 =	vsel vm5, v8, v6  }
0x18f: {  	v6 =	vld [tilespmem:s24+$0xFFFFFF90];
	[tilespmem:s22+$0x30] =	vst v2;
	v2 =	vmul.f32 $1.442695020e+00, v1  }
0x190: {  	v8 =	vadd.f32 v16, v10;
	v10 =	vld [tilespmem:s24+$0x10]  }
0x191: {  	v11 =	vld [tilespmem:s0+$0xFFFFFF40];
	(erf) = vpow2.f32 v2  }
0x192: {  	v2 =	vadd.f32 v12, v18;
	v12 =	vpop (erf);
	v13 =	vld [tilespmem:s29+$0xFFFFFF40]  }
0x193: {  	v3 =	vadd.f32 v9, v3;
	v9 =	vadd.f32 $-1.000000000e+00, v12;
	v12 =	vld [tilespmem:s0+$0xFFFFFFC0]  }
0x194: {  	vm1 =	vgt.f32 v4, $0.0e+00;
	v6 =	vadd.f32 v6, v8;
	v8 =	vld [tilespmem:s29+$0xFFFFFFC0]  }
0x195: {  	v14 =	vmul.f32 $1.442695020e+00, v3;
	v2 =	vadd.f32 v10, v2;
	v4 =	vsel vm1, v4, v9;
	v9 =	vld [tilespmem:s0+$0x40];
	v10 =	vpop (erf)  }
0x196: {  	vm4 =	vgt.f32 v3, $0.0e+00;
	v15 =	vmul.f32 $1.442695020e+00, v6;
	vm3 =	vgt.f32 v6, $0.0e+00;
	[tilespmem:s19+$0x98] =	vst v4;
	v4 =	vld [tilespmem:s29+$0x40];
	v16 =	vpop (erf)  }
0x197: {  	v17 =	vmul.f32 $1.442695020e+00, v2;
	vm1 =	vgt.f32 v2, $0.0e+00;
	v18 =	vld [tilespmem:s2+$0xA0];
	(erf) = vpow2.f32 v14  }
0x198: {  	v10 =	vadd.f32 $-1.000000000e+00, v10;
	v11 =	vadd.f32 v13, v11;
	v14 =	vld [tilespmem:s4+$0xA0];
	(erf) = vpow2.f32 v15  }
0x199: {  	(erf) = vpow2.f32 v17;
	v13 =	vld [tilespmem:s21+$0xFFFFFF40];
	v8 =	vadd.f32 v8, v12;
	v12 =	vadd.f32 $-1.000000000e+00, v16  }
0x19a: {  	v7 =	vsel vm0, v7, v10;
	v15 =	vld [tilespmem:s24+$0xA0];
	v16 =	vpop (erf)  }
0x19b: {  	v10 =	vld [tilespmem:s21+$0xFFFFFFC0];
	v4 =	vadd.f32 v4, v9;
	v9 =	vadd.f32 $-1.000000000e+00, v16;
	[tilespmem:s11+$0xFFFFFF50] =	vst v7;
	v5 =	vsel vm2, v5, v12  }
0x19c: {  	vm0 =	vgt.f32 v1, $0.0e+00;
	v7 =	vld [tilespmem:s21+$0x40];
	[tilespmem:s11+$0xFFFFFFD8] =	vst v5  }
0x19d: {  	v5 =	vadd.f32 v14, v18;
	v1 =	vsel vm0, v1, v9;
	v9 =	vld [tilespmem:s20+$0x60]  }
0x19e: {  	v11 =	vadd.f32 v13, v11;
	[tilespmem:s22+$0xD8] =	vst v1;
	v1 =	vld [tilespmem:s17+$0xFFFFFF70]  }
0x19f: {  	v5 =	vadd.f32 v15, v5;
	v12 =	vld [tilespmem:s0+$0xE0]  }
0x1a0: {  	v13 =	vpop (erf);
	v14 =	vmul.f32 $1.442695020e+00, v11;
	vm2 =	vgt.f32 v11, $0.0e+00;
	v8 =	vadd.f32 v10, v8;
	v10 =	vld [tilespmem:s29+$0xE0]  }
0x1a1: {  	v13 =	vadd.f32 $-1.000000000e+00, v13;
	v15 =	vmul.f32 $1.442695020e+00, v5;
	v16 =	vpop (erf);
	v4 =	vadd.f32 v7, v4;
	v7 =	vld [tilespmem:s23+$0xFFFFFF70]  }
0x1a2: {  	v16 =	vadd.f32 $-1.000000000e+00, v16;
	v17 =	vpop (erf);
	v18 =	vmul.f32 $1.442695020e+00, v8;
	v19 =	vld [tilespmem:s21+$0xE0];
	(erf) = vpow2.f32 v14  }
0x1a3: {  	v3 =	vsel vm4, v3, v13;
	v13 =	vadd.f32 $-1.000000000e+00, v17;
	(erf) = vpow2.f32 v15;
	v14 =	vld [tilespmem:s17+$0xFFFFFFF0]  }
0x1a4: {  	[tilespmem:s19+$0xFFFFFF00] =	vst v3;
	v3 =	vsel vm3, v6, v16;
	v6 =	vmul.f32 $1.442695020e+00, v4;
	(erf) = vpow2.f32 v18;
	v15 =	vld [tilespmem:s23+$0xFFFFFFF0]  }
0x1a5: {  	vm3 =	vgt.f32 v8, $0.0e+00;
	v16 =	vld [tilespmem:s2+$0xFFFFFF20];
	[tilespmem:s19+$0xFFFFFF88] =	vst v3;
	v2 =	vsel vm1, v2, v13;
	v3 =	vadd.f32 v10, v12  }
0x1a6: {  	vm1 =	vgt.f32 v4, $0.0e+00;
	v10 =	vld [tilespmem:s4+$0xFFFFFF20];
	[tilespmem:s19+$0x10] =	vst v2;
	(erf) = vpow2.f32 v6;
	v2 =	vadd.f32 v9, v0  }
0x1a7: {  	v1 =	vadd.f32 v7, v1;
	v0 =	vld [tilespmem:s2+$0xFFFFFFA0];
	v3 =	vadd.f32 v19, v3  }
0x1a8: {  	v6 =	vld [tilespmem:s4+$0xFFFFFFA0];
	v7 =	vmul.f32 $1.442695020e+00, v2;
	vm0 =	vgt.f32 v2, $0.0e+00  }
0x1a9: {  	v9 =	vld [tilespmem:s2+$0x20];
	v12 =	vmul.f32 $1.442695020e+00, v3;
	v13 =	vadd.f32 v15, v14  }
0x1aa: {  	v14 =	vld [tilespmem:s4+$0x20];
	(erf) = vpow2.f32 v7  }
0x1ab: {  	v7 =	vadd.f32 v10, v16;
	v10 =	vld [tilespmem:s24+$0xFFFFFF20];
	v15 =	vpop (erf);
	(erf) = vpow2.f32 v12  }
0x1ac: {  	v12 =	vld [tilespmem:s24+$0xFFFFFFA0];
	v16 =	vpop (erf);
	v15 =	vadd.f32 $-1.000000000e+00, v15  }
0x1ad: {  	v0 =	vadd.f32 v6, v0;
	v6 =	vld [tilespmem:s24+$0x20];
	v16 =	vadd.f32 $-1.000000000e+00, v16;
	v17 =	vpop (erf)  }
0x1ae: {  	vm4 =	vgt.f32 v5, $0.0e+00;
	v18 =	vsel vm2, v11, v15;
	v15 =	vadd.f32 $-1.000000000e+00, v17;
	v17 =	vld [tilespmem:s20+$0xFFFFFF70]  }
0x1af: {  	v9 =	vadd.f32 v14, v9;
	v5 =	vsel vm4, v5, v16;
	[tilespmem:s22+$0xFFFFFF30] =	vst v18;
	v11 =	vpop (erf);
	v14 =	vld [tilespmem:s20+$0xFFFFFFF0]  }
0x1b0: {  	v7 =	vadd.f32 v10, v7;
	[tilespmem:s19+$0xA8] =	vst v5;
	v5 =	vld [tilespmem:s0+$0xFFFFFF50];
	v8 =	vsel vm3, v8, v15;
	v16 =	vadd.f32 $-1.000000000e+00, v11  }
0x1b1: {  	v15 =	vadd.f32 v12, v0;
	v11 =	vld [tilespmem:s2+$0xB0];
	[tilespmem:s22+$0xFFFFFFB8] =	vst v8  }
0x1b2: {  	v19 =	vmul.f32 $1.442695020e+00, v7;
	vm4 =	vgt.f32 v7, $0.0e+00;
	v6 =	vadd.f32 v6, v9;
	v8 =	vld [tilespmem:s4+$0xB0]  }
0x1b3: {  	v4 =	vsel vm1, v4, v16;
	v9 =	vmul.f32 $1.442695020e+00, v15;
	vm3 =	vgt.f32 v15, $0.0e+00;
	v12 =	vld [tilespmem:s29+$0xFFFFFF50];
	v10 =	vpop (erf)  }
0x1b4: {  	v16 =	vmul.f32 $1.442695020e+00, v6;
	vm2 =	vgt.f32 v6, $0.0e+00;
	v18 =	vld [tilespmem:s24+$0xB0];
	(erf) = vpow2.f32 v19;
	[tilespmem:s22+$0x40] =	vst v4;
	v0 =	vpop (erf)  }
0x1b5: {  	v10 =	vadd.f32 $-1.000000000e+00, v10;
	(erf) = vpow2.f32 v9;
	v9 =	vld [tilespmem:s0+$0xFFFFFFD0];
	v4 =	vadd.f32 $-1.000000000e+00, v0  }
0x1b6: {  	vm1 =	vgt.f32 v3, $0.0e+00;
	v0 =	vadd.f32 v17, v1;
	(erf) = vpow2.f32 v16;
	v16 =	vld [tilespmem:s29+$0xFFFFFFD0]  }
0x1b7: {  	v2 =	vsel vm0, v2, v10;
	v8 =	vadd.f32 v8, v11;
	v11 =	vld [tilespmem:s0+$0x50];
	v1 =	vsel vm1, v3, v4  }
0x1b8: {  	v10 =	vmul.f32 $1.442695020e+00, v0;
	v3 =	vadd.f32 v12, v5;
	v5 =	vld [tilespmem:s29+$0x50];
	[tilespmem:s22+$0xE8] =	vst v1;
	v1 =	vadd.f32 v14, v13  }
0x1b9: {  	vm0 =	vgt.f32 v0, $0.0e+00;
	v4 =	vadd.f32 v18, v8;
	v8 =	vld [tilespmem:s0+$0xF0];
	[tilespmem:s11+$0x60] =	vst v2  }
0x1ba: {  	v2 =	vld [tilespmem:s29+$0xF0];
	v12 =	vmul.f32 $1.442695020e+00, v1;
	vm1 =	vgt.f32 v1, $0.0e+00;
	(erf) = vpow2.f32 v10  }
0x1bb: {  	v10 =	vmul.f32 $1.442695020e+00, v4;
	v14 =	vld [tilespmem:s21+$0xFFFFFF50];
	v16 =	vadd.f32 v16, v9  }
0x1bc: {  	v17 =	vld [tilespmem:s21+$0xF0];
	(erf) = vpow2.f32 v12  }
0x1bd: {  	v9 =	vpop (erf);
	(erf) = vpow2.f32 v10;
	v18 =	vld [tilespmem:s21+$0xFFFFFFD0];
	v13 =	vadd.f32 v5, v11  }
.Ltmp0:
0x1be: {  	v5 =	vadd.f32 $-1.000000000e+00, v9;
	v9 =	vpop (erf);
	v11 =	vld [tilespmem:s21+$0x50];
	(pc) =	sbr.rel @p1 .LBB2_3-.Ltmp0, $4  }
0x1bf: {  	v10 =	vadd.f32 $-1.000000000e+00, v9;
	v12 =	vpop (erf);
	v2 =	vadd.f32 v2, v8;
	v9 =	vld [tilespmem:s17+$0x70];
	s17 =	smov.u32 s0;
	s0 =	smov.u32 s2  }
0x1c0: {  	v5 =	vsel vm4, v7, v5;
	v8 =	vadd.f32 $-1.000000000e+00, v12;
	v7 =	vadd.f32 v14, v3;
	v12 =	vld [tilespmem:s23+$0x70];
	s23 =	smov.u32 s29;
	s29 =	smov.u32 s4  }
0x1c1: {  	[tilespmem:s19+$0xFFFFFF10] =	vst v5;
	v5 =	vsel vm3, v15, v10;
	v2 =	vadd.f32 v17, v2;
	v10 =	vld [tilespmem:s20+$0x70];
	s20 =	smov.u32 s21;
	s21 =	smov.u32 s24  }
0x1c2: {  	s2 =	sadd.s32 $0x200, s2;
	v3 =	vld [tilespmem:s0+$0xFFFFFF30];
	[tilespmem:s19+$0xFFFFFF98] =	vst v5;
	v14 =	vsel vm2, v6, v8;
	v15 =	vmul.f32 $1.442695020e+00, v7;
	v8 =	vadd.f32 v18, v16  }
0x1c3: {  	_ = 	snop  }
0x1c4: {  	v6 =	vpop (erf)  }
0x1c5: {  	v5 =	vpop (erf)  }
0x1c6: {  	v16 =	vpop (erf)  }
0x1c7: {  	v16 =	vadd.f32 $-1.000000000e+00, v16  }
0x1c8: {  	vm2 =	vgt.f32 v4, $0.0e+00  }
0x1c9: {  	v4 =	vsel vm2, v4, v16  }
0x1ca: {  	[tilespmem:s19+$0xB8] =	vst v4  }
0x1cb: {  	v4 =	vld [tilespmem:s0+$0xC0]  }
0x1cc: {  	v16 =	vld [tilespmem:s29+$0xC0];
	_ =	sdelay $0x1  }
0x1cd: {  	v17 =	vld [tilespmem:s21+$0xC0];
	_ =	sdelay $0x1  }
0x1ce: {  	(erf) = vpow2.f32 v15;
	v9 =	vadd.f32 v12, v9  }
0x1cf: {  	v11 =	vadd.f32 v11, v13;
	v12 =	vmul.f32 $1.442695020e+00, v2;
	v13 =	vadd.f32 v16, v4  }
0x1d0: {  	v16 =	vmul.f32 $1.442695020e+00, v8;
	v4 =	vadd.f32 v10, v9  }
0x1d1: {  	(erf) = vpow2.f32 v12;
	v9 =	vmul.f32 $1.442695020e+00, v11;
	v10 =	vadd.f32 v17, v13  }
0x1d2: {  	(erf) = vpow2.f32 v16;
	v12 =	vmul.f32 $1.442695020e+00, v4  }
0x1d3: {  	(erf) = vpow2.f32 v9;
	v9 =	vmul.f32 $1.442695020e+00, v10  }
0x1d4: {  	(erf) = vpow2.f32 v12  }
0x1d5: {  	v19 =	vld [tilespmem:s21+$0xFFFFFF30];
	(erf) = vpow2.f32 v9  }
0x1d6: {  	v20 =	vld [tilespmem:s21+$0xFFFFFFB0]  }
0x1d7: {  	[tilespmem:s19+$0x20] =	vst v14;
	v14 =	vpop (erf);
	v13 =	vld [tilespmem:s29+$0xFFFFFFB0]  }
0x1d8: {  	v14 =	vadd.f32 $-1.000000000e+00, v14;
	v12 =	vld [tilespmem:s0+$0xFFFFFFB0]  }
0x1d9: {  	v15 =	vld [tilespmem:s0+$0x30];
	vm2 =	vgt.f32 v7, $0.0e+00  }
0x1da: {  	v21 =	vld [tilespmem:s21+$0x30];
	v7 =	vsel vm2, v7, v14;
	v16 =	vpop (erf)  }
0x1db: {  	v9 =	vld [tilespmem:s29+$0xFFFFFF30];
	v18 =	vpop (erf)  }
0x1dc: {  	[tilespmem:s22+$0xFFFFFF40] =	vst v7;
	v17 =	vld [tilespmem:s29+$0x30];
	v14 =	vadd.f32 $-1.000000000e+00, v18;
	v53 =	vpop (erf)  }
0x1dd: {  	vm2 =	vgt.f32 v8, $0.0e+00;
	v12 =	vadd.f32 v13, v12;
	v13 =	vld [tilespmem:s20+$0xFFFFFF60];
	v7 =	vpop (erf)  }
0x1de: {  	v8 =	vsel vm2, v8, v14;
	v14 =	vld [tilespmem:s17+$0xFFFFFF60];
	v22 =	vpop (erf)  }
0x1df: {  	[tilespmem:s22+$0xFFFFFFC8] =	vst v8;
	v8 =	vld [tilespmem:s23+$0xFFFFFF60];
	v22 =	vadd.f32 $-1.000000000e+00, v22  }
0x1e0: {  	v3 =	vadd.f32 v9, v3;
	vm2 =	vgt.f32 v10, $0.0e+00;
	v9 =	vld [tilespmem:s17+$0xFFFFFFE0]  }
0x1e1: {  	v23 =	vld [tilespmem:s23+$0xFFFFFFE0];
	v10 =	vsel vm2, v10, v22  }
0x1e2: {  	v3 =	vadd.f32 v19, v3;
	v55 =	vld [tilespmem:s20+$0xFFFFFFE0];
	[tilespmem:s26+$0xC8] =	vst v10  }
0x1e3: {  	v15 =	vadd.f32 v17, v15;
	v10 =	vld [tilespmem:s0+$0xD0]  }
0x1e4: {  	v12 =	vadd.f32 v20, v12;
	v17 =	vmul.f32 $1.442695020e+00, v3;
	v54 =	vld [tilespmem:s29+$0xD0]  }
0x1e5: {  	v15 =	vadd.f32 v21, v15  }
0x1e6: {  	v56 =	vmul.f32 $1.442695020e+00, v12;
	(erf) = vpow2.f32 v17;
	v17 =	vld [tilespmem:s21+$0xD0];
	v8 =	vadd.f32 v8, v14  }
0x1e7: {  	v9 =	vadd.f32 v23, v9  }
0x1e8: {  	(erf) = vpow2.f32 v56;
	v14 =	vmul.f32 $1.442695020e+00, v15;
	v8 =	vadd.f32 v13, v8  }
0x1e9: {  	v9 =	vadd.f32 v55, v9;
	v10 =	vadd.f32 v54, v10  }
0x1ea: {  	(erf) = vpow2.f32 v14  }
0x1eb: {  	v13 =	vmul.f32 $1.442695020e+00, v8;
	v14 =	vmul.f32 $1.442695020e+00, v9;
	v10 =	vadd.f32 v17, v10  }
0x1ec: {  	v17 =	vadd.f32 $-1.000000000e+00, v53  }
0x1ed: {  	vm2 =	vgt.f32 v11, $0.0e+00;
	(erf) = vpow2.f32 v13;
	v13 =	vmul.f32 $1.442695020e+00, v10  }
0x1ee: {  	(erf) = vpow2.f32 v14;
	v11 =	vsel vm2, v11, v17  }
0x1ef: {  	v14 =	vpop (erf);
	(erf) = vpow2.f32 v13  }
0x1f0: {  	v13 =	vadd.f32 $-1.000000000e+00, v14  }
0x1f1: {  	vm2 =	vgt.f32 v3, $0.0e+00;
	[tilespmem:s22+$0x50] =	vst v11;
	v11 =	vpop (erf)  }
0x1f2: {  	v14 =	vld [tilespmem:s17+$0x60];
	v11 =	vadd.f32 $-1.000000000e+00, v11;
	v3 =	vsel vm2, v3, v13  }
0x1f3: {  	vm2 =	vgt.f32 v12, $0.0e+00;
	v13 =	vld [tilespmem:s23+$0x60];
	[tilespmem:s26+$0xFFFFFF20] =	vst v3  }
0x1f4: {  	v17 =	vpop (erf);
	v11 =	vsel vm2, v12, v11;
	v12 =	vld [tilespmem:s0+$0xFFFFFF40]  }
0x1f5: {  	v3 =	vadd.f32 $-1.000000000e+00, v17;
	v61 =	vld [tilespmem:s21+$0xFFFFFF40]  }
0x1f6: {  	vm2 =	vgt.f32 v15, $0.0e+00;
	v17 =	vpop (erf);
	[tilespmem:s26+$0xFFFFFFA8] =	vst v11;
	v11 =	vld [tilespmem:s29+$0xFFFFFF40]  }
0x1f7: {  	v3 =	vsel vm2, v15, v3;
	v57 =	vpop (erf);
	v15 =	vld [tilespmem:s0+$0xFFFFFFC0]  }
0x1f8: {  	[tilespmem:s26+$0x30] =	vst v3;
	v3 =	vld [tilespmem:s29+$0xFFFFFFC0];
	v59 =	vpop (erf)  }
0x1f9: {  	v62 =	vld [tilespmem:s21+$0xFFFFFFC0];
	v20 =	vadd.f32 $-1.000000000e+00, v59  }
0x1fa: {  	vm2 =	vgt.f32 v10, $0.0e+00;
	v58 =	vld [tilespmem:s0+$0x40]  }
0x1fb: {  	v60 =	vld [tilespmem:s29+$0x40];
	v10 =	vsel vm2, v10, v20  }
0x1fc: {  	v63 =	vld [tilespmem:s21+$0x40];
	[tilespmem:s26+$0xD8] =	vst v10  }
0x1fd: {  	v11 =	vadd.f32 v11, v12;
	v10 =	vld [tilespmem:s0+$0xE0]  }
0x1fe: {  	v12 =	vld [tilespmem:s29+$0xE0]  }
0x1ff: {  	v24 =	vld [tilespmem:s20+$0x60];
	v3 =	vadd.f32 v3, v15;
	v11 =	vadd.f32 v61, v11  }
0x200: {  	v19 =	vadd.f32 v60, v58  }
0x201: {  	v13 =	vadd.f32 v13, v14;
	v3 =	vadd.f32 v62, v3;
	v15 =	vld [tilespmem:s21+$0xE0];
	v14 =	vmul.f32 $1.442695020e+00, v11  }
0x202: {  	v19 =	vadd.f32 v63, v19  }
0x203: {  	(erf) = vpow2.f32 v14;
	v10 =	vadd.f32 v12, v10;
	v12 =	vmul.f32 $1.442695020e+00, v3  }
0x204: {  	v13 =	vadd.f32 v24, v13  }
0x205: {  	v14 =	vmul.f32 $1.442695020e+00, v19;
	(erf) = vpow2.f32 v12  }
0x206: {  	v10 =	vadd.f32 v15, v10;
	v12 =	vmul.f32 $1.442695020e+00, v13  }
0x207: {  	v15 =	vadd.f32 $-1.000000000e+00, v17;
	(erf) = vpow2.f32 v14  }
0x208: {  	v14 =	vmul.f32 $1.442695020e+00, v10;
	(erf) = vpow2.f32 v12;
	v12 =	vadd.f32 $-1.000000000e+00, v57  }
0x209: {  	v6 =	vadd.f32 $-1.000000000e+00, v6;
	vm2 =	vgt.f32 v8, $0.0e+00  }
0x20a: {  	v8 =	vsel vm2, v8, v15;
	(erf) = vpow2.f32 v14  }
0x20b: {  	v5 =	vadd.f32 $-1.000000000e+00, v5;
	v0 =	vsel vm0, v0, v6;
	vm2 =	vgt.f32 v9, $0.0e+00;
	[tilespmem:s22+$0xFFFFFF50] =	vst v8  }
0x20c: {  	[tilespmem:s11+$0xFFFFFF60] =	vst v0;
	v6 =	vadd.f32 $-1.000000000e+00, v16;
	v8 =	vsel vm2, v9, v12;
	v9 =	vld [tilespmem:s17+$0xFFFFFF70];
	v12 =	vpop (erf)  }
0x20d: {  	vm0 =	vgt.f32 v2, $0.0e+00;
	v0 =	vsel vm1, v1, v5;
	[tilespmem:s22+$0xFFFFFFD8] =	vst v8;
	v8 =	vld [tilespmem:s23+$0xFFFFFF70];
	v5 =	vadd.f32 $-1.000000000e+00, v12  }
0x20e: {  	[tilespmem:s11+$0xFFFFFFE8] =	vst v0;
	v0 =	vsel vm0, v2, v6;
	v2 =	vadd.f32 $-1.000000000e+00, v7;
	vm0 =	vgt.f32 v11, $0.0e+00;
	v1 =	vld [tilespmem:s17+$0xFFFFFFF0];
	v7 =	vpop (erf)  }
0x20f: {  	[tilespmem:s22+$0xF8] =	vst v0;
	v6 =	vld [tilespmem:s23+$0xFFFFFFF0];
	v0 =	vsel vm0, v11, v5;
	v5 =	vadd.f32 $-1.000000000e+00, v7  }
0x210: {  	vm1 =	vgt.f32 v4, $0.0e+00;
	v7 =	vld [tilespmem:s20+$0xFFFFFF70];
	v11 =	vpop (erf)  }
0x211: {  	v2 =	vsel vm1, v4, v2;
	vm0 =	vgt.f32 v3, $0.0e+00;
	[tilespmem:s26+$0xFFFFFF30] =	vst v0;
	v0 =	vld [tilespmem:s20+$0xFFFFFFF0];
	v4 =	vadd.f32 $-1.000000000e+00, v11  }
0x212: {  	[tilespmem:s11+$0x70] =	vst v2;
	vm1 =	vgt.f32 v19, $0.0e+00;
	v11 =	vpop (erf);
	v2 =	vld [tilespmem:s0+$0xFFFFFF50];
	v3 =	vsel vm0, v3, v5  }
0x213: {  	[tilespmem:s26+$0xFFFFFFB8] =	vst v3;
	v3 =	vld [tilespmem:s29+$0xFFFFFF50];
	v4 =	vsel vm1, v19, v4;
	v5 =	vpop (erf)  }
0x214: {  	[tilespmem:s26+$0x40] =	vst v4;
	v4 =	vld [tilespmem:s0+$0xFFFFFFD0];
	v5 =	vadd.f32 $-1.000000000e+00, v5  }
0x215: {  	vm0 =	vgt.f32 v10, $0.0e+00;
	v12 =	vld [tilespmem:s29+$0xFFFFFFD0]  }
0x216: {  	v5 =	vsel vm0, v10, v5;
	v10 =	vld [tilespmem:s0+$0x50]  }
0x217: {  	v15 =	vld [tilespmem:s21+$0xFFFFFF50];
	[tilespmem:s26+$0xE8] =	vst v5  }
0x218: {  	v5 =	vld [tilespmem:s0+$0xF0]  }
0x219: {  	v14 =	vld [tilespmem:s29+$0xF0]  }
0x21a: {  	v8 =	vadd.f32 v8, v9;
	v1 =	vadd.f32 v6, v1;
	v6 =	vld [tilespmem:s21+$0xFFFFFFD0]  }
0x21b: {  	v9 =	vld [tilespmem:s21+$0xF0]  }
0x21c: {  	v7 =	vadd.f32 v7, v8;
	v2 =	vadd.f32 v3, v2;
	v3 =	vld [tilespmem:s29+$0x50]  }
0x21d: {  	v0 =	vadd.f32 v0, v1  }
0x21e: {  	v8 =	vld [tilespmem:s21+$0x50];
	v2 =	vadd.f32 v15, v2;
	v1 =	vadd.f32 v14, v5;
	v5 =	vmul.f32 $1.442695020e+00, v7  }
0x21f: {  	v4 =	vadd.f32 v12, v4;
	v12 =	vmul.f32 $1.442695020e+00, v0  }
0x220: {  	v1 =	vadd.f32 v9, v1;
	(erf) = vpow2.f32 v5;
	v5 =	vmul.f32 $1.442695020e+00, v2  }
0x221: {  	v4 =	vadd.f32 v6, v4;
	v3 =	vadd.f32 v3, v10;
	(erf) = vpow2.f32 v12  }
0x222: {  	v6 =	vmul.f32 $1.442695020e+00, v1;
	(erf) = vpow2.f32 v5  }
0x223: {  	v3 =	vadd.f32 v8, v3;
	v9 =	vmul.f32 $1.442695020e+00, v4  }
0x224: {  	(erf) = vpow2.f32 v6  }
0x225: {  	v5 =	vmul.f32 $1.442695020e+00, v3;
	(erf) = vpow2.f32 v9;
	_ =	sdelay $0x2  }
0x226: {  	(erf) = vpow2.f32 v5  }
0x227: {  	v6 =	vadd.f32 $-1.000000000e+00, v11;
	v5 =	vpop (erf)  }
0x228: {  	vm0 =	vgt.f32 v13, $0.0e+00;
	v8 =	vpop (erf)  }
0x229: {  	v6 =	vsel vm0, v13, v6;
	v9 =	vpop (erf)  }
0x22a: {  	[tilespmem:s22+$0x60] =	vst v6;
	v6 =	vadd.f32 $-1.000000000e+00, v9  }
0x22b: {  	vm0 =	vgt.f32 v2, $0.0e+00;
	v9 =	vpop (erf)  }
0x22c: {  	v10 =	vld [tilespmem:s17+$0x70];
	v11 =	vpop (erf);
	v2 =	vsel vm0, v2, v6  }
0x22d: {  	v12 =	vld [tilespmem:s23+$0x70];
	v6 =	vadd.f32 $-1.000000000e+00, v11  }
0x22e: {  	vm0 =	vgt.f32 v4, $0.0e+00;
	v11 =	vld [tilespmem:s20+$0x70];
	[tilespmem:s26+$0xFFFFFF40] =	vst v2  }
0x22f: {  	v2 =	vpop (erf);
	v4 =	vsel vm0, v4, v6;
	v6 =	vld [tilespmem:s0+$0xFFFFFF60]  }
0x230: {  	v2 =	vadd.f32 $-1.000000000e+00, v2;
	[tilespmem:s26+$0xFFFFFFC8] =	vst v4;
	v4 =	vld [tilespmem:s29+$0xFFFFFF60]  }
0x231: {  	vm0 =	vgt.f32 v3, $0.0e+00;
	v13 =	vld [tilespmem:s0+$0xFFFFFFE0]  }
0x232: {  	v2 =	vsel vm0, v3, v2;
	v3 =	vld [tilespmem:s29+$0xFFFFFFE0]  }
0x233: {  	[tilespmem:s26+$0x50] =	vst v2;
	v2 =	vld [tilespmem:s21+$0xFFFFFF60]  }
0x234: {  	v10 =	vadd.f32 v12, v10;
	v12 =	vld [tilespmem:s21+$0xFFFFFFE0]  }
0x235: {  	v14 =	vld [tilespmem:s0+$0x60]  }
0x236: {  	v4 =	vadd.f32 v4, v6;
	v6 =	vld [tilespmem:s29+$0x60]  }
0x237: {  	v10 =	vadd.f32 v11, v10  }
0x238: {  	v3 =	vadd.f32 v3, v13;
	v2 =	vadd.f32 v2, v4;
	v4 =	vld [tilespmem:s21+$0x60]  }
0x239: {  	v11 =	vmul.f32 $1.442695020e+00, v10  }
0x23a: {  	v3 =	vadd.f32 v12, v3;
	v12 =	vmul.f32 $1.442695020e+00, v2  }
0x23b: {  	(erf) = vpow2.f32 v11;
	v6 =	vadd.f32 v6, v14  }
0x23c: {  	v11 =	vmul.f32 $1.442695020e+00, v3;
	(erf) = vpow2.f32 v12  }
0x23d: {  	v4 =	vadd.f32 v4, v6  }
0x23e: {  	(erf) = vpow2.f32 v11  }
0x23f: {  	v6 =	vmul.f32 $1.442695020e+00, v4;
	_ =	sdelay $0x1  }
0x240: {  	(erf) = vpow2.f32 v6;
	_ =	sdelay $0x2  }
0x241: {  	v6 =	vpop (erf)  }
0x242: {  	v11 =	vpop (erf)  }
0x243: {  	v11 =	vadd.f32 $-1.000000000e+00, v11  }
0x244: {  	vm0 =	vgt.f32 v2, $0.0e+00;
	v12 =	vpop (erf)  }
0x245: {  	v12 =	vadd.f32 $-1.000000000e+00, v12;
	v2 =	vsel vm0, v2, v11  }
0x246: {  	vm0 =	vgt.f32 v3, $0.0e+00;
	[tilespmem:s26+$0xFFFFFF50] =	vst v2  }
0x247: {  	v2 =	vsel vm0, v3, v12;
	v3 =	vld [tilespmem:s0+$0xFFFFFF70];
	v11 =	vpop (erf)  }
0x248: {  	[tilespmem:s26+$0xFFFFFFD8] =	vst v2;
	v2 =	vld [tilespmem:s29+$0xFFFFFF70];
	v11 =	vadd.f32 $-1.000000000e+00, v11  }
0x249: {  	vm0 =	vgt.f32 v4, $0.0e+00;
	v12 =	vld [tilespmem:s0+$0xFFFFFFF0]  }
0x24a: {  	v13 =	vld [tilespmem:s29+$0xFFFFFFF0];
	v4 =	vsel vm0, v4, v11  }
0x24b: {  	v11 =	vld [tilespmem:s21+$0xFFFFFF70];
	[tilespmem:s26+$0x60] =	vst v4  }
0x24c: {  	v4 =	vld [tilespmem:s0+$0x70]  }
0x24d: {  	v14 =	vld [tilespmem:s29+$0x70]  }
0x24e: {  	v15 =	vld [tilespmem:s21+$0xFFFFFFF0]  }
0x24f: {  	v16 =	vld [tilespmem:s21+$0x70]  }
0x250: {  	v2 =	vadd.f32 v2, v3  }
0x251: {  	v3 =	vadd.f32 v13, v12  }
0x252: {  	v2 =	vadd.f32 v11, v2;
	v4 =	vadd.f32 v14, v4  }
0x253: {  	v3 =	vadd.f32 v15, v3  }
0x254: {  	v11 =	vmul.f32 $1.442695020e+00, v2;
	v4 =	vadd.f32 v16, v4  }
0x255: {  	v12 =	vmul.f32 $1.442695020e+00, v3  }
0x256: {  	(erf) = vpow2.f32 v11;
	v11 =	vmul.f32 $1.442695020e+00, v4  }
0x257: {  	(erf) = vpow2.f32 v12  }
0x258: {  	(erf) = vpow2.f32 v11;
	_ =	sdelay $0x1  }
0x259: {  	v5 =	vadd.f32 $-1.000000000e+00, v5  }
0x25a: {  	vm0 =	vgt.f32 v7, $0.0e+00  }
0x25b: {  	v5 =	vsel vm0, v7, v5  }
0x25c: {  	v8 =	vadd.f32 $-1.000000000e+00, v8;
	[tilespmem:s22+$0xFFFFFF60] =	vst v5;
	v5 =	vadd.f32 $-1.000000000e+00, v6  }
0x25d: {  	vm1 =	vgt.f32 v0, $0.0e+00;
	v7 =	vadd.f32 $-1.000000000e+00, v9  }
0x25e: {  	v0 =	vsel vm1, v0, v8;
	vm0 =	vgt.f32 v1, $0.0e+00;
	v6 =	vpop (erf)  }
0x25f: {  	[tilespmem:s22+$0xFFFFFFE8] =	vst v0;
	vm1 =	vgt.f32 v10, $0.0e+00;
	v0 =	vsel vm0, v1, v7;
	v1 =	vpop (erf);
	v6 =	vadd.f32 $-1.000000000e+00, v6  }
0x260: {  	[tilespmem:s26+$0xF8] =	vst v0;
	v0 =	vsel vm1, v10, v5;
	vm0 =	vgt.f32 v2, $0.0e+00;
	v1 =	vadd.f32 $-1.000000000e+00, v1;
	v5 =	vpop (erf)  }
0x261: {  	[tilespmem:s22+$0x70] =	vst v0;
	vm1 =	vgt.f32 v3, $0.0e+00;
	v0 =	vsel vm0, v2, v6;
	v2 =	vadd.f32 $-1.000000000e+00, v5  }
0x262: {  	vm0 =	vgt.f32 v4, $0.0e+00;
	[tilespmem:s26+$0xFFFFFF60] =	vst v0;
	v0 =	vsel vm1, v3, v1  }
0x263: {  	[tilespmem:s26+$0xFFFFFFE8] =	vst v0;
	v0 =	vsel vm0, v4, v2  }
0x264: {  	[tilespmem:s26+$0x70] =	vst v0  }
0x265: {  	_ =	swait.ge [sflag:s12], $0x28  }
0x266: {  	s2 =	simm.s32 $0xA0;
	[sflag:s12] =	ssyncset.done $0x0  }
0x267: {  	s0 =	simm.s32 @p0 $0x6;
	s26 =	simm.s32 $0x78F0;
	[sflag:s12] =	ssyncadd.s32 $0xFFFFFFD8  }
0x268: {  	[spmem:s16] =	stream.indirect.scatter.add.f32 [tilespmem:s26], [sflag:$0x7], $0x88, s2, s25, $0xb8;
	[tilespmem:$0x1EF78] =	vst v63  }
0x269: {  	_ =	swait.ge @p0 [sflag:s0], $0x1400  }
0x26a: {  	[sflag:s0] =	ssyncset.done @p0 $0x0  }
0x26b: {  	[sflag:s0] =	ssyncadd.s32 @p0 $0xFFFFEC00  }
0x26c: {  	_ =	swait.ge @p0 [sflag:s0], $0x1400  }
0x26d: {  	[sflag:s0] =	ssyncset.done @p0 $0x0  }
0x26e: {  	[sflag:s0] =	ssyncadd.s32 @p0 $0xFFFFEC00  }
0x26f: {  	_ =	swait.ge @p0 [sflag:s0], $0x1400  }
0x270: {  	[sflag:s0] =	ssyncset.done @p0 $0x0  }
0x271: {  	[sflag:s0] =	ssyncadd.s32 @p0 $0xFFFFEC00;
	s0 =	simm.s32 @!p0 $0x1  }
0x272: {  	_ =	swait.ge @!p0 [sflag:s0], $0x50  }
0x273: {  	s2 =	rddreg [dreg:$0xa]  }
0x274: {  	s2 =	sadd.s32 @!p0 s15, s2  }
0x275: {  	s2 =	smul.u32 @!p0 $0x280, s2  }
0x276: {  	s4 =	simm.s32 @!p0 $0x50F0;
	[sflag:s0] =	ssyncset.done @!p0 $0x0  }
0x277: {  	[sflag:s0] =	ssyncadd.s32 @!p0 $0xFFFFFFB0;
	s0 =	sadd.s32 @!p0 s6, s2;
	s2 =	simm.s32 @!p0 $0x0  }
0x278: {  	[tilespmem:s4], [sflag:$0x5] =	stream.linear.gather @!p0 [hbm4b:s0+s2], $0x1400, $0x38;
	[tilespmem:$0x1EF78] =	vst v63  }
0x279: {  	s0 =	simm.s32 @!p0 $0x28;
	s4 =	simm.s32 @!p0 $0xF0  }
0x27a: {  	[tilespmem:s4], [sflag:$0x5] =	stream.indirect.gather @!p0 [hbm4b:s1+s0], $0x80, s2, s0, $0xb8;
	[tilespmem:$0x1EF78] =	vst v63  }
0x27b: {  	s4 =	simm.s32 @!p0 $0x28F0  }
0x27c: {  	[tilespmem:s4], [sflag:$0x5] =	stream.indirect.gather @!p0 [hbm4b:s5+s0], $0x80, s0, s0, $0xb8;
	[tilespmem:$0x1EF78] =	vst v63  }
0x27d: {  	s0 =	smul.u32 @!p0 $0x28, s14  }
0x27e: {  	s4 =	simm.s32 @!p0 $0x7  }
0x27f: {  	_ =	swait.ge @!p0 [sflag:s4], $0x1540;
	s0 =	sadd.s32 @!p0 $0x28, s0  }
0x280: {  	[sflag:s4] =	ssyncset.done @!p0 $0x0;
	s0 =	sshrl.u32 @!p0 s0, $0x3  }
0x281: {  	[sflag:s4] =	ssyncadd.s32 @!p0 $0xFFFFEAC0;
	s4 =	simm.s32 @!p0 $0xA0;
	s0 =	sadd.s32 @!p0 s8, s0  }
0x282: {  	[tilespmem:s4], [sflag:$0x3] =	stream.linear.gather @!p0 [hbm4b:s0+s2], $0x28, $0x38;
	[tilespmem:$0x1EF78] =	vst v63  }
0x283: {  	s0 =	simm.s32 @!p0 $0x6  }
0x284: {  	_ =	swait.ge @!p0 [sflag:s0], $0x1400  }
0x285: {  	[sflag:s0] =	ssyncset.done @!p0 $0x0  }
0x286: {  	[sflag:s0] =	ssyncadd.s32 @!p0 $0xFFFFEC00  }
0x287: {  	_ =	swait.ge @!p0 [sflag:s0], $0x1400  }
0x288: {  	s4 =	smul.u32 @!p0 $0x50, s14;
	[sflag:s0] =	ssyncset.done @!p0 $0x0  }
0x289: {  	[sflag:s0] =	ssyncadd.s32 @!p0 $0xFFFFEC00  }
0x28a: {  	s4 =	sshrl.u32 @!p0 s4, $0x3;
	_ =	swait.ge @!p0 [sflag:s0], $0x1400  }
0x28b: {  	s24 =	simm.s32 $0x16E0;
	s4 =	sadd.s32 @!p0 s7, s4;
	[sflag:s0] =	ssyncset.done @!p0 $0x0  }
0x28c: {  	[sflag:s0] =	ssyncadd.s32 @!p0 $0xFFFFEC00;
	s0 =	sadd.s32 @!p0 $0x14, s4;
	s4 =	simm.s32 @!p0 $0x50  }
0x28d: {  	[tilespmem:s4], [sflag:$0x2] =	stream.linear.gather @!p0 [hbm4b:s0+s2], $0x50, $0x38;
	[tilespmem:$0x1EF78] =	vst v63  }
0x28e: {  	s29 =	simm.s32 $0x3EE0;
	v0 =	vld [tilespmem:s24+$0xFFFFFF90]  }
0x28f: {  	v1 =	vld [tilespmem:s29+$0xFFFFFF90]  }
0x290: {  	s30 =	simm.s32 $0x66E0  }
0x291: {  	v2 =	vld [tilespmem:s30+$0xFFFFFF90];
	_ =	sdelay $0x2  }
0x292: {  	v0 =	vadd.f32 v1, v0;
	_ =	sdelay $0x1  }
0x293: {  	v0 =	vadd.f32 v2, v0;
	_ =	sdelay $0x1  }
0x294: {  	v1 =	vmul.f32 $1.442695020e+00, v0;
	_ =	sdelay $0x1  }
0x295: {  	(erf) = vpow2.f32 v1;
	_ =	sdelay $0x2  }
0x296: {  	v3 =	vld [tilespmem:s29+$0xFFFFFE90]  }
0x297: {  	v4 =	vld [tilespmem:s24+$0xFFFFFE10]  }
0x298: {  	v1 =	vld [tilespmem:s29+$0xFFFFFE10]  }
0x299: {  	v5 =	vld [tilespmem:s24+$0xFFFFFF10]  }
0x29a: {  	v6 =	vld [tilespmem:s30+$0xFFFFFE10]  }
0x29b: {  	v2 =	vld [tilespmem:s24+$0xFFFFFE90]  }
0x29c: {  	v7 =	vld [tilespmem:s29+$0xFFFFFF10];
	v9 =	vpop (erf)  }
0x29d: {  	v8 =	vld [tilespmem:s30+$0xFFFFFE90];
	v1 =	vadd.f32 v1, v4;
	v4 =	vadd.f32 $-1.000000000e+00, v9  }
0x29e: {  	vm0 =	vgt.f32 v0, $0.0e+00  }
0x29f: {  	s14 =	simm.s32 $0x9038;
	v1 =	vadd.f32 v6, v1;
	v9 =	vld [tilespmem:s30+$0xFFFFFF10];
	v0 =	vsel vm0, v0, v4  }
0x2a0: {  	v2 =	vadd.f32 v3, v2;
	[tilespmem:s14+$0xFFFFFF90] =	vst v0  }
0x2a1: {  	v3 =	vmul.f32 $1.442695020e+00, v1;
	v4 =	vld [tilespmem:s24+$0xFFFFFFA0]  }
0x2a2: {  	v2 =	vadd.f32 v8, v2;
	v0 =	vadd.f32 v7, v5;
	v5 =	vld [tilespmem:s29+$0xFFFFFFA0]  }
0x2a3: {  	(erf) = vpow2.f32 v3  }
0x2a4: {  	v6 =	vmul.f32 $1.442695020e+00, v2;
	v3 =	vld [tilespmem:s30+$0xFFFFFFA0];
	v0 =	vadd.f32 v9, v0;
	_ =	sdelay $0x1  }
0x2a5: {  	(erf) = vpow2.f32 v6;
	v7 =	vmul.f32 $1.442695020e+00, v0  }
0x2a6: {  	v4 =	vadd.f32 v5, v4  }
0x2a7: {  	(erf) = vpow2.f32 v7  }
0x2a8: {  	v3 =	vadd.f32 v3, v4;
	_ =	sdelay $0x1  }
0x2a9: {  	v4 =	vmul.f32 $1.442695020e+00, v3  }
0x2aa: {  	v5 =	vpop (erf)  }
0x2ab: {  	v5 =	vadd.f32 $-1.000000000e+00, v5;
	(erf) = vpow2.f32 v4  }
0x2ac: {  	vm0 =	vgt.f32 v1, $0.0e+00  }
0x2ad: {  	v1 =	vsel vm0, v1, v5;
	v4 =	vpop (erf)  }
0x2ae: {  	[tilespmem:s14+$0xFFFFFDF8] =	vst v1;
	v4 =	vadd.f32 $-1.000000000e+00, v4  }
0x2af: {  	vm0 =	vgt.f32 v2, $0.0e+00;
	v6 =	vld [tilespmem:s30+$0xFFFFFE20];
	v5 =	vpop (erf)  }
0x2b0: {  	v1 =	vadd.f32 $-1.000000000e+00, v5;
	v2 =	vsel vm0, v2, v4;
	v4 =	vld [tilespmem:s24+$0xFFFFFE20]  }
0x2b1: {  	vm0 =	vgt.f32 v0, $0.0e+00;
	[tilespmem:s14+$0xFFFFFE80] =	vst v2;
	v2 =	vld [tilespmem:s29+$0xFFFFFE20]  }
0x2b2: {  	v0 =	vsel vm0, v0, v1;
	v1 =	vld [tilespmem:s24+$0xFFFFFEA0]  }
0x2b3: {  	[tilespmem:s14+$0xFFFFFF08] =	vst v0;
	v0 =	vld [tilespmem:s29+$0xFFFFFEA0]  }
0x2b4: {  	v9 =	vld [tilespmem:s30+$0xFFFFFEA0];
	v7 =	vpop (erf)  }
0x2b5: {  	v5 =	vld [tilespmem:s24+$0xFFFFFF20];
	v7 =	vadd.f32 $-1.000000000e+00, v7  }
0x2b6: {  	vm0 =	vgt.f32 v3, $0.0e+00;
	v8 =	vld [tilespmem:s29+$0xFFFFFF20]  }
0x2b7: {  	v2 =	vadd.f32 v2, v4;
	v3 =	vsel vm0, v3, v7  }
0x2b8: {  	v4 =	vld [tilespmem:s30+$0xFFFFFF20];
	[tilespmem:s14+$0xFFFFFFA0] =	vst v3  }
0x2b9: {  	v0 =	vadd.f32 v0, v1;
	v1 =	vadd.f32 v6, v2;
	v2 =	vld [tilespmem:s24+$0xFFFFFFB0]  }
0x2ba: {  	v3 =	vld [tilespmem:s29+$0xFFFFFFB0]  }
0x2bb: {  	v5 =	vadd.f32 v8, v5;
	v0 =	vadd.f32 v9, v0  }
0x2bc: {  	v7 =	vld [tilespmem:s30+$0xFFFFFFB0];
	v6 =	vmul.f32 $1.442695020e+00, v1  }
0x2bd: {  	v4 =	vadd.f32 v4, v5;
	v5 =	vmul.f32 $1.442695020e+00, v0  }
0x2be: {  	(erf) = vpow2.f32 v6  }
0x2bf: {  	(erf) = vpow2.f32 v5;
	v2 =	vadd.f32 v3, v2;
	_ =	sdelay $0x1  }
0x2c0: {  	v6 =	vmul.f32 $1.442695020e+00, v4;
	v2 =	vadd.f32 v7, v2;
	_ =	sdelay $0x1  }
0x2c1: {  	(erf) = vpow2.f32 v6;
	v3 =	vmul.f32 $1.442695020e+00, v2;
	_ =	sdelay $0x2  }
0x2c2: {  	(erf) = vpow2.f32 v3  }
0x2c3: {  	v3 =	vpop (erf)  }
0x2c4: {  	v3 =	vadd.f32 $-1.000000000e+00, v3;
	v5 =	vpop (erf)  }
0x2c5: {  	vm0 =	vgt.f32 v1, $0.0e+00;
	v5 =	vadd.f32 $-1.000000000e+00, v5  }
0x2c6: {  	v1 =	vsel vm0, v1, v3;
	vm0 =	vgt.f32 v0, $0.0e+00  }
0x2c7: {  	[tilespmem:s14+$0xFFFFFE08] =	vst v1;
	v0 =	vsel vm0, v0, v5  }
0x2c8: {  	v3 =	vpop (erf);
	[tilespmem:s14+$0xFFFFFE90] =	vst v0;
	v0 =	vld [tilespmem:s29+$0xFFFFFE30]  }
0x2c9: {  	v8 =	vld [tilespmem:s30+$0xFFFFFE30];
	v1 =	vadd.f32 $-1.000000000e+00, v3  }
0x2ca: {  	vm0 =	vgt.f32 v4, $0.0e+00;
	v3 =	vld [tilespmem:s24+$0xFFFFFE30]  }
0x2cb: {  	v5 =	vpop (erf);
	v1 =	vsel vm0, v4, v1;
	v4 =	vld [tilespmem:s24+$0xFFFFFEB0]  }
0x2cc: {  	v5 =	vadd.f32 $-1.000000000e+00, v5;
	[tilespmem:s14+$0xFFFFFF18] =	vst v1;
	v1 =	vld [tilespmem:s29+$0xFFFFFEB0]  }
0x2cd: {  	vm0 =	vgt.f32 v2, $0.0e+00;
	v6 =	vld [tilespmem:s24+$0xFFFFFF30]  }
0x2ce: {  	v7 =	vld [tilespmem:s29+$0xFFFFFF30];
	v2 =	vsel vm0, v2, v5  }
0x2cf: {  	v5 =	vld [tilespmem:s30+$0xFFFFFEB0];
	[tilespmem:s14+$0xFFFFFFB0] =	vst v2  }
0x2d0: {  	v0 =	vadd.f32 v0, v3;
	v2 =	vld [tilespmem:s24+$0xFFFFFFC0]  }
0x2d1: {  	v3 =	vld [tilespmem:s29+$0xFFFFFFC0]  }
0x2d2: {  	v9 =	vld [tilespmem:s30+$0xFFFFFF30];
	v0 =	vadd.f32 v8, v0  }
0x2d3: {  	v8 =	vld [tilespmem:s30+$0xFFFFFFC0]  }
0x2d4: {  	v1 =	vadd.f32 v1, v4;
	v4 =	vadd.f32 v7, v6;
	v6 =	vmul.f32 $1.442695020e+00, v0;
	_ =	sdelay $0x1  }
0x2d5: {  	v1 =	vadd.f32 v5, v1;
	v2 =	vadd.f32 v3, v2;
	(erf) = vpow2.f32 v6  }
0x2d6: {  	v3 =	vadd.f32 v9, v4  }
0x2d7: {  	v4 =	vmul.f32 $1.442695020e+00, v1;
	v2 =	vadd.f32 v8, v2  }
0x2d8: {  	v5 =	vmul.f32 $1.442695020e+00, v3  }
0x2d9: {  	(erf) = vpow2.f32 v4;
	v4 =	vmul.f32 $1.442695020e+00, v2  }
0x2da: {  	(erf) = vpow2.f32 v5  }
0x2db: {  	(erf) = vpow2.f32 v4;
	_ =	sdelay $0x1  }
0x2dc: {  	s15 =	simm.s32 $0x40E0  }
0x2dd: {  	s17 =	simm.s32 $0x18E0;
	v6 =	vld [tilespmem:s15+$0xFFFFFF90];
	v5 =	vpop (erf)  }
0x2de: {  	v4 =	vld [tilespmem:s17+$0xFFFFFF90];
	v5 =	vadd.f32 $-1.000000000e+00, v5  }
0x2df: {  	s20 =	simm.s32 $0x68E0  }
0x2e0: {  	v7 =	vld [tilespmem:s20+$0xFFFFFF90]  }
0x2e1: {  	vm0 =	vgt.f32 v0, $0.0e+00;
	v8 =	vpop (erf)  }
0x2e2: {  	v0 =	vsel vm0, v0, v5;
	v5 =	vpop (erf)  }
0x2e3: {  	v4 =	vadd.f32 v6, v4;
	v9 =	vpop (erf)  }
0x2e4: {  	v9 =	vadd.f32 $-1.000000000e+00, v9  }
0x2e5: {  	v10 =	vld [tilespmem:s17+$0xFFFFFE90];
	vm0 =	vgt.f32 v2, $0.0e+00;
	v4 =	vadd.f32 v7, v4  }
0x2e6: {  	v14 =	vld [tilespmem:s17+$0xFFFFFE10];
	v2 =	vsel vm0, v2, v9  }
0x2e7: {  	v15 =	vld [tilespmem:s20+$0xFFFFFE10];
	[tilespmem:s14+$0xFFFFFFC0] =	vst v2;
	v2 =	vmul.f32 $1.442695020e+00, v4  }
0x2e8: {  	v16 =	vld [tilespmem:s20+$0xFFFFFE90]  }
0x2e9: {  	v6 =	vld [tilespmem:s15+$0xFFFFFE10];
	(erf) = vpow2.f32 v2  }
0x2ea: {  	v11 =	vld [tilespmem:s24+$0xFFFFFFD0]  }
0x2eb: {  	v12 =	vld [tilespmem:s29+$0xFFFFFFD0]  }
0x2ec: {  	v7 =	vld [tilespmem:s15+$0xFFFFFE90]  }
0x2ed: {  	[tilespmem:s14+$0xFFFFFE18] =	vst v0;
	v13 =	vld [tilespmem:s30+$0xFFFFFFD0]  }
0x2ee: {  	v8 =	vadd.f32 $-1.000000000e+00, v8;
	v0 =	vld [tilespmem:s24+$0xFFFFFE40]  }
0x2ef: {  	v5 =	vadd.f32 $-1.000000000e+00, v5;
	v9 =	vld [tilespmem:s17+$0xFFFFFF10];
	vm0 =	vgt.f32 v1, $0.0e+00  }
0x2f0: {  	v1 =	vsel vm0, v1, v8;
	v8 =	vld [tilespmem:s20+$0xFFFFFF10];
	vm0 =	vgt.f32 v3, $0.0e+00;
	v11 =	vadd.f32 v12, v11  }
0x2f1: {  	[tilespmem:s14+$0xFFFFFEA0] =	vst v1;
	v3 =	vsel vm0, v3, v5;
	v2 =	vld [tilespmem:s15+$0xFFFFFF10]  }
0x2f2: {  	v1 =	vld [tilespmem:s29+$0xFFFFFE40];
	[tilespmem:s14+$0xFFFFFF28] =	vst v3;
	v3 =	vadd.f32 v6, v14;
	v11 =	vadd.f32 v13, v11;
	v13 =	vpop (erf)  }
0x2f3: {  	v5 =	vld [tilespmem:s24+$0xFFFFFEC0];
	v13 =	vadd.f32 $-1.000000000e+00, v13  }
0x2f4: {  	vm0 =	vgt.f32 v4, $0.0e+00;
	v6 =	vld [tilespmem:s29+$0xFFFFFEC0];
	v3 =	vadd.f32 v15, v3;
	v12 =	vmul.f32 $1.442695020e+00, v11  }
0x2f5: {  	s11 =	simm.s32 $0x9258;
	v7 =	vadd.f32 v7, v10;
	v10 =	vld [tilespmem:s24+$0xFFFFFF40];
	v4 =	vsel vm0, v4, v13  }
0x2f6: {  	v2 =	vadd.f32 v2, v9;
	v9 =	vmul.f32 $1.442695020e+00, v3;
	(erf) = vpow2.f32 v12;
	v12 =	vld [tilespmem:s30+$0xFFFFFE40];
	[tilespmem:s11+$0xFFFFFF90] =	vst v4  }
0x2f7: {  	v4 =	vld [tilespmem:s17+$0xFFFFFFA0]  }
0x2f8: {  	v7 =	vadd.f32 v16, v7;
	(erf) = vpow2.f32 v9;
	v9 =	vld [tilespmem:s15+$0xFFFFFFA0]  }
0x2f9: {  	v14 =	vld [tilespmem:s29+$0xFFFFFF40];
	v0 =	vadd.f32 v1, v0;
	v2 =	vadd.f32 v8, v2  }
0x2fa: {  	v8 =	vmul.f32 $1.442695020e+00, v7;
	v13 =	vld [tilespmem:s30+$0xFFFFFEC0]  }
0x2fb: {  	v15 =	vld [tilespmem:s30+$0xFFFFFF40];
	v16 =	vmul.f32 $1.442695020e+00, v2;
	v0 =	vadd.f32 v12, v0  }
0x2fc: {  	v5 =	vadd.f32 v6, v5;
	(erf) = vpow2.f32 v8;
	v1 =	vld [tilespmem:s20+$0xFFFFFFA0]  }
0x2fd: {  	(erf) = vpow2.f32 v16;
	v4 =	vadd.f32 v9, v4;
	v9 =	vmul.f32 $1.442695020e+00, v0  }
0x2fe: {  	v6 =	vadd.f32 v14, v10  }
0x2ff: {  	v5 =	vadd.f32 v13, v5;
	v8 =	vpop (erf)  }
0x300: {  	v6 =	vadd.f32 v15, v6;
	vm0 =	vgt.f32 v11, $0.0e+00;
	v8 =	vadd.f32 $-1.000000000e+00, v8  }
0x301: {  	v10 =	vmul.f32 $1.442695020e+00, v5;
	v1 =	vadd.f32 v1, v4;
	(erf) = vpow2.f32 v9;
	v9 =	vpop (erf)  }
0x302: {  	v4 =	vmul.f32 $1.442695020e+00, v6;
	v8 =	vsel vm0, v11, v8;
	v9 =	vadd.f32 $-1.000000000e+00, v9  }
0x303: {  	(erf) = vpow2.f32 v10;
	[tilespmem:s14+$0xFFFFFFD0] =	vst v8  }
0x304: {  	v8 =	vmul.f32 $1.442695020e+00, v1;
	(erf) = vpow2.f32 v4;
	v4 =	vld [tilespmem:s24+$0xFFFFFFE0]  }
0x305: {  	vm0 =	vgt.f32 v3, $0.0e+00;
	v10 =	vpop (erf);
	v11 =	vld [tilespmem:s29+$0xFFFFFFE0]  }
0x306: {  	(erf) = vpow2.f32 v8;
	v8 =	vadd.f32 $-1.000000000e+00, v10;
	v3 =	vsel vm0, v3, v9;
	v9 =	vpop (erf)  }
0x307: {  	vm0 =	vgt.f32 v7, $0.0e+00;
	v9 =	vadd.f32 $-1.000000000e+00, v9  }
0x308: {  	[tilespmem:s11+$0xFFFFFDF8] =	vst v3;
	v3 =	vld [tilespmem:s30+$0xFFFFFFE0];
	v7 =	vsel vm0, v7, v8;
	vm0 =	vgt.f32 v2, $0.0e+00  }
0x309: {  	v8 =	vld [tilespmem:s17+$0xFFFFFE20];
	v2 =	vsel vm0, v2, v9  }
0x30a: {  	[tilespmem:s11+$0xFFFFFE80] =	vst v7;
	v7 =	vld [tilespmem:s15+$0xFFFFFE20];
	v4 =	vadd.f32 v11, v4  }
0x30b: {  	v13 =	vld [tilespmem:s20+$0xFFFFFE20]  }
0x30c: {  	v10 =	vld [tilespmem:s15+$0xFFFFFEA0];
	[tilespmem:s11+$0xFFFFFF08] =	vst v2;
	v2 =	vpop (erf)  }
0x30d: {  	v9 =	vld [tilespmem:s17+$0xFFFFFEA0];
	v11 =	vpop (erf)  }
0x30e: {  	v3 =	vadd.f32 v3, v4;
	v12 =	vld [tilespmem:s17+$0xFFFFFF20];
	v2 =	vadd.f32 $-1.000000000e+00, v2;
	v4 =	vpop (erf)  }
0x30f: {  	vm0 =	vgt.f32 v0, $0.0e+00;
	v14 =	vld [tilespmem:s15+$0xFFFFFF20];
	v16 =	vpop (erf)  }
0x310: {  	v15 =	vmul.f32 $1.442695020e+00, v3;
	v0 =	vsel vm0, v0, v2;
	v2 =	vld [tilespmem:s20+$0xFFFFFEA0];
	v16 =	vadd.f32 $-1.000000000e+00, v16  }
0x311: {  	vm0 =	vgt.f32 v1, $0.0e+00  }
0x312: {  	(erf) = vpow2.f32 v15;
	[tilespmem:s14+$0xFFFFFE28] =	vst v0;
	v0 =	vadd.f32 v7, v8;
	v7 =	vld [tilespmem:s20+$0xFFFFFF20];
	v1 =	vsel vm0, v1, v16  }
0x313: {  	[tilespmem:s11+$0xFFFFFFA0] =	vst v1;
	v1 =	vadd.f32 v10, v9  }
0x314: {  	v12 =	vadd.f32 v14, v12;
	v8 =	vld [tilespmem:s24+$0xFFFFFE50];
	v10 =	vadd.f32 $-1.000000000e+00, v11  }
0x315: {  	v15 =	vld [tilespmem:s29+$0xFFFFFE50];
	v0 =	vadd.f32 v13, v0;
	vm0 =	vgt.f32 v5, $0.0e+00;
	v1 =	vadd.f32 v2, v1  }
0x316: {  	v9 =	vld [tilespmem:s17+$0xFFFFFFB0];
	v5 =	vsel vm0, v5, v10  }
0x317: {  	v11 =	vmul.f32 $1.442695020e+00, v0;
	v2 =	vld [tilespmem:s30+$0xFFFFFE50];
	[tilespmem:s14+$0xFFFFFEB0] =	vst v5;
	v5 =	vadd.f32 v7, v12;
	v7 =	vmul.f32 $1.442695020e+00, v1  }
0x318: {  	v13 =	vld [tilespmem:s15+$0xFFFFFFB0]  }
0x319: {  	(erf) = vpow2.f32 v11  }
0x31a: {  	v4 =	vadd.f32 $-1.000000000e+00, v4;
	v10 =	vld [tilespmem:s20+$0xFFFFFFB0];
	v8 =	vadd.f32 v15, v8  }
0x31b: {  	vm0 =	vgt.f32 v6, $0.0e+00;
	(erf) = vpow2.f32 v7;
	v7 =	vpop (erf)  }
0x31c: {  	v4 =	vsel vm0, v6, v4;
	v6 =	vld [tilespmem:s24+$0xFFFFFED0];
	v2 =	vadd.f32 v2, v8;
	v7 =	vadd.f32 $-1.000000000e+00, v7  }
0x31d: {  	vm0 =	vgt.f32 v3, $0.0e+00;
	[tilespmem:s14+$0xFFFFFF38] =	vst v4;
	v4 =	vld [tilespmem:s29+$0xFFFFFED0];
	v11 =	vmul.f32 $1.442695020e+00, v5;
	v9 =	vadd.f32 v13, v9  }
0x31e: {  	v12 =	vld [tilespmem:s24+$0xFFFFFF50];
	v3 =	vsel vm0, v3, v7;
	v7 =	vmul.f32 $1.442695020e+00, v2  }
0x31f: {  	v8 =	vld [tilespmem:s29+$0xFFFFFF50];
	(erf) = vpow2.f32 v11;
	v9 =	vadd.f32 v10, v9  }
0x320: {  	v10 =	vld [tilespmem:s30+$0xFFFFFED0]  }
0x321: {  	v11 =	vld [tilespmem:s30+$0xFFFFFF50];
	[tilespmem:s14+$0xFFFFFFE0] =	vst v3;
	v3 =	vmul.f32 $1.442695020e+00, v9  }
0x322: {  	v13 =	vld [tilespmem:s24+$0xFFFFFFF0];
	(erf) = vpow2.f32 v7;
	v7 =	vpop (erf)  }
0x323: {  	v14 =	vld [tilespmem:s29+$0xFFFFFFF0];
	(erf) = vpow2.f32 v3;
	v3 =	vadd.f32 v4, v6;
	v4 =	vadd.f32 $-1.000000000e+00, v7  }
0x324: {  	vm0 =	vgt.f32 v0, $0.0e+00;
	v7 =	vadd.f32 v8, v12  }
0x325: {  	v6 =	vld [tilespmem:s30+$0xFFFFFFF0];
	v3 =	vadd.f32 v10, v3;
	v0 =	vsel vm0, v0, v4  }
0x326: {  	v8 =	vpop (erf);
	[tilespmem:s11+$0xFFFFFE08] =	vst v0;
	v0 =	vadd.f32 v11, v7  }
0x327: {  	v4 =	vadd.f32 $-1.000000000e+00, v8;
	v8 =	vmul.f32 $1.442695020e+00, v3  }
0x328: {  	vm0 =	vgt.f32 v1, $0.0e+00;
	v11 =	vadd.f32 v14, v13;
	v7 =	vpop (erf);
	v10 =	vld [tilespmem:s17+$0xFFFFFE30];
	v12 =	vmul.f32 $1.442695020e+00, v0  }
0x329: {  	v1 =	vsel vm0, v1, v4;
	v4 =	vld [tilespmem:s15+$0xFFFFFE30];
	v7 =	vadd.f32 $-1.000000000e+00, v7;
	(erf) = vpow2.f32 v8  }
0x32a: {  	vm0 =	vgt.f32 v5, $0.0e+00;
	v6 =	vadd.f32 v6, v11;
	[tilespmem:s11+$0xFFFFFE90] =	vst v1;
	v1 =	vld [tilespmem:s20+$0xFFFFFE30]  }
0x32b: {  	v8 =	vpop (erf);
	v5 =	vsel vm0, v5, v7;
	v7 =	vld [tilespmem:s17+$0xFFFFFEB0]  }
0x32c: {  	(erf) = vpow2.f32 v12;
	v11 =	vmul.f32 $1.442695020e+00, v6;
	[tilespmem:s11+$0xFFFFFF18] =	vst v5;
	v5 =	vld [tilespmem:s15+$0xFFFFFEB0];
	v12 =	vpop (erf)  }
0x32d: {  	v13 =	vld [tilespmem:s17+$0xFFFFFF30];
	v12 =	vadd.f32 $-1.000000000e+00, v12  }
0x32e: {  	vm0 =	vgt.f32 v9, $0.0e+00;
	v4 =	vadd.f32 v4, v10;
	(erf) = vpow2.f32 v11;
	v10 =	vld [tilespmem:s15+$0xFFFFFF30]  }
0x32f: {  	v11 =	vld [tilespmem:s20+$0xFFFFFEB0];
	v9 =	vsel vm0, v9, v12  }
0x330: {  	v14 =	vld [tilespmem:s20+$0xFFFFFF30];
	v1 =	vadd.f32 v1, v4;
	[tilespmem:s11+$0xFFFFFFB0] =	vst v9  }
0x331: {  	v8 =	vadd.f32 $-1.000000000e+00, v8;
	v4 =	vld [tilespmem:s17+$0xFFFFFFC0]  }
0x332: {  	vm0 =	vgt.f32 v2, $0.0e+00;
	v9 =	vmul.f32 $1.442695020e+00, v1;
	v12 =	vld [tilespmem:s15+$0xFFFFFFC0];
	v15 =	vpop (erf)  }
0x333: {  	v2 =	vsel vm0, v2, v8;
	v8 =	vadd.f32 $-1.000000000e+00, v15  }
0x334: {  	v5 =	vadd.f32 v5, v7;
	v7 =	vadd.f32 v10, v13;
	v15 =	vld [tilespmem:s20+$0xFFFFFFC0];
	(erf) = vpow2.f32 v9;
	_ =	sdelay $0x1  }
0x335: {  	s4 =	simm.s32 $0x42E0;
	vm0 =	vgt.f32 v3, $0.0e+00;
	[tilespmem:s14+$0xFFFFFE38] =	vst v2;
	v5 =	vadd.f32 v11, v5;
	v2 =	vpop (erf);
	v7 =	vadd.f32 v14, v7  }
0x336: {  	v17 =	vld [tilespmem:s4+$0xFFFFFF90];
	v3 =	vsel vm0, v3, v8;
	v2 =	vadd.f32 $-1.000000000e+00, v2;
	v8 =	vpop (erf);
	v4 =	vadd.f32 v12, v4  }
0x337: {  	v26 =	vld [tilespmem:s4+$0xFFFFFE10];
	vm0 =	vgt.f32 v0, $0.0e+00;
	v10 =	vmul.f32 $1.442695020e+00, v5;
	v8 =	vadd.f32 $-1.000000000e+00, v8  }
0x338: {  	v9 =	vld [tilespmem:s24+$0xFFFFFE60];
	v0 =	vsel vm0, v0, v2;
	vm0 =	vgt.f32 v6, $0.0e+00;
	v4 =	vadd.f32 v15, v4  }
0x339: {  	[tilespmem:s14+$0xFFFFFEC0] =	vst v3;
	v3 =	vld [tilespmem:s29+$0xFFFFFE60];
	v11 =	vmul.f32 $1.442695020e+00, v7;
	v6 =	vsel vm0, v6, v8  }
0x33a: {  	v2 =	vld [tilespmem:s24+$0xFFFFFEE0];
	(erf) = vpow2.f32 v10;
	[tilespmem:s14+$0xFFFFFFF0] =	vst v6;
	v6 =	vmul.f32 $1.442695020e+00, v4  }
0x33b: {  	[tilespmem:s14+$0xFFFFFF48] =	vst v0;
	v0 =	vld [tilespmem:s29+$0xFFFFFEE0];
	(erf) = vpow2.f32 v11  }
0x33c: {  	v12 =	vld [tilespmem:s24+$0xFFFFFF60];
	v13 =	vpop (erf);
	(erf) = vpow2.f32 v6  }
0x33d: {  	v15 =	vld [tilespmem:s30+$0xFFFFFEE0]  }
0x33e: {  	v10 =	vld [tilespmem:s24+$0x0]  }
0x33f: {  	v11 =	vld [tilespmem:s29+$0x0]  }
0x340: {  	v6 =	vld [tilespmem:s30+$0xFFFFFE60];
	v13 =	vadd.f32 $-1.000000000e+00, v13  }
0x341: {  	v8 =	vld [tilespmem:s29+$0xFFFFFF60];
	vm0 =	vgt.f32 v1, $0.0e+00  }
0x342: {  	s0 =	simm.s32 $0x1AE0;
	v14 =	vld [tilespmem:s30+$0x0];
	v1 =	vsel vm0, v1, v13  }
0x343: {  	v3 =	vadd.f32 v3, v9;
	[tilespmem:s11+$0xFFFFFE18] =	vst v1;
	v1 =	vld [tilespmem:s0+$0xFFFFFF90];
	v9 =	vpop (erf)  }
0x344: {  	s22 =	simm.s32 $0x6AE0;
	v2 =	vadd.f32 v0, v2;
	v13 =	vld [tilespmem:s30+$0xFFFFFF60];
	v25 =	vpop (erf)  }
0x345: {  	v0 =	vadd.f32 v11, v10;
	v3 =	vadd.f32 v6, v3;
	v6 =	vld [tilespmem:s22+$0xFFFFFF90];
	v10 =	vpop (erf)  }
0x346: {  	v27 =	vld [tilespmem:s22+$0xFFFFFE10];
	v8 =	vadd.f32 v8, v12;
	vm0 =	vgt.f32 v4, $0.0e+00;
	v10 =	vadd.f32 $-1.000000000e+00, v10  }
0x347: {  	v2 =	vadd.f32 v15, v2;
	v15 =	vld [tilespmem:s0+$0xFFFFFF10];
	v0 =	vadd.f32 v14, v0;
	v12 =	vmul.f32 $1.442695020e+00, v3  }
0x348: {  	v16 =	vld [tilespmem:s17+$0xFFFFFE40];
	v1 =	vadd.f32 v17, v1;
	v4 =	vsel vm0, v4, v10  }
0x349: {  	v11 =	vld [tilespmem:s0+$0xFFFFFE90];
	v8 =	vadd.f32 v13, v8;
	(erf) = vpow2.f32 v12;
	v10 =	vmul.f32 $1.442695020e+00, v0;
	[tilespmem:s11+$0xFFFFFFC0] =	vst v4  }
0x34a: {  	v6 =	vadd.f32 v6, v1;
	v4 =	vmul.f32 $1.442695020e+00, v2;
	v1 =	vld [tilespmem:s17+$0xFFFFFFD0]  }
0x34b: {  	v12 =	vmul.f32 $1.442695020e+00, v8;
	(erf) = vpow2.f32 v10;
	v10 =	vld [tilespmem:s15+$0xFFFFFFD0]  }
0x34c: {  	v9 =	vadd.f32 $-1.000000000e+00, v9;
	v17 =	vmul.f32 $1.442695020e+00, v6;
	(erf) = vpow2.f32 v4;
	v4 =	vld [tilespmem:s0+$0xFFFFFE10]  }
0x34d: {  	v18 =	vadd.f32 $-1.000000000e+00, v25;
	vm0 =	vgt.f32 v5, $0.0e+00;
	(erf) = vpow2.f32 v12;
	v12 =	vld [tilespmem:s20+$0xFFFFFFD0]  }
0x34e: {  	v14 =	vld [tilespmem:s4+$0xFFFFFE90];
	v5 =	vsel vm0, v5, v9;
	vm0 =	vgt.f32 v7, $0.0e+00;
	(erf) = vpow2.f32 v17  }
0x34f: {  	v33 =	vld [tilespmem:s20+$0xFFFFFE40];
	v7 =	vsel vm0, v7, v18  }
0x350: {  	v13 =	vld [tilespmem:s4+$0xFFFFFF10];
	v1 =	vadd.f32 v10, v1  }
0x351: {  	v17 =	vld [tilespmem:s22+$0xFFFFFE90]  }
0x352: {  	v9 =	vld [tilespmem:s22+$0xFFFFFF10];
	[tilespmem:s11+$0xFFFFFF28] =	vst v7;
	v7 =	vpop (erf);
	v4 =	vadd.f32 v26, v4;
	v12 =	vadd.f32 v12, v1  }
0x353: {  	v11 =	vadd.f32 v14, v11;
	[tilespmem:s11+$0xFFFFFEA0] =	vst v5;
	v5 =	vld [tilespmem:s15+$0xFFFFFE40];
	v7 =	vadd.f32 $-1.000000000e+00, v7  }
0x354: {  	vm0 =	vgt.f32 v3, $0.0e+00;
	v28 =	vld [tilespmem:s15+$0xFFFFFEC0];
	v4 =	vadd.f32 v27, v4;
	v1 =	vpop (erf);
	v29 =	vmul.f32 $1.442695020e+00, v12  }
0x355: {  	v13 =	vadd.f32 v13, v15;
	v14 =	vld [tilespmem:s17+$0xFFFFFF40];
	v3 =	vsel vm0, v3, v7;
	v15 =	vpop (erf)  }
0x356: {  	v30 =	vld [tilespmem:s15+$0xFFFFFF40];
	v7 =	vadd.f32 v17, v11;
	v32 =	vmul.f32 $1.442695020e+00, v4;
	v31 =	vpop (erf);
	(erf) = vpow2.f32 v29  }
0x357: {  	vm1 =	vgt.f32 v2, $0.0e+00;
	v9 =	vadd.f32 v9, v13;
	v10 =	vld [tilespmem:s17+$0xFFFFFEC0];
	v15 =	vadd.f32 $-1.000000000e+00, v15;
	v11 =	vpop (erf)  }
0x358: {  	v17 =	vld [tilespmem:s20+$0xFFFFFEC0];
	[tilespmem:s14+$0xFFFFFE48] =	vst v3;
	v13 =	vmul.f32 $1.442695020e+00, v7;
	(erf) = vpow2.f32 v32;
	v3 =	vadd.f32 $-1.000000000e+00, v11  }
0x359: {  	v5 =	vadd.f32 v5, v16;
	vm0 =	vgt.f32 v6, $0.0e+00;
	v2 =	vsel vm1, v2, v15;
	v11 =	vld [tilespmem:s20+$0xFFFFFF40]  }
0x35a: {  	s19 =	simm.s32 $0x9478;
	v15 =	vld [tilespmem:s24+$0xFFFFFE70];
	(erf) = vpow2.f32 v13;
	v13 =	vadd.f32 $-1.000000000e+00, v31;
	[tilespmem:s14+$0xFFFFFED0] =	vst v2;
	v2 =	vsel vm0, v6, v3  }
0x35b: {  	v5 =	vadd.f32 v33, v5;
	v3 =	vld [tilespmem:s29+$0xFFFFFE70];
	v6 =	vmul.f32 $1.442695020e+00, v9;
	vm0 =	vgt.f32 v8, $0.0e+00;
	[tilespmem:s19+$0xFFFFFF90] =	vst v2  }
0x35c: {  	v8 =	vsel vm0, v8, v13;
	v16 =	vld [tilespmem:s0+$0xFFFFFFA0]  }
0x35d: {  	(erf) = vpow2.f32 v6;
	v6 =	vadd.f32 v28, v10;
	v10 =	vld [tilespmem:s4+$0xFFFFFFA0];
	[tilespmem:s14+$0xFFFFFF58] =	vst v8;
	v8 =	vmul.f32 $1.442695020e+00, v5  }
0x35e: {  	v2 =	vld [tilespmem:s24+$0xFFFFFEF0];
	v13 =	vadd.f32 v30, v14  }
0x35f: {  	v6 =	vadd.f32 v17, v6;
	v17 =	vld [tilespmem:s22+$0xFFFFFFA0];
	v34 =	vpop (erf)  }
0x360: {  	v14 =	vld [tilespmem:s29+$0xFFFFFEF0];
	v11 =	vadd.f32 v11, v13;
	v13 =	vadd.f32 $-1.000000000e+00, v34  }
0x361: {  	vm0 =	vgt.f32 v12, $0.0e+00;
	v35 =	vld [tilespmem:s24+$0xFFFFFF70];
	(erf) = vpow2.f32 v8;
	v36 =	vmul.f32 $1.442695020e+00, v6;
	v8 =	vpop (erf)  }
0x362: {  	v37 =	vld [tilespmem:s29+$0xFFFFFF70];
	v8 =	vadd.f32 $-1.000000000e+00, v8;
	v10 =	vadd.f32 v10, v16;
	v12 =	vsel vm0, v12, v13  }
0x363: {  	v16 =	vmul.f32 $1.442695020e+00, v11;
	v13 =	vld [tilespmem:s30+$0xFFFFFE70];
	vm0 =	vgt.f32 v4, $0.0e+00;
	[tilespmem:s11+$0xFFFFFFD0] =	vst v12  }
0x364: {  	v38 =	vpop (erf);
	(erf) = vpow2.f32 v36;
	v4 =	vsel vm0, v4, v8;
	v8 =	vadd.f32 v17, v10;
	v10 =	vld [tilespmem:s17+$0xFFFFFFE0]  }
0x365: {  	(erf) = vpow2.f32 v16;
	v16 =	vadd.f32 $-1.000000000e+00, v38;
	[tilespmem:s19+$0xFFFFFDF8] =	vst v4;
	v4 =	vld [tilespmem:s15+$0xFFFFFFE0]  }
0x366: {  	v12 =	vld [tilespmem:s30+$0xFFFFFEF0];
	vm0 =	vgt.f32 v7, $0.0e+00;
	v40 =	vmul.f32 $1.442695020e+00, v8  }
0x367: {  	v3 =	vadd.f32 v3, v15;
	v7 =	vsel vm0, v7, v16;
	v16 =	vld [tilespmem:s20+$0xFFFFFFE0]  }
0x368: {  	v2 =	vadd.f32 v14, v2;
	v17 =	vpop (erf);
	v39 =	vld [tilespmem:s0+$0xFFFFFE20];
	(erf) = vpow2.f32 v40  }
0x369: {  	v41 =	vld [tilespmem:s22+$0xFFFFFE20];
	v17 =	vadd.f32 $-1.000000000e+00, v17;
	v3 =	vadd.f32 v13, v3  }
0x36a: {  	vm0 =	vgt.f32 v9, $0.0e+00;
	[tilespmem:s19+$0xFFFFFE80] =	vst v7;
	v7 =	vld [tilespmem:s4+$0xFFFFFE20];
	v4 =	vadd.f32 v4, v10  }
0x36b: {  	v14 =	vld [tilespmem:s0+$0xFFFFFEA0];
	v9 =	vsel vm0, v9, v17;
	v2 =	vadd.f32 v12, v2;
	v10 =	vpop (erf);
	v15 =	vmul.f32 $1.442695020e+00, v3  }
0x36c: {  	[tilespmem:s19+$0xFFFFFF08] =	vst v9;
	v9 =	vld [tilespmem:s4+$0xFFFFFEA0];
	v10 =	vadd.f32 $-1.000000000e+00, v10;
	v4 =	vadd.f32 v16, v4  }
0x36d: {  	vm0 =	vgt.f32 v5, $0.0e+00;
	v12 =	vld [tilespmem:s0+$0xFFFFFF20];
	v13 =	vpop (erf);
	v16 =	vmul.f32 $1.442695020e+00, v2;
	(erf) = vpow2.f32 v15  }
0x36e: {  	v13 =	vadd.f32 $-1.000000000e+00, v13;
	v5 =	vsel vm0, v5, v10;
	v10 =	vld [tilespmem:s22+$0xFFFFFEA0];
	v15 =	vmul.f32 $1.442695020e+00, v4  }
0x36f: {  	v17 =	vld [tilespmem:s4+$0xFFFFFF20];
	v7 =	vadd.f32 v7, v39;
	v42 =	vpop (erf);
	vm0 =	vgt.f32 v6, $0.0e+00;
	(erf) = vpow2.f32 v16  }
0x370: {  	v22 =	vadd.f32 $-1.000000000e+00, v42;
	[tilespmem:s11+$0xFFFFFE28] =	vst v5;
	v5 =	vld [tilespmem:s22+$0xFFFFFF20];
	v6 =	vsel vm0, v6, v13;
	(erf) = vpow2.f32 v15  }
0x371: {  	v7 =	vadd.f32 v41, v7;
	v13 =	vld [tilespmem:s17+$0xFFFFFE50];
	vm0 =	vgt.f32 v11, $0.0e+00;
	[tilespmem:s11+$0xFFFFFEB0] =	vst v6;
	v6 =	vadd.f32 v9, v14;
	v9 =	vpop (erf)  }
0x372: {  	v14 =	vld [tilespmem:s15+$0xFFFFFE50];
	v11 =	vsel vm0, v11, v22;
	v9 =	vadd.f32 $-1.000000000e+00, v9  }
0x373: {  	vm0 =	vgt.f32 v8, $0.0e+00;
	v15 =	vld [tilespmem:s17+$0xFFFFFED0];
	v6 =	vadd.f32 v10, v6;
	v10 =	vmul.f32 $1.442695020e+00, v7  }
0x374: {  	[tilespmem:s11+$0xFFFFFF38] =	vst v11;
	v11 =	vadd.f32 v17, v12;
	v12 =	vld [tilespmem:s15+$0xFFFFFED0];
	v8 =	vsel vm0, v8, v9  }
0x375: {  	v9 =	vld [tilespmem:s17+$0xFFFFFF50];
	[tilespmem:s19+$0xFFFFFFA0] =	vst v8  }
0x376: {  	v5 =	vadd.f32 v5, v11;
	v11 =	vmul.f32 $1.442695020e+00, v6;
	(erf) = vpow2.f32 v10;
	v16 =	vld [tilespmem:s0+$0xFFFFFFB0]  }
0x377: {  	v10 =	vpop (erf);
	v17 =	vld [tilespmem:s4+$0xFFFFFFB0]  }
0x378: {  	v44 =	vmul.f32 $1.442695020e+00, v5;
	(erf) = vpow2.f32 v11;
	v11 =	vld [tilespmem:s20+$0xFFFFFE50];
	v43 =	vpop (erf)  }
0x379: {  	v8 =	vld [tilespmem:s15+$0xFFFFFF50];
	v10 =	vadd.f32 $-1.000000000e+00, v10;
	v46 =	vpop (erf)  }
0x37a: {  	vm0 =	vgt.f32 v3, $0.0e+00;
	v45 =	vld [tilespmem:s22+$0xFFFFFFB0];
	(erf) = vpow2.f32 v44;
	v23 =	vadd.f32 $-1.000000000e+00, v46  }
0x37b: {  	v13 =	vadd.f32 v14, v13;
	v3 =	vsel vm0, v3, v10;
	v10 =	vld [tilespmem:s20+$0xFFFFFF50];
	vm0 =	vgt.f32 v4, $0.0e+00  }
0x37c: {  	v47 =	vld [tilespmem:s20+$0xFFFFFED0];
	v12 =	vadd.f32 v12, v15;
	[tilespmem:s14+$0xFFFFFE58] =	vst v3;
	v3 =	vadd.f32 v17, v16;
	v4 =	vsel vm0, v4, v23  }
0x37d: {  	vm1 =	vgt.f32 v7, $0.0e+00;
	v14 =	vld [tilespmem:s30+$0xFFFFFF70];
	v11 =	vadd.f32 v11, v13;
	v13 =	vadd.f32 $-1.000000000e+00, v43;
	[tilespmem:s11+$0xFFFFFFE0] =	vst v4  }
0x37e: {  	v8 =	vadd.f32 v8, v9;
	v16 =	vadd.f32 v37, v35;
	vm0 =	vgt.f32 v2, $0.0e+00;
	v17 =	vld [tilespmem:s17+$0xFFFFFFF0]  }
0x37f: {  	v3 =	vadd.f32 v45, v3;
	v15 =	vpop (erf);
	v48 =	vmul.f32 $1.442695020e+00, v11;
	v2 =	vsel vm0, v2, v13;
	v49 =	vld [tilespmem:s15+$0xFFFFFFF0]  }
0x380: {  	vm0 =	vgt.f32 v6, $0.0e+00;
	v13 =	vadd.f32 $-1.000000000e+00, v15;
	v8 =	vadd.f32 v10, v8  }
0x381: {  	[tilespmem:s14+$0xFFFFFEE0] =	vst v2;
	v2 =	vadd.f32 v47, v12;
	v12 =	vld [tilespmem:s20+$0xFFFFFFF0];
	v15 =	vmul.f32 $1.442695020e+00, v3;
	v9 =	vpop (erf);
	(erf) = vpow2.f32 v48  }
0x382: {  	v50 =	vld [tilespmem:s29+$0xFFFFFE80];
	v9 =	vadd.f32 $-1.000000000e+00, v9;
	v7 =	vsel vm1, v7, v13;
	v51 =	vmul.f32 $1.442695020e+00, v8  }
0x383: {  	v4 =	vld [tilespmem:s24+$0xFFFFFE80];
	v14 =	vadd.f32 v14, v16;
	(erf) = vpow2.f32 v15;
	v15 =	vmul.f32 $1.442695020e+00, v2;
	[tilespmem:s19+$0xFFFFFE08] =	vst v7;
	v10 =	vpop (erf)  }
0x384: {  	v6 =	vsel vm0, v6, v9;
	v9 =	vld [tilespmem:s0+$0xFFFFFE30];
	v10 =	vadd.f32 $-1.000000000e+00, v10;
	v17 =	vadd.f32 v49, v17  }
0x385: {  	vm0 =	vgt.f32 v5, $0.0e+00;
	[tilespmem:s19+$0xFFFFFE90] =	vst v6;
	v6 =	vld [tilespmem:s4+$0xFFFFFE30];
	(erf) = vpow2.f32 v15;
	v15 =	vmul.f32 $1.442695020e+00, v14  }
0x386: {  	(erf) = vpow2.f32 v51;
	v5 =	vsel vm0, v5, v10;
	v10 =	vld [tilespmem:s0+$0xFFFFFEB0];
	v12 =	vadd.f32 v12, v17  }
0x387: {  	(erf) = vpow2.f32 v15;
	v15 =	vld [tilespmem:s22+$0xFFFFFE30]  }
0x388: {  	[tilespmem:s19+$0xFFFFFF18] =	vst v5;
	v5 =	vld [tilespmem:s4+$0xFFFFFEB0];
	v17 =	vmul.f32 $1.442695020e+00, v12  }
0x389: {  	v16 =	vld [tilespmem:s0+$0xFFFFFF30]  }
0x38a: {  	v53 =	vpop (erf);
	(erf) = vpow2.f32 v17;
	v17 =	vld [tilespmem:s22+$0xFFFFFEB0]  }
0x38b: {  	v52 =	vld [tilespmem:s4+$0xFFFFFF30];
	v6 =	vadd.f32 v6, v9  }
0x38c: {  	v13 =	vld [tilespmem:s24+$0xFFFFFF00];
	v19 =	vadd.f32 $-1.000000000e+00, v53  }
0x38d: {  	v55 =	vld [tilespmem:s22+$0xFFFFFF30];
	v54 =	vpop (erf);
	v15 =	vadd.f32 v15, v6;
	v5 =	vadd.f32 v5, v10  }
0x38e: {  	vm1 =	vgt.f32 v3, $0.0e+00;
	v7 =	vld [tilespmem:s29+$0xFFFFFF00];
	vm0 =	vgt.f32 v11, $0.0e+00;
	v21 =	vadd.f32 $-1.000000000e+00, v54  }
0x38f: {  	v9 =	vsel vm0, v11, v19;
	v11 =	vld [tilespmem:s30+$0xFFFFFE80];
	v10 =	vpop (erf);
	v17 =	vadd.f32 v17, v5;
	v5 =	vmul.f32 $1.442695020e+00, v15  }
0x390: {  	[tilespmem:s11+$0xFFFFFE38] =	vst v9;
	v9 =	vld [tilespmem:s30+$0xFFFFFF00];
	v3 =	vsel vm1, v3, v21;
	v6 =	vadd.f32 $-1.000000000e+00, v10;
	v10 =	vadd.f32 v52, v16  }
0x391: {  	v1 =	vadd.f32 $-1.000000000e+00, v1;
	vm0 =	vgt.f32 v2, $0.0e+00;
	v56 =	vpop (erf);
	[tilespmem:s19+$0xFFFFFFB0] =	vst v3;
	v3 =	vld [tilespmem:s17+$0xFFFFFE60]  }
0x392: {  	v59 =	vpop (erf);
	v16 =	vld [tilespmem:s0+$0xFFFFFFC0];
	v2 =	vsel vm0, v2, v6;
	v6 =	vadd.f32 $-1.000000000e+00, v56;
	v58 =	vadd.f32 v55, v10  }
0x393: {  	v57 =	vld [tilespmem:s4+$0xFFFFFFC0];
	vm0 =	vgt.f32 v8, $0.0e+00;
	[tilespmem:s11+$0xFFFFFEC0] =	vst v2;
	v2 =	vmul.f32 $1.442695020e+00, v17;
	(erf) = vpow2.f32 v5;
	v5 =	vpop (erf)  }
0x394: {  	v4 =	vadd.f32 v50, v4;
	v10 =	vld [tilespmem:s15+$0xFFFFFE60];
	v6 =	vsel vm0, v8, v6;
	v5 =	vadd.f32 $-1.000000000e+00, v5  }
0x395: {  	v60 =	vld [tilespmem:s22+$0xFFFFFFC0];
	v8 =	vmul.f32 $1.442695020e+00, v58;
	vm0 =	vgt.f32 v12, $0.0e+00;
	(erf) = vpow2.f32 v2  }
0x396: {  	v61 =	vld [tilespmem:s17+$0xFFFFFEE0];
	[tilespmem:s11+$0xFFFFFF48] =	vst v6;
	v6 =	vadd.f32 v7, v13;
	v5 =	vsel vm0, v12, v5;
	vm0 =	vgt.f32 v0, $0.0e+00  }
0x397: {  	v2 =	vld [tilespmem:s15+$0xFFFFFEE0];
	(erf) = vpow2.f32 v8;
	v62 =	vsel vm0, v0, v1;
	v0 =	vadd.f32 v11, v4  }
0x398: {  	v8 =	vld [tilespmem:s17+$0xFFFFFF60];
	v4 =	vadd.f32 v57, v16  }
0x399: {  	v13 =	vld [tilespmem:s15+$0xFFFFFF60];
	[tilespmem:s11+$0xFFFFFFF0] =	vst v5;
	v1 =	vadd.f32 v9, v6;
	v6 =	vmul.f32 $1.442695020e+00, v0  }
0x39a: {  	v7 =	vld [tilespmem:s17+$0x0];
	v5 =	vadd.f32 v60, v4  }
0x39b: {  	v11 =	vadd.f32 $-1.000000000e+00, v59;
	v9 =	vld [tilespmem:s15+$0x0];
	v12 =	vmul.f32 $1.442695020e+00, v1;
	(erf) = vpow2.f32 v6  }
0x39c: {  	vm1 =	vgt.f32 v15, $0.0e+00;
	vm0 =	vgt.f32 v14, $0.0e+00;
	v4 =	vld [tilespmem:s20+$0xFFFFFE60];
	v6 =	vmul.f32 $1.442695020e+00, v5  }
0x39d: {  	vm2 =	vgt.f32 v17, $0.0e+00;
	v11 =	vsel vm0, v14, v11;
	v14 =	vld [tilespmem:s20+$0x0];
	(erf) = vpow2.f32 v12  }
0x39e: {  	v3 =	vadd.f32 v10, v3;
	v16 =	vld [tilespmem:s20+$0xFFFFFEE0];
	v63 =	vadd.f32 v2, v61;
	v10 =	vpop (erf);
	(erf) = vpow2.f32 v6  }
0x39f: {  	vm3 =	vgt.f32 v58, $0.0e+00;
	v13 =	vadd.f32 v13, v8;
	[tilespmem:s14+$0xFFFFFF68] =	vst v11;
	v11 =	vld [tilespmem:s20+$0xFFFFFF60];
	v10 =	vadd.f32 $-1.000000000e+00, v10;
	v2 =	vpop (erf)  }
0x3a0: {  	vm0 =	vgt.f32 v0, $0.0e+00;
	v12 =	vld [tilespmem:s29+$0xFFFFFF80];
	v2 =	vadd.f32 $-1.000000000e+00, v2;
	v9 =	vadd.f32 v9, v7;
	v7 =	vpop (erf)  }
0x3a1: {  	[tilespmem:s14+$0x0] =	vst v62;
	v6 =	vld [tilespmem:s24+$0xFFFFFF80];
	v10 =	vsel vm1, v15, v10;
	v15 =	vadd.f32 $-1.000000000e+00, v7;
	v7 =	vadd.f32 v4, v3  }
0x3a2: {  	s23 =	simm.s32 $0x9478;
	s21 =	simm.s32 $0x6AE0;
	vm1 =	vgt.f32 v1, $0.0e+00;
	[tilespmem:s19+$0xFFFFFE18] =	vst v10;
	v10 =	vld [tilespmem:s30+$0xFFFFFF80];
	v3 =	vsel vm2, v17, v2;
	v2 =	vadd.f32 v14, v9  }
0x3a3: {  	s26 =	simm.s32 $0x8;
	s2 =	simm.s32 $0x1CE0;
	s24 =	simm.s32 $0x42E0;
	v8 =	vld [tilespmem:s0+$0xFFFFFE40];
	v9 =	vadd.f32 v16, v63;
	[tilespmem:s19+$0xFFFFFEA0] =	vst v3;
	v14 =	vsel vm3, v58, v15;
	v15 =	vmul.f32 $1.442695020e+00, v7  }
.LBB2_5:
0x3a4: {  	v3 =	vld [tilespmem:s2+$0xFFFFFF90];
	[tilespmem:s19+$0xFFFFFF28] =	vst v14;
	s4 =	sadd.s32 $0x200, s4;
	vm4 =	vgt.f32 v7, $0.0e+00;
	v4 =	vadd.f32 v11, v13;
	v18 =	vmul.f32 $1.442695020e+00, v2;
	v13 =	vpop (erf)  }
0x3a5: {  	v14 =	vld [tilespmem:s4+$0xFFFFFF90];
	v16 =	vmul.f32 $1.442695020e+00, v9;
	vm2 =	vgt.f32 v9, $0.0e+00;
	(erf) = vpow2.f32 v15  }
0x3a6: {  	s22 =	sadd.s32 $0x200, s22;
	v15 =	vld [tilespmem:s4+$0xFFFFFE10];
	v17 =	vmul.f32 $1.442695020e+00, v4;
	vm3 =	vgt.f32 v4, $0.0e+00;
	(erf) = vpow2.f32 v18;
	v11 =	vpop (erf)  }
0x3a7: {  	v13 =	vadd.f32 $-1.000000000e+00, v13;
	v6 =	vadd.f32 v12, v6;
	v18 =	vld [tilespmem:s22+$0xFFFFFF90];
	v19 =	vpop (erf);
	(erf) = vpow2.f32 v16  }
0x3a8: {  	v11 =	vadd.f32 $-1.000000000e+00, v11;
	v12 =	vld [tilespmem:s2+$0xFFFFFE90];
	v16 =	vadd.f32 $-1.000000000e+00, v19;
	(erf) = vpow2.f32 v17  }
0x3a9: {  	vm5 =	vgt.f32 v5, $0.0e+00;
	v0 =	vsel vm0, v0, v13;
	v6 =	vadd.f32 v10, v6;
	v17 =	vld [tilespmem:s4+$0xFFFFFE90]  }
0x3aa: {  	v10 =	vld [tilespmem:s2+$0xFFFFFF10];
	v3 =	vadd.f32 v14, v3;
	v5 =	vsel vm5, v5, v16;
	[tilespmem:s14+$0xFFFFFE68] =	vst v0;
	v0 =	vsel vm1, v1, v11  }
0x3ab: {  	vm0 =	vgt.f32 v6, $0.0e+00;
	v1 =	vld [tilespmem:s4+$0xFFFFFF10];
	[tilespmem:s19+$0xFFFFFFC0] =	vst v5;
	v5 =	vmul.f32 $1.442695020e+00, v6  }
0x3ac: {  	s26 =	sadd.s32 $0x4, s26;
	v3 =	vadd.f32 v18, v3;
	v11 =	vld [tilespmem:s0+$0xFFFFFFD0];
	[tilespmem:s14+$0xFFFFFEF0] =	vst v0  }
0x3ad: {  	p0 =	slt.u32 s26, $0x24;
	v0 =	vld [tilespmem:s24+$0xFFFFFFD0];
	(erf) = vpow2.f32 v5  }
0x3ae: {  	v5 =	vld [tilespmem:s2+$0xFFFFFE10];
	v12 =	vadd.f32 v17, v12;
	v19 =	vmul.f32 $1.442695020e+00, v3;
	v14 =	vpop (erf)  }
0x3af: {  	v16 =	vld [tilespmem:s21+$0xFFFFFFD0];
	v20 =	vadd.f32 $-1.000000000e+00, v14;
	v17 =	vpop (erf)  }
0x3b0: {  	v18 =	vld [tilespmem:s22+$0xFFFFFE10];
	v1 =	vadd.f32 v1, v10;
	(erf) = vpow2.f32 v19;
	v10 =	vadd.f32 $-1.000000000e+00, v17;
	v13 =	vpop (erf)  }
0x3b1: {  	vm1 =	vgt.f32 v2, $0.0e+00;
	v17 =	vld [tilespmem:s22+$0xFFFFFE90];
	v7 =	vsel vm4, v7, v20;
	v13 =	vadd.f32 $-1.000000000e+00, v13;
	v14 =	vpop (erf)  }
0x3b2: {  	v19 =	vld [tilespmem:s22+$0xFFFFFF10];
	v0 =	vadd.f32 v0, v11;
	[tilespmem:s11+$0xFFFFFE48] =	vst v7;
	v7 =	vadd.f32 $-1.000000000e+00, v14;
	v2 =	vsel vm1, v2, v10  }
0x3b3: {  	v5 =	vadd.f32 v15, v5;
	v10 =	vld [tilespmem:s24+$0xFFFFFE40];
	v9 =	vsel vm2, v9, v13;
	[tilespmem:s11+$0x0] =	vst v2  }
0x3b4: {  	v2 =	vld [tilespmem:s0+$0xFFFFFEC0];
	v0 =	vadd.f32 v16, v0;
	[tilespmem:s11+$0xFFFFFED0] =	vst v9;
	v4 =	vsel vm3, v4, v7  }
0x3b5: {  	v5 =	vadd.f32 v18, v5;
	v7 =	vld [tilespmem:s24+$0xFFFFFEC0];
	[tilespmem:s11+$0xFFFFFF58] =	vst v4  }
0x3b6: {  	v4 =	vadd.f32 v17, v12;
	v9 =	vld [tilespmem:s0+$0xFFFFFF40];
	v11 =	vmul.f32 $1.442695020e+00, v0;
	v12 =	vpop (erf)  }
0x3b7: {  	v17 =	vmul.f32 $1.442695020e+00, v5;
	vm3 =	vgt.f32 v5, $0.0e+00;
	v1 =	vadd.f32 v19, v1;
	v14 =	vld [tilespmem:s24+$0xFFFFFF40]  }
0x3b8: {  	v15 =	vmul.f32 $1.442695020e+00, v4;
	vm1 =	vgt.f32 v4, $0.0e+00;
	v16 =	vld [tilespmem:s21+$0xFFFFFE40];
	(erf) = vpow2.f32 v11  }
0x3b9: {  	v11 =	vmul.f32 $1.442695020e+00, v1;
	vm2 =	vgt.f32 v1, $0.0e+00;
	(erf) = vpow2.f32 v17;
	v13 =	vpop (erf);
	v17 =	vld [tilespmem:s21+$0xFFFFFEC0]  }
0x3ba: {  	v8 =	vadd.f32 v10, v8;
	v13 =	vadd.f32 $-1.000000000e+00, v13;
	(erf) = vpow2.f32 v15;
	v10 =	vld [tilespmem:s21+$0xFFFFFF40]  }
0x3bb: {  	vm4 =	vgt.f32 v3, $0.0e+00;
	v2 =	vadd.f32 v7, v2;
	(erf) = vpow2.f32 v11;
	v7 =	vld [tilespmem:s17+$0xFFFFFE70]  }
0x3bc: {  	s19 =	sadd.s32 $0x220, s19;
	v12 =	vadd.f32 $-1.000000000e+00, v12;
	v3 =	vsel vm4, v3, v13;
	v9 =	vadd.f32 v14, v9;
	v11 =	vld [tilespmem:s15+$0xFFFFFE70]  }
0x3bd: {  	[tilespmem:s19+$0xFFFFFF90] =	vst v3;
	v3 =	vadd.f32 v16, v8;
	v8 =	vld [tilespmem:s17+$0xFFFFFEF0]  }
0x3be: {  	v6 =	vsel vm0, v6, v12;
	v13 =	vld [tilespmem:s2+$0xFFFFFFA0];
	v2 =	vadd.f32 v17, v2  }
0x3bf: {  	v12 =	vld [tilespmem:s4+$0xFFFFFFA0];
	v18 =	vmul.f32 $1.442695020e+00, v3;
	vm4 =	vgt.f32 v3, $0.0e+00;
	v9 =	vadd.f32 v10, v9;
	[tilespmem:s14+$0xFFFFFF78] =	vst v6;
	s14 =	smov.u32 s11;
	s11 =	smov.u32 s23;
	s23 =	smov.u32 s19  }
0x3c0: {  	v6 =	vmul.f32 $1.442695020e+00, v2;
	vm6 =	vgt.f32 v2, $0.0e+00;
	v10 =	vld [tilespmem:s15+$0xFFFFFEF0]  }
0x3c1: {  	v15 =	vld [tilespmem:s22+$0xFFFFFFA0];
	v16 =	vmul.f32 $1.442695020e+00, v9;
	vm5 =	vgt.f32 v9, $0.0e+00;
	(erf) = vpow2.f32 v18;
	v14 =	vpop (erf)  }
0x3c2: {  	v17 =	vpop (erf);
	v14 =	vadd.f32 $-1.000000000e+00, v14;
	(erf) = vpow2.f32 v6;
	v6 =	vadd.f32 v11, v7;
	v7 =	vld [tilespmem:s17+$0xFFFFFF70]  }
0x3c3: {  	vm0 =	vgt.f32 v0, $0.0e+00;
	v11 =	vadd.f32 $-1.000000000e+00, v17;
	v17 =	vpop (erf);
	(erf) = vpow2.f32 v16;
	v16 =	vld [tilespmem:s15+$0xFFFFFF70]  }
0x3c4: {  	v17 =	vadd.f32 $-1.000000000e+00, v17;
	v12 =	vadd.f32 v12, v13;
	v13 =	vpop (erf);
	v0 =	vsel vm0, v0, v14;
	v14 =	vld [tilespmem:s20+$0xFFFFFE70]  }
0x3c5: {  	v5 =	vsel vm3, v5, v11;
	v11 =	vadd.f32 $-1.000000000e+00, v13;
	[tilespmem:s11+$0xFFFFFFD0] =	vst v0;
	v8 =	vadd.f32 v10, v8;
	v10 =	vld [tilespmem:s20+$0xFFFFFEF0]  }
0x3c6: {  	[tilespmem:s19+$0xFFFFFDF8] =	vst v5;
	v0 =	vsel vm1, v4, v17;
	v4 =	vadd.f32 v15, v12;
	v5 =	vld [tilespmem:s0+$0xFFFFFFE0]  }
0x3c7: {  	[tilespmem:s19+$0xFFFFFE80] =	vst v0;
	v0 =	vsel vm2, v1, v11;
	v1 =	vld [tilespmem:s24+$0xFFFFFFE0]  }
0x3c8: {  	v11 =	vld [tilespmem:s2+$0xFFFFFE20];
	[tilespmem:s19+$0xFFFFFF08] =	vst v0;
	v15 =	vmul.f32 $1.442695020e+00, v4;
	v0 =	vadd.f32 v16, v7  }
0x3c9: {  	v7 =	vld [tilespmem:s21+$0xFFFFFFE0];
	v6 =	vadd.f32 v14, v6  }
0x3ca: {  	v13 =	vld [tilespmem:s4+$0xFFFFFE20];
	(erf) = vpow2.f32 v15;
	v12 =	vpop (erf);
	v8 =	vadd.f32 v10, v8  }
0x3cb: {  	v10 =	vld [tilespmem:s2+$0xFFFFFEA0];
	v12 =	vadd.f32 $-1.000000000e+00, v12;
	v14 =	vpop (erf);
	v15 =	vmul.f32 $1.442695020e+00, v6;
	vm0 =	vgt.f32 v6, $0.0e+00  }
0x3cc: {  	v16 =	vld [tilespmem:s4+$0xFFFFFEA0];
	v14 =	vadd.f32 $-1.000000000e+00, v14;
	v1 =	vadd.f32 v1, v5;
	v5 =	vpop (erf);
	v17 =	vmul.f32 $1.442695020e+00, v8  }
0x3cd: {  	v18 =	vld [tilespmem:s2+$0xFFFFFF20];
	v3 =	vsel vm4, v3, v12;
	v5 =	vadd.f32 $-1.000000000e+00, v5;
	(erf) = vpow2.f32 v15  }
0x3ce: {  	v12 =	vld [tilespmem:s4+$0xFFFFFF20];
	[tilespmem:s11+$0xFFFFFE28] =	vst v3;
	v2 =	vsel vm6, v2, v14;
	v1 =	vadd.f32 v7, v1;
	(erf) = vpow2.f32 v17  }
0x3cf: {  	vm2 =	vgt.f32 v8, $0.0e+00;
	v3 =	vadd.f32 v13, v11;
	v7 =	vld [tilespmem:s22+$0xFFFFFE20];
	[tilespmem:s11+$0xFFFFFEB0] =	vst v2;
	v2 =	vsel vm5, v9, v5  }
0x3d0: {  	v5 =	vld [tilespmem:s22+$0xFFFFFEA0];
	[tilespmem:s11+$0xFFFFFF38] =	vst v2;
	v2 =	vmul.f32 $1.442695020e+00, v1  }
0x3d1: {  	v9 =	vadd.f32 v16, v10;
	v10 =	vld [tilespmem:s22+$0xFFFFFF20]  }
0x3d2: {  	v11 =	vld [tilespmem:s0+$0xFFFFFE50];
	(erf) = vpow2.f32 v2  }
0x3d3: {  	v2 =	vadd.f32 v12, v18;
	v12 =	vpop (erf);
	v13 =	vld [tilespmem:s24+$0xFFFFFE50]  }
0x3d4: {  	v3 =	vadd.f32 v7, v3;
	v7 =	vadd.f32 $-1.000000000e+00, v12;
	v12 =	vld [tilespmem:s0+$0xFFFFFED0]  }
0x3d5: {  	vm1 =	vgt.f32 v4, $0.0e+00;
	v5 =	vadd.f32 v5, v9;
	v9 =	vld [tilespmem:s24+$0xFFFFFED0]  }
0x3d6: {  	v14 =	vmul.f32 $1.442695020e+00, v3;
	v2 =	vadd.f32 v10, v2;
	v4 =	vsel vm1, v4, v7;
	v7 =	vld [tilespmem:s0+$0xFFFFFF50];
	v10 =	vpop (erf)  }
0x3d7: {  	vm4 =	vgt.f32 v3, $0.0e+00;
	v15 =	vmul.f32 $1.442695020e+00, v5;
	vm3 =	vgt.f32 v5, $0.0e+00;
	[tilespmem:s19+$0xFFFFFFA0] =	vst v4;
	v4 =	vld [tilespmem:s24+$0xFFFFFF50];
	v16 =	vpop (erf)  }
0x3d8: {  	v17 =	vmul.f32 $1.442695020e+00, v2;
	vm1 =	vgt.f32 v2, $0.0e+00;
	v18 =	vld [tilespmem:s2+$0xFFFFFFB0];
	(erf) = vpow2.f32 v14  }
0x3d9: {  	v10 =	vadd.f32 $-1.000000000e+00, v10;
	v11 =	vadd.f32 v13, v11;
	v14 =	vld [tilespmem:s4+$0xFFFFFFB0];
	(erf) = vpow2.f32 v15  }
0x3da: {  	(erf) = vpow2.f32 v17;
	v13 =	vld [tilespmem:s21+$0xFFFFFE50];
	v9 =	vadd.f32 v9, v12;
	v12 =	vadd.f32 $-1.000000000e+00, v16  }
0x3db: {  	v6 =	vsel vm0, v6, v10;
	v15 =	vld [tilespmem:s22+$0xFFFFFFB0];
	v16 =	vpop (erf)  }
0x3dc: {  	v10 =	vld [tilespmem:s21+$0xFFFFFED0];
	v4 =	vadd.f32 v4, v7;
	v7 =	vadd.f32 $-1.000000000e+00, v16;
	[tilespmem:s14+$0xFFFFFE58] =	vst v6;
	v6 =	vsel vm2, v8, v12  }
0x3dd: {  	vm0 =	vgt.f32 v1, $0.0e+00;
	v8 =	vld [tilespmem:s21+$0xFFFFFF50];
	[tilespmem:s14+$0xFFFFFEE0] =	vst v6  }
0x3de: {  	v6 =	vadd.f32 v14, v18;
	v1 =	vsel vm0, v1, v7;
	v7 =	vld [tilespmem:s20+$0xFFFFFF70]  }
0x3df: {  	v11 =	vadd.f32 v13, v11;
	[tilespmem:s11+$0xFFFFFFE0] =	vst v1;
	v1 =	vld [tilespmem:s17+$0xFFFFFE80]  }
0x3e0: {  	v6 =	vadd.f32 v15, v6;
	v12 =	vld [tilespmem:s0+$0xFFFFFFF0]  }
0x3e1: {  	v13 =	vpop (erf);
	v14 =	vmul.f32 $1.442695020e+00, v11;
	vm2 =	vgt.f32 v11, $0.0e+00;
	v9 =	vadd.f32 v10, v9;
	v10 =	vld [tilespmem:s24+$0xFFFFFFF0]  }
0x3e2: {  	v13 =	vadd.f32 $-1.000000000e+00, v13;
	v15 =	vmul.f32 $1.442695020e+00, v6;
	v16 =	vpop (erf);
	v4 =	vadd.f32 v8, v4;
	v8 =	vld [tilespmem:s15+$0xFFFFFE80]  }
0x3e3: {  	v16 =	vadd.f32 $-1.000000000e+00, v16;
	v17 =	vpop (erf);
	v18 =	vmul.f32 $1.442695020e+00, v9;
	v19 =	vld [tilespmem:s21+$0xFFFFFFF0];
	(erf) = vpow2.f32 v14  }
0x3e4: {  	v3 =	vsel vm4, v3, v13;
	v13 =	vadd.f32 $-1.000000000e+00, v17;
	(erf) = vpow2.f32 v15;
	v14 =	vld [tilespmem:s17+$0xFFFFFF00]  }
0x3e5: {  	[tilespmem:s19+$0xFFFFFE08] =	vst v3;
	v3 =	vsel vm3, v5, v16;
	v5 =	vmul.f32 $1.442695020e+00, v4;
	(erf) = vpow2.f32 v18;
	v15 =	vld [tilespmem:s15+$0xFFFFFF00]  }
0x3e6: {  	vm3 =	vgt.f32 v9, $0.0e+00;
	v16 =	vld [tilespmem:s2+$0xFFFFFE30];
	[tilespmem:s19+$0xFFFFFE90] =	vst v3;
	v2 =	vsel vm1, v2, v13;
	v3 =	vadd.f32 v10, v12  }
0x3e7: {  	vm1 =	vgt.f32 v4, $0.0e+00;
	v10 =	vld [tilespmem:s4+$0xFFFFFE30];
	[tilespmem:s19+$0xFFFFFF18] =	vst v2;
	(erf) = vpow2.f32 v5;
	v2 =	vadd.f32 v7, v0  }
0x3e8: {  	v1 =	vadd.f32 v8, v1;
	v0 =	vld [tilespmem:s2+$0xFFFFFEB0];
	v3 =	vadd.f32 v19, v3  }
0x3e9: {  	v5 =	vld [tilespmem:s4+$0xFFFFFEB0];
	v7 =	vmul.f32 $1.442695020e+00, v2;
	vm0 =	vgt.f32 v2, $0.0e+00  }
0x3ea: {  	v8 =	vld [tilespmem:s2+$0xFFFFFF30];
	v12 =	vmul.f32 $1.442695020e+00, v3;
	v13 =	vadd.f32 v15, v14  }
0x3eb: {  	v14 =	vld [tilespmem:s4+$0xFFFFFF30];
	(erf) = vpow2.f32 v7  }
0x3ec: {  	v7 =	vadd.f32 v10, v16;
	v10 =	vld [tilespmem:s22+$0xFFFFFE30];
	v15 =	vpop (erf);
	(erf) = vpow2.f32 v12  }
0x3ed: {  	v12 =	vld [tilespmem:s22+$0xFFFFFEB0];
	v16 =	vpop (erf);
	v15 =	vadd.f32 $-1.000000000e+00, v15  }
0x3ee: {  	v0 =	vadd.f32 v5, v0;
	v5 =	vld [tilespmem:s22+$0xFFFFFF30];
	v16 =	vadd.f32 $-1.000000000e+00, v16;
	v17 =	vpop (erf)  }
0x3ef: {  	vm4 =	vgt.f32 v6, $0.0e+00;
	v18 =	vsel vm2, v11, v15;
	v15 =	vadd.f32 $-1.000000000e+00, v17;
	v17 =	vld [tilespmem:s20+$0xFFFFFE80]  }
0x3f0: {  	v8 =	vadd.f32 v14, v8;
	v6 =	vsel vm4, v6, v16;
	[tilespmem:s11+$0xFFFFFE38] =	vst v18;
	v11 =	vpop (erf);
	v14 =	vld [tilespmem:s20+$0xFFFFFF00]  }
0x3f1: {  	v7 =	vadd.f32 v10, v7;
	[tilespmem:s19+$0xFFFFFFB0] =	vst v6;
	v6 =	vld [tilespmem:s0+$0xFFFFFE60];
	v9 =	vsel vm3, v9, v15;
	v16 =	vadd.f32 $-1.000000000e+00, v11  }
0x3f2: {  	v15 =	vadd.f32 v12, v0;
	v11 =	vld [tilespmem:s2+$0xFFFFFFC0];
	[tilespmem:s11+$0xFFFFFEC0] =	vst v9  }
0x3f3: {  	v19 =	vmul.f32 $1.442695020e+00, v7;
	vm4 =	vgt.f32 v7, $0.0e+00;
	v9 =	vadd.f32 v5, v8;
	v5 =	vld [tilespmem:s4+$0xFFFFFFC0]  }
0x3f4: {  	v4 =	vsel vm1, v4, v16;
	v8 =	vmul.f32 $1.442695020e+00, v15;
	vm3 =	vgt.f32 v15, $0.0e+00;
	v12 =	vld [tilespmem:s24+$0xFFFFFE60];
	v10 =	vpop (erf)  }
0x3f5: {  	v16 =	vmul.f32 $1.442695020e+00, v9;
	vm2 =	vgt.f32 v9, $0.0e+00;
	v18 =	vld [tilespmem:s22+$0xFFFFFFC0];
	(erf) = vpow2.f32 v19;
	[tilespmem:s11+$0xFFFFFF48] =	vst v4;
	v0 =	vpop (erf)  }
0x3f6: {  	v10 =	vadd.f32 $-1.000000000e+00, v10;
	(erf) = vpow2.f32 v8;
	v4 =	vld [tilespmem:s0+$0xFFFFFEE0];
	v8 =	vadd.f32 $-1.000000000e+00, v0  }
0x3f7: {  	vm1 =	vgt.f32 v3, $0.0e+00;
	v0 =	vadd.f32 v17, v1;
	(erf) = vpow2.f32 v16;
	v16 =	vld [tilespmem:s24+$0xFFFFFEE0]  }
0x3f8: {  	v2 =	vsel vm0, v2, v10;
	v5 =	vadd.f32 v5, v11;
	v11 =	vld [tilespmem:s0+$0xFFFFFF60];
	v1 =	vsel vm1, v3, v8  }
0x3f9: {  	v8 =	vmul.f32 $1.442695020e+00, v0;
	v3 =	vadd.f32 v12, v6;
	v6 =	vld [tilespmem:s24+$0xFFFFFF60];
	[tilespmem:s11+$0xFFFFFFF0] =	vst v1;
	v1 =	vadd.f32 v14, v13  }
0x3fa: {  	vm0 =	vgt.f32 v0, $0.0e+00;
	v5 =	vadd.f32 v18, v5;
	v10 =	vld [tilespmem:s0+$0x0];
	[tilespmem:s14+$0xFFFFFF68] =	vst v2  }
0x3fb: {  	v2 =	vld [tilespmem:s24+$0x0];
	v13 =	vmul.f32 $1.442695020e+00, v1;
	vm1 =	vgt.f32 v1, $0.0e+00;
	(erf) = vpow2.f32 v8  }
0x3fc: {  	v8 =	vmul.f32 $1.442695020e+00, v5;
	v14 =	vld [tilespmem:s21+$0xFFFFFE60];
	v4 =	vadd.f32 v16, v4  }
0x3fd: {  	v16 =	vld [tilespmem:s21+$0x0];
	(erf) = vpow2.f32 v13  }
0x3fe: {  	v12 =	vpop (erf);
	(erf) = vpow2.f32 v8;
	v17 =	vld [tilespmem:s21+$0xFFFFFEE0];
	v13 =	vadd.f32 v6, v11  }
.Ltmp1:
0x3ff: {  	v8 =	vadd.f32 $-1.000000000e+00, v12;
	v6 =	vpop (erf);
	v11 =	vld [tilespmem:s21+$0xFFFFFF60];
	(pc) =	sbr.rel @p0 .LBB2_5-.Ltmp1, $4  }
0x400: {  	v18 =	vadd.f32 $-1.000000000e+00, v6;
	v12 =	vpop (erf);
	v2 =	vadd.f32 v2, v10;
	v6 =	vld [tilespmem:s17+$0xFFFFFF80];
	s17 =	smov.u32 s0;
	s0 =	smov.u32 s2  }
0x401: {  	v8 =	vsel vm4, v7, v8;
	v19 =	vadd.f32 $-1.000000000e+00, v12;
	v7 =	vadd.f32 v14, v3;
	v12 =	vld [tilespmem:s15+$0xFFFFFF80];
	s15 =	smov.u32 s24;
	s24 =	smov.u32 s4  }
0x402: {  	[tilespmem:s19+$0xFFFFFE18] =	vst v8;
	v3 =	vsel vm3, v15, v18;
	v2 =	vadd.f32 v16, v2;
	v10 =	vld [tilespmem:s20+$0xFFFFFF80];
	s20 =	smov.u32 s21;
	s21 =	smov.u32 s22  }
0x403: {  	s2 =	sadd.s32 $0x200, s2;
	v8 =	vld [tilespmem:s0+$0xFFFFFE40];
	[tilespmem:s19+$0xFFFFFEA0] =	vst v3;
	v14 =	vsel vm2, v9, v19;
	v15 =	vmul.f32 $1.442695020e+00, v7;
	v9 =	vadd.f32 v17, v4  }
0x404: {  	_ = 	snop  }
0x405: {  	v3 =	vpop (erf)  }
0x406: {  	v4 =	vpop (erf)  }
0x407: {  	v16 =	vpop (erf)  }
0x408: {  	v16 =	vadd.f32 $-1.000000000e+00, v16  }
0x409: {  	vm2 =	vgt.f32 v5, $0.0e+00  }
0x40a: {  	v5 =	vsel vm2, v5, v16  }
0x40b: {  	[tilespmem:s19+$0xFFFFFFC0] =	vst v5  }
0x40c: {  	v5 =	vld [tilespmem:s0+$0xFFFFFFD0]  }
0x40d: {  	v29 =	vld [tilespmem:s24+$0xFFFFFFD0];
	_ =	sdelay $0x1  }
0x40e: {  	v17 =	vld [tilespmem:s21+$0xFFFFFFD0];
	_ =	sdelay $0x1  }
0x40f: {  	(erf) = vpow2.f32 v15;
	v6 =	vadd.f32 v12, v6  }
0x410: {  	v11 =	vadd.f32 v11, v13;
	v30 =	vmul.f32 $1.442695020e+00, v2;
	v31 =	vadd.f32 v29, v5  }
0x411: {  	v32 =	vmul.f32 $1.442695020e+00, v9;
	v5 =	vadd.f32 v10, v6  }
0x412: {  	v33 =	vmul.f32 $1.442695020e+00, v11;
	(erf) = vpow2.f32 v30;
	v34 =	vadd.f32 v17, v31  }
0x413: {  	(erf) = vpow2.f32 v32;
	v35 =	vmul.f32 $1.442695020e+00, v5  }
0x414: {  	(erf) = vpow2.f32 v33;
	v36 =	vmul.f32 $1.442695020e+00, v34  }
0x415: {  	(erf) = vpow2.f32 v35  }
0x416: {  	(erf) = vpow2.f32 v36  }
0x417: {  	v37 =	vld [tilespmem:s24+$0xFFFFFE40]  }
0x418: {  	v38 =	vld [tilespmem:s0+$0xFFFFFEC0];
	v40 =	vpop (erf)  }
0x419: {  	v39 =	vld [tilespmem:s24+$0xFFFFFEC0];
	v42 =	vadd.f32 $-1.000000000e+00, v40  }
0x41a: {  	vm10 =	vgt.f32 v7, $0.0e+00;
	v19 =	vld [tilespmem:s21+$0xFFFFFE40]  }
0x41b: {  	[tilespmem:s19+$0xFFFFFF28] =	vst v14;
	v20 =	vld [tilespmem:s21+$0xFFFFFEC0];
	v6 =	vpop (erf);
	v7 =	vsel vm10, v7, v42  }
0x41c: {  	v41 =	vld [tilespmem:s0+$0xFFFFFF40];
	v18 =	vpop (erf)  }
0x41d: {  	v43 =	vld [tilespmem:s24+$0xFFFFFF40];
	v45 =	vpop (erf)  }
0x41e: {  	v21 =	vld [tilespmem:s21+$0xFFFFFF40];
	[tilespmem:s11+$0xFFFFFE48] =	vst v7;
	v44 =	vadd.f32 $-1.000000000e+00, v18;
	v7 =	vpop (erf)  }
0x41f: {  	vm11 =	vgt.f32 v9, $0.0e+00;
	v46 =	vld [tilespmem:s17+$0xFFFFFE70];
	v22 =	vpop (erf)  }
0x420: {  	v47 =	vld [tilespmem:s15+$0xFFFFFE70];
	v9 =	vsel vm11, v9, v44;
	v22 =	vadd.f32 $-1.000000000e+00, v22  }
0x421: {  	v8 =	vadd.f32 v37, v8;
	v49 =	vld [tilespmem:s20+$0xFFFFFE70];
	vm12 =	vgt.f32 v34, $0.0e+00;
	[tilespmem:s11+$0xFFFFFED0] =	vst v9  }
0x422: {  	v48 =	vld [tilespmem:s17+$0xFFFFFEF0];
	v10 =	vsel vm12, v34, v22  }
0x423: {  	v8 =	vadd.f32 v19, v8;
	v23 =	vld [tilespmem:s15+$0xFFFFFEF0];
	[tilespmem:s23+$0xFFFFFFD0] =	vst v10  }
0x424: {  	v13 =	vadd.f32 v39, v38;
	v10 =	vld [tilespmem:s0+$0xFFFFFFE0]  }
0x425: {  	v50 =	vmul.f32 $1.442695020e+00, v8;
	v51 =	vld [tilespmem:s24+$0xFFFFFFE0]  }
0x426: {  	v13 =	vadd.f32 v20, v13;
	v52 =	vld [tilespmem:s20+$0xFFFFFEF0]  }
0x427: {  	v15 =	vadd.f32 v43, v41;
	(erf) = vpow2.f32 v50;
	v54 =	vld [tilespmem:s21+$0xFFFFFFE0]  }
0x428: {  	v53 =	vmul.f32 $1.442695020e+00, v13;
	v9 =	vadd.f32 v47, v46  }
0x429: {  	v15 =	vadd.f32 v21, v15;
	v12 =	vadd.f32 v23, v48  }
0x42a: {  	v9 =	vadd.f32 v49, v9;
	(erf) = vpow2.f32 v53;
	v10 =	vadd.f32 v51, v10  }
0x42b: {  	v55 =	vmul.f32 $1.442695020e+00, v15;
	v12 =	vadd.f32 v52, v12  }
0x42c: {  	v14 =	vmul.f32 $1.442695020e+00, v9;
	v10 =	vadd.f32 v54, v10  }
0x42d: {  	v56 =	vmul.f32 $1.442695020e+00, v12;
	(erf) = vpow2.f32 v55  }
0x42e: {  	(erf) = vpow2.f32 v14;
	v57 =	vmul.f32 $1.442695020e+00, v10  }
0x42f: {  	v58 =	vadd.f32 $-1.000000000e+00, v45;
	(erf) = vpow2.f32 v56  }
0x430: {  	vm13 =	vgt.f32 v11, $0.0e+00;
	v59 =	vpop (erf);
	(erf) = vpow2.f32 v57  }
0x431: {  	v11 =	vsel vm13, v11, v58;
	v60 =	vadd.f32 $-1.000000000e+00, v59  }
0x432: {  	vm14 =	vgt.f32 v8, $0.0e+00;
	[tilespmem:s11+$0xFFFFFF58] =	vst v11  }
0x433: {  	v62 =	vld [tilespmem:s17+$0xFFFFFF70];
	v61 =	vpop (erf);
	v8 =	vsel vm14, v8, v60  }
0x434: {  	v63 =	vld [tilespmem:s15+$0xFFFFFF70];
	v11 =	vadd.f32 $-1.000000000e+00, v61;
	[tilespmem:s23+$0xFFFFFE28] =	vst v8  }
0x435: {  	vm15 =	vgt.f32 v13, $0.0e+00;
	v28 =	vld [tilespmem:s0+$0xFFFFFE50]  }
0x436: {  	v26 =	vpop (erf);
	v11 =	vsel vm15, v13, v11;
	v29 =	vld [tilespmem:s24+$0xFFFFFE50]  }
0x437: {  	v27 =	vadd.f32 $-1.000000000e+00, v26;
	v31 =	vpop (erf);
	[tilespmem:s23+$0xFFFFFEB0] =	vst v11;
	v37 =	vld [tilespmem:s21+$0xFFFFFE50]  }
0x438: {  	vm4 =	vgt.f32 v15, $0.0e+00;
	v33 =	vpop (erf);
	v30 =	vld [tilespmem:s0+$0xFFFFFED0]  }
0x439: {  	v8 =	vsel vm4, v15, v27;
	v32 =	vld [tilespmem:s24+$0xFFFFFED0];
	v35 =	vpop (erf)  }
0x43a: {  	[tilespmem:s23+$0xFFFFFF38] =	vst v8;
	v38 =	vld [tilespmem:s21+$0xFFFFFED0];
	v20 =	vadd.f32 $-1.000000000e+00, v35  }
0x43b: {  	vm5 =	vgt.f32 v10, $0.0e+00;
	v34 =	vld [tilespmem:s0+$0xFFFFFF50]  }
0x43c: {  	v36 =	vld [tilespmem:s24+$0xFFFFFF50];
	v10 =	vsel vm5, v10, v20  }
0x43d: {  	v39 =	vld [tilespmem:s21+$0xFFFFFF50];
	[tilespmem:s23+$0xFFFFFFE0] =	vst v10  }
0x43e: {  	v10 =	vld [tilespmem:s0+$0xFFFFFFF0]  }
0x43f: {  	v11 =	vadd.f32 v29, v28;
	v40 =	vld [tilespmem:s24+$0xFFFFFFF0]  }
0x440: {  	v24 =	vld [tilespmem:s20+$0xFFFFFF70]  }
0x441: {  	v8 =	vadd.f32 v32, v30;
	v11 =	vadd.f32 v37, v11;
	v41 =	vld [tilespmem:s21+$0xFFFFFFF0]  }
0x442: {  	v19 =	vadd.f32 v36, v34  }
0x443: {  	v14 =	vadd.f32 v63, v62;
	v8 =	vadd.f32 v38, v8;
	v42 =	vmul.f32 $1.442695020e+00, v11  }
0x444: {  	v19 =	vadd.f32 v39, v19;
	v10 =	vadd.f32 v40, v10  }
0x445: {  	v14 =	vadd.f32 v24, v14;
	v43 =	vmul.f32 $1.442695020e+00, v8;
	(erf) = vpow2.f32 v42  }
0x446: {  	v44 =	vmul.f32 $1.442695020e+00, v19;
	v10 =	vadd.f32 v41, v10  }
0x447: {  	v45 =	vmul.f32 $1.442695020e+00, v14;
	(erf) = vpow2.f32 v43  }
0x448: {  	(erf) = vpow2.f32 v44;
	v15 =	vmul.f32 $1.442695020e+00, v10  }
0x449: {  	v46 =	vadd.f32 $-1.000000000e+00, v31;
	(erf) = vpow2.f32 v45  }
0x44a: {  	vm6 =	vgt.f32 v9, $0.0e+00;
	(erf) = vpow2.f32 v15  }
0x44b: {  	v9 =	vsel vm6, v9, v46  }
0x44c: {  	v47 =	vadd.f32 $-1.000000000e+00, v33;
	[tilespmem:s11+$0xFFFFFE58] =	vst v9  }
0x44d: {  	vm7 =	vgt.f32 v12, $0.0e+00;
	v49 =	vld [tilespmem:s17+$0xFFFFFE80]  }
0x44e: {  	v48 =	vsel vm7, v12, v47;
	v50 =	vld [tilespmem:s15+$0xFFFFFE80];
	v51 =	vpop (erf)  }
0x44f: {  	[tilespmem:s11+$0xFFFFFEE0] =	vst v48;
	v56 =	vld [tilespmem:s20+$0xFFFFFE80];
	v13 =	vadd.f32 $-1.000000000e+00, v51  }
0x450: {  	v52 =	vld [tilespmem:s17+$0xFFFFFF00];
	vm8 =	vgt.f32 v11, $0.0e+00;
	v54 =	vpop (erf)  }
0x451: {  	v53 =	vld [tilespmem:s15+$0xFFFFFF00];
	v57 =	vpop (erf);
	v11 =	vsel vm8, v11, v13  }
0x452: {  	v58 =	vld [tilespmem:s20+$0xFFFFFF00];
	v55 =	vadd.f32 $-1.000000000e+00, v54;
	v59 =	vpop (erf);
	[tilespmem:s23+$0xFFFFFE38] =	vst v11  }
0x453: {  	vm9 =	vgt.f32 v8, $0.0e+00;
	v60 =	vld [tilespmem:s0+$0xFFFFFE60];
	v62 =	vpop (erf)  }
0x454: {  	v8 =	vsel vm9, v8, v55;
	v63 =	vld [tilespmem:s24+$0xFFFFFE60];
	v27 =	vadd.f32 $-1.000000000e+00, v62  }
0x455: {  	[tilespmem:s23+$0xFFFFFEC0] =	vst v8;
	vm11 =	vgt.f32 v10, $0.0e+00;
	v33 =	vld [tilespmem:s21+$0xFFFFFE60]  }
0x456: {  	v28 =	vld [tilespmem:s0+$0xFFFFFEE0];
	v8 =	vsel vm11, v10, v27  }
0x457: {  	v29 =	vld [tilespmem:s24+$0xFFFFFEE0];
	[tilespmem:s23+$0xFFFFFFF0] =	vst v8  }
0x458: {  	v61 =	vadd.f32 $-1.000000000e+00, v57;
	v31 =	vld [tilespmem:s0+$0x0]  }
0x459: {  	vm10 =	vgt.f32 v19, $0.0e+00;
	v32 =	vld [tilespmem:s24+$0x0]  }
0x45a: {  	v34 =	vadd.f32 v50, v49;
	v13 =	vsel vm10, v19, v61;
	v37 =	vld [tilespmem:s21+$0xFFFFFEE0]  }
0x45b: {  	v36 =	vadd.f32 v53, v52;
	[tilespmem:s23+$0xFFFFFF48] =	vst v13;
	v35 =	vld [tilespmem:s21+$0x0]  }
0x45c: {  	v30 =	vld [tilespmem:s0+$0xFFFFFF60];
	v38 =	vadd.f32 v63, v60;
	v8 =	vadd.f32 v56, v34  }
0x45d: {  	v9 =	vadd.f32 v58, v36;
	v39 =	vld [tilespmem:s24+$0xFFFFFF60]  }
0x45e: {  	v16 =	vadd.f32 v33, v38;
	v41 =	vmul.f32 $1.442695020e+00, v8;
	v40 =	vadd.f32 v32, v31  }
0x45f: {  	v43 =	vmul.f32 $1.442695020e+00, v9;
	v42 =	vld [tilespmem:s21+$0xFFFFFF60];
	v13 =	vadd.f32 v29, v28  }
0x460: {  	v44 =	vmul.f32 $1.442695020e+00, v16;
	(erf) = vpow2.f32 v41;
	v11 =	vadd.f32 v35, v40  }
0x461: {  	v13 =	vadd.f32 v37, v13;
	(erf) = vpow2.f32 v43  }
0x462: {  	v10 =	vadd.f32 v39, v30;
	(erf) = vpow2.f32 v44;
	v45 =	vmul.f32 $1.442695020e+00, v11  }
0x463: {  	v46 =	vmul.f32 $1.442695020e+00, v13  }
0x464: {  	v10 =	vadd.f32 v42, v10;
	(erf) = vpow2.f32 v45  }
0x465: {  	(erf) = vpow2.f32 v46  }
0x466: {  	v47 =	vmul.f32 $1.442695020e+00, v10;
	_ =	sdelay $0x1  }
0x467: {  	(erf) = vpow2.f32 v47  }
0x468: {  	v48 =	vadd.f32 $-1.000000000e+00, v59;
	v12 =	vpop (erf)  }
0x469: {  	vm12 =	vgt.f32 v14, $0.0e+00;
	v17 =	vpop (erf)  }
0x46a: {  	v14 =	vsel vm12, v14, v48;
	v49 =	vpop (erf)  }
0x46b: {  	[tilespmem:s11+$0xFFFFFF68] =	vst v14;
	v50 =	vadd.f32 $-1.000000000e+00, v49  }
0x46c: {  	v51 =	vld [tilespmem:s17+$0xFFFFFF80];
	vm13 =	vgt.f32 v16, $0.0e+00;
	v15 =	vpop (erf)  }
0x46d: {  	v53 =	vld [tilespmem:s15+$0xFFFFFF80];
	v14 =	vsel vm13, v16, v50;
	v52 =	vpop (erf)  }
0x46e: {  	v55 =	vld [tilespmem:s20+$0xFFFFFF80];
	[tilespmem:s23+$0xFFFFFE48] =	vst v14;
	v54 =	vadd.f32 $-1.000000000e+00, v52  }
0x46f: {  	vm14 =	vgt.f32 v13, $0.0e+00;
	v57 =	vld [tilespmem:s0+$0xFFFFFE70]  }
0x470: {  	v58 =	vld [tilespmem:s24+$0xFFFFFE70];
	v56 =	vpop (erf);
	v13 =	vsel vm14, v13, v54  }
0x471: {  	v61 =	vld [tilespmem:s21+$0xFFFFFE70];
	v14 =	vadd.f32 $-1.000000000e+00, v56;
	[tilespmem:s23+$0xFFFFFED0] =	vst v13  }
0x472: {  	vm15 =	vgt.f32 v10, $0.0e+00;
	v59 =	vld [tilespmem:s0+$0xFFFFFEF0]  }
0x473: {  	v10 =	vsel vm15, v10, v14;
	v60 =	vld [tilespmem:s24+$0xFFFFFEF0]  }
0x474: {  	[tilespmem:s23+$0xFFFFFF58] =	vst v10;
	v63 =	vld [tilespmem:s21+$0xFFFFFEF0]  }
0x475: {  	v18 =	vadd.f32 v53, v51;
	v62 =	vld [tilespmem:s0+$0xFFFFFF70]  }
0x476: {  	v13 =	vadd.f32 v58, v57;
	v24 =	vld [tilespmem:s24+$0xFFFFFF70]  }
0x477: {  	v18 =	vadd.f32 v55, v18  }
0x478: {  	v10 =	vadd.f32 v61, v13;
	v25 =	vld [tilespmem:s21+$0xFFFFFF70]  }
0x479: {  	v19 =	vmul.f32 $1.442695020e+00, v18;
	v14 =	vadd.f32 v60, v59  }
0x47a: {  	v26 =	vmul.f32 $1.442695020e+00, v10  }
0x47b: {  	(erf) = vpow2.f32 v19;
	v16 =	vadd.f32 v24, v62;
	v14 =	vadd.f32 v63, v14  }
0x47c: {  	(erf) = vpow2.f32 v26  }
0x47d: {  	v13 =	vadd.f32 v25, v16;
	v27 =	vmul.f32 $1.442695020e+00, v14;
	_ =	sdelay $0x1  }
0x47e: {  	v16 =	vmul.f32 $1.442695020e+00, v13;
	(erf) = vpow2.f32 v27;
	_ =	sdelay $0x1  }
0x47f: {  	(erf) = vpow2.f32 v16;
	_ =	sdelay $0x2  }
0x480: {  	v28 =	vpop (erf)  }
0x481: {  	v29 =	vpop (erf)  }
0x482: {  	v19 =	vadd.f32 $-1.000000000e+00, v29  }
0x483: {  	vm4 =	vgt.f32 v10, $0.0e+00  }
0x484: {  	v10 =	vsel vm4, v10, v19;
	v30 =	vpop (erf)  }
0x485: {  	[tilespmem:s23+$0xFFFFFE58] =	vst v10;
	v20 =	vadd.f32 $-1.000000000e+00, v30  }
0x486: {  	vm5 =	vgt.f32 v14, $0.0e+00;
	v32 =	vld [tilespmem:s0+$0xFFFFFE80];
	v33 =	vpop (erf)  }
0x487: {  	v34 =	vld [tilespmem:s24+$0xFFFFFE80];
	v19 =	vadd.f32 $-1.000000000e+00, v33;
	v31 =	vsel vm5, v14, v20  }
0x488: {  	vm6 =	vgt.f32 v13, $0.0e+00;
	v37 =	vld [tilespmem:s21+$0xFFFFFE80];
	[tilespmem:s23+$0xFFFFFEE0] =	vst v31  }
0x489: {  	v13 =	vsel vm6, v13, v19;
	v35 =	vld [tilespmem:s0+$0xFFFFFF00]  }
0x48a: {  	v36 =	vld [tilespmem:s24+$0xFFFFFF00];
	[tilespmem:s23+$0xFFFFFF68] =	vst v13  }
0x48b: {  	v13 =	vld [tilespmem:s0+$0xFFFFFF80]  }
0x48c: {  	v38 =	vld [tilespmem:s24+$0xFFFFFF80]  }
0x48d: {  	v39 =	vld [tilespmem:s21+$0xFFFFFF00]  }
0x48e: {  	v40 =	vld [tilespmem:s21+$0xFFFFFF80]  }
0x48f: {  	v10 =	vadd.f32 v34, v32  }
0x490: {  	v41 =	vadd.f32 v36, v35  }
0x491: {  	v10 =	vadd.f32 v37, v10;
	v13 =	vadd.f32 v38, v13  }
0x492: {  	v14 =	vadd.f32 v39, v41  }
0x493: {  	v19 =	vmul.f32 $1.442695020e+00, v10;
	v13 =	vadd.f32 v40, v13  }
0x494: {  	v42 =	vmul.f32 $1.442695020e+00, v14  }
0x495: {  	(erf) = vpow2.f32 v19;
	v43 =	vmul.f32 $1.442695020e+00, v13  }
0x496: {  	(erf) = vpow2.f32 v42  }
0x497: {  	v3 =	vadd.f32 $-1.000000000e+00, v3;
	(erf) = vpow2.f32 v43  }
0x498: {  	v4 =	vadd.f32 $-1.000000000e+00, v4  }
0x499: {  	v0 =	vsel vm0, v0, v3;
	v44 =	vadd.f32 $-1.000000000e+00, v6  }
0x49a: {  	[tilespmem:s14+$0xFFFFFE68] =	vst v0;
	vm7 =	vgt.f32 v2, $0.0e+00;
	v45 =	vsel vm1, v1, v4;
	v46 =	vadd.f32 $-1.000000000e+00, v7  }
0x49b: {  	vm8 =	vgt.f32 v5, $0.0e+00;
	[tilespmem:s14+$0xFFFFFEF0] =	vst v45;
	v47 =	vsel vm7, v2, v44;
	v48 =	vadd.f32 $-1.000000000e+00, v12  }
0x49c: {  	vm9 =	vgt.f32 v8, $0.0e+00;
	[tilespmem:s11+$0x0] =	vst v47;
	v49 =	vsel vm8, v5, v46;
	v50 =	vadd.f32 $-1.000000000e+00, v17  }
0x49d: {  	vm10 =	vgt.f32 v9, $0.0e+00;
	v51 =	vsel vm9, v8, v48;
	[tilespmem:s14+$0xFFFFFF78] =	vst v49;
	v52 =	vadd.f32 $-1.000000000e+00, v15  }
0x49e: {  	vm11 =	vgt.f32 v11, $0.0e+00;
	[tilespmem:s11+$0xFFFFFE68] =	vst v51;
	v53 =	vsel vm10, v9, v50;
	v54 =	vadd.f32 $-1.000000000e+00, v28;
	v55 =	vpop (erf)  }
0x49f: {  	vm12 =	vgt.f32 v18, $0.0e+00;
	[tilespmem:s11+$0xFFFFFEF0] =	vst v53;
	v56 =	vsel vm11, v11, v52;
	v3 =	vadd.f32 $-1.000000000e+00, v55;
	v57 =	vpop (erf)  }
0x4a0: {  	[tilespmem:s23+$0x0] =	vst v56;
	v58 =	vsel vm12, v18, v54;
	vm13 =	vgt.f32 v10, $0.0e+00;
	v59 =	vadd.f32 $-1.000000000e+00, v57;
	v60 =	vpop (erf)  }
0x4a1: {  	[tilespmem:s11+$0xFFFFFF78] =	vst v58;
	vm14 =	vgt.f32 v14, $0.0e+00;
	v61 =	vsel vm13, v10, v3;
	v2 =	vadd.f32 $-1.000000000e+00, v60  }
0x4a2: {  	s18 =	sadd.s32 $0x1, s18;
	vm15 =	vgt.f32 v13, $0.0e+00;
	[tilespmem:s23+$0xFFFFFE68] =	vst v61;
	v62 =	vsel vm14, v14, v59  }
0x4a3: {  	p0 =	sne.s32 s18, $0x7D;
	[tilespmem:s23+$0xFFFFFEF0] =	vst v62;
	v63 =	vsel vm15, v13, v2  }
.Ltmp2:
0x4a4: {  	[tilespmem:s23+$0xFFFFFF78] =	vst v63;
	(pc) =	sbr.rel @p0 .LBB2_2-.Ltmp2, $4  }
0x4a5: {  	_ =	swait.ge [sflag:s13], $0x28  }
0x4a6: {  	[sflag:s13] =	ssyncset.done $0x0  }
0x4a7: {  	s30 =	simm.s32 $0x8E30;
	[sflag:s13] =	ssyncadd.s32 $0xFFFFFFD8  }
0x4a8: {  	[spmem:s16] =	stream.indirect.scatter.add.f32 [tilespmem:s30], [sflag:$0x8], $0x88, s28, s25, $0xb8;
	[tilespmem:$0x1EF78] =	vst v63  }
0x4a9: {  	s0 =	simm.s32 $0x7  }
0x4aa: {  	_ =	swait.ge [sflag:s0], $0x1540  }
0x4ab: {  	[sflag:s0] =	ssyncset.done $0x0  }
0x4ac: {  	s26 =	simm.s32 $0x8;
	[sflag:s0] =	ssyncadd.s32 $0xFFFFEAC0  }
0x4ad: {  	_ =	swait.ge [sflag:s26], $0x1540  }
0x4ae: {  	[sflag:s26] =	ssyncset.done $0x0  }
0x4af: {  	[sflag:s26] =	ssyncadd.s32 $0xFFFFEAC0  }
0x4b0: {  	[bflag:$0x0] =	sbarrier.arrive $0xFFFF  }
0x4b1: {  	s29 =	rddreg [dreg:$0xb]  }
0x4b2: {  	s14 =	rddreg [dreg:$0xd]  }
0x4b3: {  	s11 =	simm.s32 $0x9;
	s4 =	rddreg [dreg:$0xe]  }
0x4b4: {  	[hbm:s29], [sflag:s14] =	dma.local [spmem:s4], $0x2981  }
0x4b5: {  	_ =	swait.ge [sflag:s11], $0x2981  }
0x4b6: {  	s2 =	rddreg [dreg:$0xf]  }
0x4b7: {  	s30 =	rddreg [dreg:$0xc];
	s2 =	sadd.s32 $0x1, s2  }
0x4b8: {  	p0 =	sne.s32 s2, s30  }
.Ltmp3:
0x4b9: {  	_ = 	snop;
	(pc) =	sbr.rel @p0 .LBB2_1-.Ltmp3, $3  }
0x4ba: {  	_ =	sdelay $0x1  }
0x4bb: {  	[sflag:s11] =	ssyncset.done $0x0  }
0x4bc: {  	[sflag:s11] =	ssyncadd.s32 $0xFFFFD67F  }
0x4bd: {  	_ =	sfence.sel $0x180000  }
0x4be: {  	[bflag:$0x0] =	sbarrier.arrive $0xFFFF  }
0x4bf: {  	_ =	strace $0x90000047  }
0x4c0: {  	s0 =	stileid.u32;
	[bflag:$0x2] =	sbarrier.arrive $0xFFFF  }
0x4c1: {  	p0 =	sne.s32 s0, $0x0;
	s0 =	rddreg [dreg:$0x3]  }
0x4c2: {  	s0 =	sadd.s32 @!p0 $0x100000, s0  }
0x4c3: {  	[sflag:s0] =	ssyncadd.tile.s32 @!p0 $0x1;
	_ =	shalt  }
.Lfunc_end2:
_tile_overlayer_lowered:
.L_overlay_start_2:
0x4c4: {  	(tag) =	ssettag $0x2  }
0x4c5: {  	s0 =	rddreg [dreg:$0x0];
	s2 =	stileid.u32  }
0x4c6: {  	s1 =	rddreg [dreg:$0x1];
	p0 =	sne.s32 s2, $0x0  }
0x4c7: {  	s3 =	rddreg [dreg:$0x2];
	[bflag:$0x3] =	sbarrier.arrive $0xFFFF;
	s2 =	simm.s32 @!p0 $0x1C09  }
0x4c8: {  	[timem:s3], [sflag:s2] =	dma.local @!p0 [hbm:s0], s1  }
0x4c9: {  	s0 =	simm.s32 @!p0 $0x9  }
0x4ca: {  	_ =	swait.ge @!p0 [sflag:s0], s1  }
0x4cb: {  	s1 =	ssub.s32 @!p0 $0x0, s1;
	[sflag:s0] =	ssyncset.done @!p0 $0x0  }
0x4cc: {  	[sflag:s0] =	ssyncadd.s32 @!p0 s1  }
0x4cd: {  	[bflag:$0x3] =	sbarrier.arrive $0xFFFF  }
0x4ce: {  	_ =	shalt  }

</sc_bundles>
